<compile_context>
chip_gen: v7x
topology: tpu7x:2x2x1
jax: 0.10.2.dev20260603
libtpu: 0.0.44.dev20260713+nightly
codegen_flags: <defaults>
</compile_context>

<pallas_src>
import functools

import jax
import jax.numpy as jnp
from jax import lax
from jax.experimental import pallas as pl
from jax.experimental.pallas import tpu as pltpu
from jax.experimental.pallas import tpu_sc as plsc

_N = 10000
_E = 320000
_D = 128
_H = 256
_HH = _H // 2
_NT = 16
_NP = 10240
_RPT = _NP // _NT
_K = 80
_KE = 112
_RB = 128
_RBS = 32
_KT = 64

_mesh = plsc.VectorSubcoreMesh(core_axis_name="c", subcore_axis_name="s")


def _fill_iota(idxbuf, base, n):
    @pl.loop(0, n // 16)
    def _(k):
        idxbuf[pl.ds(k * 16, 16)] = base + k * 16 + lax.iota(jnp.int32, 16)


@functools.partial(
    pl.kernel,
    out_type=jax.ShapeDtypeStruct((2 * _NP, 16), jnp.float32),
    mesh=_mesh,
    scratch_types=[
        pltpu.VMEM((_K,), jnp.int32),
        pltpu.VMEM((_K, 16), jnp.float32),
        pltpu.VMEM((_RB, 16), jnp.float32),
        pltpu.VMEM((_RB,), jnp.int32),
        pltpu.VMEM_SHARED((_NP, 16), jnp.float32),
        pltpu.SemaphoreType.DMA,
    ],
)
def _deg_kernel(dst_ref, out_ref, didx, ones_buf, zbuf, idxbuf, deg_sh, sem):
    c = lax.axis_index("c")
    s = lax.axis_index("s")

    @pl.loop(0, _K)
    def _(i):
        ones_buf[i, :] = jnp.ones((16,), jnp.float32)

    @pl.loop(0, _RB)
    def _(i):
        zbuf[i, :] = jnp.zeros((16,), jnp.float32)

    @pl.loop(0, _RPT // _RB)
    def _(j):
        base = s * _RPT + j * _RB
        _fill_iota(idxbuf, base, _RB)
        pltpu.sync_copy(zbuf, deg_sh.at[idxbuf])

    plsc.subcore_barrier()

    ept = _E // 32
    base_e = (c * _NT + s) * ept

    @pl.loop(0, ept // _K)
    def _(i):
        pltpu.sync_copy(dst_ref.at[pl.ds(base_e + i * _K, _K)], didx)
        pltpu.sync_copy(ones_buf, deg_sh.at[didx], add=True)

    plsc.subcore_barrier()

    @pl.loop(0, _RPT // _RB)
    def _(j):
        base = s * _RPT + j * _RB
        _fill_iota(idxbuf, base, _RB)
        pltpu.async_copy(deg_sh.at[idxbuf], zbuf, sem).wait()
        pltpu.sync_copy(zbuf, out_ref.at[pl.ds(c * _NP + base, _RB)])


@functools.partial(
    pl.kernel,
    out_type=jax.ShapeDtypeStruct((2 * _NP, _HH), jnp.float32),
    mesh=_mesh,
    scratch_types=[
        pltpu.VMEM((_KE,), jnp.int32),
        pltpu.VMEM((_KE,), jnp.int32),
        pltpu.VMEM((_KE,), jnp.int32),
        pltpu.VMEM((_KE,), jnp.int32),
        pltpu.VMEM((_KE, _HH), jnp.float32),
        pltpu.VMEM((_KE, _HH), jnp.float32),
        pltpu.VMEM((_KT,), jnp.int32),
        pltpu.VMEM((_KT,), jnp.int32),
        pltpu.VMEM((_KT, _HH), jnp.float32),
        pltpu.VMEM((_RBS, _HH), jnp.float32),
        pltpu.VMEM((_RBS, _HH), jnp.float32),
        pltpu.VMEM((_RBS,), jnp.int32),
        pltpu.VMEM((_RBS,), jnp.int32),
        pltpu.VMEM_SHARED((_NP, _HH), jnp.float32),
        pltpu.SemaphoreType.DMA,
        pltpu.SemaphoreType.DMA,
    ],
)
def _seg_kernel(ht_ref, src_ref, dst_ref, out_ref, sidx0, sidx1, didx0, didx1,
                rows0, rows1, sidxT, didxT, rowsT, bounce0, bounce1, idxbuf0,
                idxbuf1, acc_sh, gsem0, gsem1):
    c = lax.axis_index("c")
    s = lax.axis_index("s")
    ept = _E // _NT
    nfull = ept // _KE
    tail = ept - nfull * _KE
    off = c * _NP

    nin = _RPT // _RBS

    def _hstart(j, bounce, hsem):
        base = s * _RPT + j * _RBS
        return pltpu.async_copy(ht_ref.at[pl.ds(off + base, _RBS)], bounce,
                                hsem)

    def _hfinish(j, bounce, idxbuf, hsem):
        base = s * _RPT + j * _RBS
        pltpu.make_async_copy(ht_ref.at[pl.ds(off + base, _RBS)], bounce,
                              hsem).wait()
        _fill_iota(idxbuf, base, _RBS)
        pltpu.sync_copy(bounce, acc_sh.at[idxbuf])

    _hstart(0, bounce0, gsem0)

    @pl.loop(0, nin // 2)
    def _(j):
        c0 = 2 * j
        _hstart(c0 + 1, bounce1, gsem1)
        _hfinish(c0, bounce0, idxbuf0, gsem0)

        @pl.when(j < nin // 2 - 1)
        def _():
            _hstart(c0 + 2, bounce0, gsem0)

        _hfinish(c0 + 1, bounce1, idxbuf1, gsem1)

    plsc.subcore_barrier()

    def _start_gather(base, n, sidx, didx, rows, gsem):
        pltpu.sync_copy(src_ref.at[pl.ds(base, n)], sidx)
        pltpu.sync_copy(dst_ref.at[pl.ds(base, n)], didx)

        @pl.loop(0, n // 16)
        def _(j):
            sidx[pl.ds(j * 16, 16)] = sidx[pl.ds(j * 16, 16)] + off

        return pltpu.async_copy(ht_ref.at[sidx], rows, gsem)

    def _finish(sidx, didx, rows, gsem):
        pltpu.make_async_copy(ht_ref.at[sidx], rows, gsem).wait()
        pltpu.sync_copy(rows, acc_sh.at[didx], add=True)

    e0 = s * ept
    _start_gather(e0, _KE, sidx0, didx0, rows0, gsem0)

    @pl.loop(0, nfull // 2)
    def _(j):
        c0 = 2 * j
        _start_gather(e0 + (c0 + 1) * _KE, _KE, sidx1, didx1, rows1, gsem1)
        _finish(sidx0, didx0, rows0, gsem0)

        @pl.when(j < nfull // 2 - 1)
        def _():
            _start_gather(e0 + (c0 + 2) * _KE, _KE, sidx0, didx0, rows0,
                          gsem0)

        _finish(sidx1, didx1, rows1, gsem1)

    _start_gather(e0 + nfull * _KE, tail, sidxT, didxT, rowsT, gsem0)
    _finish(sidxT, didxT, rowsT, gsem0)

    plsc.subcore_barrier()

    def _gstart(j, bounce, idxbuf, gsem):
        base = s * _RPT + j * _RBS
        _fill_iota(idxbuf, base, _RBS)
        return pltpu.async_copy(acc_sh.at[idxbuf], bounce, gsem)

    def _gfinish(j, bounce, idxbuf, gsem):
        base = s * _RPT + j * _RBS
        pltpu.make_async_copy(acc_sh.at[idxbuf], bounce, gsem).wait()
        pltpu.sync_copy(bounce, out_ref.at[pl.ds(off + base, _RBS)])

    _gstart(0, bounce0, idxbuf0, gsem0)

    @pl.loop(0, nin // 2)
    def _(j):
        c0 = 2 * j
        _gstart(c0 + 1, bounce1, idxbuf1, gsem1)
        _gfinish(c0, bounce0, idxbuf0, gsem0)

        @pl.when(j < nin // 2 - 1)
        def _():
            _gstart(c0 + 2, bounce0, idxbuf0, gsem0)

        _gfinish(c0 + 1, bounce1, idxbuf1, gsem1)


def _tc1_body(deg_ref, x_ref, w_ref, b_ref, ht_ref, dis_ref):
    deg = 1.0 + deg_ref[0:_N, 0:1] + deg_ref[_NP:_NP + _N, 0:1]
    dis = lax.rsqrt(deg)
    dis_ref[...] = dis
    h = jnp.dot(x_ref[...], w_ref[...], preferred_element_type=jnp.float32)
    ht = (h + b_ref[...]) * dis
    ht_ref[0:_N, :] = ht[:, 0:_HH]
    ht_ref[_NP:_NP + _N, :] = ht[:, _HH:_H]


def _tc2_body(acc_ref, dis_ref, g_ref, be_ref, w_ref, b_ref, ht_ref):
    dis = dis_ref[...]
    agg = jnp.concatenate([acc_ref[0:_N, :], acc_ref[_NP:_NP + _N, :]],
                          axis=1) * dis
    mu = jnp.mean(agg, axis=0, keepdims=True)
    var = jnp.mean((agg - mu) * (agg - mu), axis=0, keepdims=True)
    xn = jnp.maximum(
        g_ref[...] * (agg - mu) * lax.rsqrt(var + 1e-5) + be_ref[...], 0.0)
    h = jnp.dot(xn, w_ref[...], preferred_element_type=jnp.float32)
    ht = (h + b_ref[...]) * dis
    ht_ref[0:_N, :] = ht[:, 0:_HH]
    ht_ref[_NP:_NP + _N, :] = ht[:, _HH:_H]


def _tc3_body(acc_ref, dis_ref, g_ref, be_ref, out_ref):
    agg = jnp.concatenate([acc_ref[0:_N, :], acc_ref[_NP:_NP + _N, :]],
                          axis=1) * dis_ref[...]
    mu = jnp.mean(agg, axis=0, keepdims=True)
    var = jnp.mean((agg - mu) * (agg - mu), axis=0, keepdims=True)
    out_ref[...] = jnp.maximum(
        g_ref[...] * (agg - mu) * lax.rsqrt(var + 1e-5) + be_ref[...], 0.0)


_tc1 = pl.pallas_call(
    _tc1_body,
    out_shape=(jax.ShapeDtypeStruct((2 * _NP, _HH), jnp.float32),
               jax.ShapeDtypeStruct((_N, 1), jnp.float32)))

_tc2 = pl.pallas_call(
    _tc2_body,
    out_shape=jax.ShapeDtypeStruct((2 * _NP, _HH), jnp.float32))

_tc3 = pl.pallas_call(
    _tc3_body,
    out_shape=jax.ShapeDtypeStruct((_N, _H), jnp.float32))


def kernel(node_feat, edge_index, W0, b0, g0, be0, W1, b1, g1, be1):
    src = edge_index[0]
    dst = edge_index[1]
    deg2 = _deg_kernel(dst)
    ht0, dis = _tc1(deg2, node_feat, W0, b0.reshape(1, _H))
    acc0 = _seg_kernel(ht0, src, dst)
    ht1 = _tc2(acc0, dis, g0.reshape(1, _H), be0.reshape(1, _H), W1,
               b1.reshape(1, _H))
    acc1 = _seg_kernel(ht1, src, dst)
    return _tc3(acc1, dis, g1.reshape(1, _H), be1.reshape(1, _H))

# --- scband reference (transcript-rebuilt; emitter-appended) ---
"""Pipeline reference for scband-gcn-38311108280745 (READ-ONLY COPY).

The authoritative reference and input builder live on the scoring server;
editing this copy changes nothing except your own understanding.
"""

import jax, jax.numpy as jnp
import numpy as np

N = 10000
E = 320000
D_IN = 128
H0 = 256
H1 = 256


def setup_inputs(seed: int = 0) -> dict:
    key = jax.random.key(seed)
    ks = jax.random.split(key, 12)
    node_feat = jax.random.normal(ks[0], (N, D_IN), dtype=jnp.float32)
    edge_index = jax.random.randint(ks[1], (2, E), 0, N, dtype=jnp.int32)
    W0 = jax.random.normal(ks[2], (D_IN, H0), dtype=jnp.float32) * (1.0 / np.sqrt(D_IN))
    b0 = jnp.zeros((H0,), dtype=jnp.float32)
    g0 = jnp.ones((H0,), dtype=jnp.float32)
    be0 = jnp.zeros((H0,), dtype=jnp.float32)
    W1 = jax.random.normal(ks[3], (H0, H1), dtype=jnp.float32) * (1.0 / np.sqrt(H0))
    b1 = jnp.zeros((H1,), dtype=jnp.float32)
    g1 = jnp.ones((H1,), dtype=jnp.float32)
    be1 = jnp.zeros((H1,), dtype=jnp.float32)
    return {"node_feat": node_feat, "edge_index": edge_index,
            "W0": W0, "b0": b0, "g0": g0, "be0": be0,
            "W1": W1, "b1": b1, "g1": g1, "be1": be1}


def _gcn_layer(x, src, dst, W, b, gamma, beta, n):
    # add self loops
    loop = jnp.arange(n, dtype=src.dtype)
    s = jnp.concatenate([src, loop])
    d = jnp.concatenate([dst, loop])
    # symmetric normalization D^-1/2 A D^-1/2 (degree on dst of augmented graph)
    deg = jax.ops.segment_sum(jnp.ones_like(d, dtype=x.dtype), d, num_segments=n)
    dis = jnp.where(deg > 0, jax.lax.rsqrt(jnp.maximum(deg, 1e-12)), 0.0)
    norm = dis[s] * dis[d]
    # linear transform (dropout inactive in eval: training=None)
    h = x @ W + b
    # gather messages from src, scale, scatter-add to dst
    msg = jnp.take(h, s, axis=0) * norm[:, None]
    agg = jax.ops.segment_sum(msg, d, num_segments=n)
    # batch norm over node dimension
    mu = jnp.mean(agg, axis=0)
    var = jnp.var(agg, axis=0)
    out = gamma * (agg - mu) * jax.lax.rsqrt(var + 1e-5) + beta
    return jax.nn.relu(out)


def reference(node_feat, edge_index, W0, b0, g0, be0, W1, b1, g1, be1):
    x = node_feat.astype(jnp.float32)
    src = edge_index[0]
    dst = edge_index[1]
    x = _gcn_layer(x, src, dst, W0, b0, g0, be0, N)
    x = _gcn_layer(x, src, dst, W1, b1, g1, be1, N)
    return x

if __name__ == "__main__":
    import jax
    _d = setup_inputs()
    print(jax.jit(kernel)(*tuple(_d.values())))

</pallas_src>

<mosaic_0001>
#map = affine_map<(d0, d1) -> (0, 0)>
#map1 = affine_map<(d0, d1) -> (0)>
module attributes {stable_mosaic.version = 14 : i64} {
  func.func @_seg_kernel(%arg0: i32, %arg1: i32, %arg2: memref<20480x128xf32, #tpu.memory_space<hbm>>, %arg3: memref<320000xi32, #tpu.memory_space<hbm>>, %arg4: memref<320000xi32, #tpu.memory_space<hbm>>, %arg5: memref<20480x128xf32, #tpu.memory_space<hbm>>, %arg6: memref<112xi32, #tpu.memory_space<vmem>>, %arg7: memref<112xi32, #tpu.memory_space<vmem>>, %arg8: memref<112xi32, #tpu.memory_space<vmem>>, %arg9: memref<112xi32, #tpu.memory_space<vmem>>, %arg10: memref<112x128xf32, #tpu.memory_space<vmem>>, %arg11: memref<112x128xf32, #tpu.memory_space<vmem>>, %arg12: memref<64xi32, #tpu.memory_space<vmem>>, %arg13: memref<64xi32, #tpu.memory_space<vmem>>, %arg14: memref<64x128xf32, #tpu.memory_space<vmem>>, %arg15: memref<32x128xf32, #tpu.memory_space<vmem>>, %arg16: memref<32x128xf32, #tpu.memory_space<vmem>>, %arg17: memref<32xi32, #tpu.memory_space<vmem>>, %arg18: memref<32xi32, #tpu.memory_space<vmem>>, %arg19: memref<10240x128xf32, #tpu.memory_space<vmem_shared>>, %arg20: memref<!tpu.dma_semaphore, #tpu.memory_space<semaphore_mem>>, %arg21: memref<!tpu.dma_semaphore, #tpu.memory_space<semaphore_mem>>) attributes {dimension_semantics = [#tpu.dimension_semantics<core_parallel>, #tpu.dimension_semantics<subcore_parallel>], iteration_bounds = array<i64: 2, 16>, scalar_prefetch = 0 : i64, scratch_operands = 16 : i64, tpu.core_type = #tpu.core_type<sc_vector_subcore>, window_params = [{transform_indices = #map}, {transform_indices = #map1}, {transform_indices = #map1}, {transform_indices = #map}]} {
    %mul3A = arith.constant 10240 : i32
    %mul3A_0 = arith.muli %arg0, %mul3A : i32
    %mul3A_1 = arith.constant 640 : i32
    %mul3A_2 = arith.muli %arg1, %mul3A_1 : i32
    %add3A = arith.constant 0 : i32
    %add3A_3 = arith.addi %mul3A_2, %add3A : i32
    %add3A_4 = arith.addi %mul3A_0, %add3A_3 : i32
    %dma_start3A = arith.constant 0 : i32
    %dma_start3A_5 = tpu.memref_slice %arg2[%add3A_4, %dma_start3A] : memref<20480x128xf32, #tpu.memory_space<hbm>> -> memref<32x128xf32, #tpu.memory_space<hbm>>
    %dma_start3A_6 = arith.constant 0 : i32
    %dma_start3A_7 = tpu.memref_slice %arg2[%add3A_4, %dma_start3A_6] : memref<20480x128xf32, #tpu.memory_space<hbm>> -> memref<32x128xf32, #tpu.memory_space<hbm>>
    tpu.enqueue_dma source(%dma_start3A_7 : memref<32x128xf32, #tpu.memory_space<hbm>>) target(%arg15 : memref<32x128xf32, #tpu.memory_space<vmem>>) target_semaphore(%arg20 : memref<!tpu.dma_semaphore, #tpu.memory_space<semaphore_mem>>)
    %scan3A = arith.constant 0 : i32
    %scan3A_8 = arith.constant 10 : i32
    %scan3A_9 = arith.addi %scan3A, %scan3A_8 : i32
    %scan3A_10 = arith.constant 1 : i32
    scf.for %scan3A_57 = %scan3A to %scan3A_9 step %scan3A_10  : i32 {
      %mul3A_58 = arith.constant 1 : i32
      %mul3A_59 = arith.muli %scan3A_57, %mul3A_58 : i32
      %add3A_60 = arith.constant 0 : i32
      %add3A_61 = arith.addi %add3A_60, %mul3A_59 : i32
      %mul3A_62 = arith.constant 2 : i32
      %mul3A_63 = arith.muli %mul3A_62, %add3A_61 : i32
      %add3A_64 = arith.constant 1 : i32
      %add3A_65 = arith.addi %mul3A_63, %add3A_64 : i32
      %mul3A_66 = arith.constant 640 : i32
      %mul3A_67 = arith.muli %arg1, %mul3A_66 : i32
      %mul3A_68 = arith.constant 32 : i32
      %mul3A_69 = arith.muli %add3A_65, %mul3A_68 : i32
      %add3A_70 = arith.addi %mul3A_67, %mul3A_69 : i32
      %add3A_71 = arith.addi %mul3A_0, %add3A_70 : i32
      %dma_start3A_72 = arith.constant 0 : i32
      %dma_start3A_73 = tpu.memref_slice %arg2[%add3A_71, %dma_start3A_72] : memref<20480x128xf32, #tpu.memory_space<hbm>> -> memref<32x128xf32, #tpu.memory_space<hbm>>
      %dma_start3A_74 = arith.constant 0 : i32
      %dma_start3A_75 = tpu.memref_slice %arg2[%add3A_71, %dma_start3A_74] : memref<20480x128xf32, #tpu.memory_space<hbm>> -> memref<32x128xf32, #tpu.memory_space<hbm>>
      tpu.enqueue_dma source(%dma_start3A_75 : memref<32x128xf32, #tpu.memory_space<hbm>>) target(%arg16 : memref<32x128xf32, #tpu.memory_space<vmem>>) target_semaphore(%arg21 : memref<!tpu.dma_semaphore, #tpu.memory_space<semaphore_mem>>)
      %mul3A_76 = arith.constant 640 : i32
      %mul3A_77 = arith.muli %arg1, %mul3A_76 : i32
      %mul3A_78 = arith.constant 32 : i32
      %mul3A_79 = arith.muli %mul3A_63, %mul3A_78 : i32
      %add3A_80 = arith.addi %mul3A_77, %mul3A_79 : i32
      %add3A_81 = arith.addi %mul3A_0, %add3A_80 : i32
      %dma_wait3A_82 = arith.constant 0 : i32
      %dma_wait3A_83 = tpu.memref_slice %arg2[%add3A_81, %dma_wait3A_82] : memref<20480x128xf32, #tpu.memory_space<hbm>> -> memref<32x128xf32, #tpu.memory_space<hbm>>
      %dma_wait3A_84 = arith.constant 0 : i32
      %dma_wait3A_85 = tpu.memref_slice %arg2[%add3A_81, %dma_wait3A_84] : memref<20480x128xf32, #tpu.memory_space<hbm>> -> memref<32x128xf32, #tpu.memory_space<hbm>>
      tpu.wait_dma2 semaphore(%arg20 : memref<!tpu.dma_semaphore, #tpu.memory_space<semaphore_mem>>) src(%dma_wait3A_85 : memref<32x128xf32, #tpu.memory_space<hbm>>) dst(%arg15 : memref<32x128xf32, #tpu.memory_space<vmem>>)
      %scan3A_86 = arith.constant 0 : i32
      %scan3A_87 = arith.constant 2 : i32
      %scan3A_88 = arith.addi %scan3A_86, %scan3A_87 : i32
      %scan3A_89 = arith.constant 1 : i32
      scf.for %scan3A_110 = %scan3A_86 to %scan3A_88 step %scan3A_89  : i32 {
        %mul3A_111 = arith.constant 1 : i32
        %mul3A_112 = arith.muli %scan3A_110, %mul3A_111 : i32
        %add3A_113 = arith.constant 0 : i32
        %add3A_114 = arith.addi %add3A_113, %mul3A_112 : i32
        %mul3A_115 = arith.constant 16 : i32
        %mul3A_116 = arith.muli %add3A_114, %mul3A_115 : i32
        %add3A_117 = arith.addi %add3A_80, %mul3A_116 : i32
        %iota3A = tpu.iota {dimensions = array<i32: 0>} : vector<16xi32>
        %add3A_118 = vector.broadcast %add3A_117 : i32 to vector<16xi32>
        %add3A_119 = arith.addi %add3A_118, %iota3A : vector<16xi32>
        %mul3A_120 = arith.constant 16 : i32
        %mul3A_121 = arith.muli %add3A_114, %mul3A_120 : i32
        %swap3A = arith.index_cast %mul3A_121 : i32 to index
        %swap3A_122 = tpu.vector_load %arg17[%swap3A] {strides = array<i32>} : memref<32xi32, #tpu.memory_space<vmem>>, vector<16xi32>,
        %swap3A_123 = vector.shape_cast %swap3A_122 : vector<16xi32> to vector<16xi32>
        %swap3A_124 = vector.shape_cast %add3A_119 : vector<16xi32> to vector<16xi32>
        tpu.vector_store %arg17[%swap3A], %swap3A_124 {strides = array<i32>} : memref<32xi32, #tpu.memory_space<vmem>>, vector<16xi32>,
      }
      %scan3A_90 = arith.constant 2 : i32
      "tpu.region"() ({
        %run_scoped3A = tpu.sem_alloc : memref<!tpu.dma_semaphore, #tpu.memory_space<semaphore_mem>>
        %dma_start3A_110 = arith.constant 0 : i32
        %dma_start3A_111 = arith.constant 0 : i32
        %dma_start3A_112 = tpu.memref_slice %arg19[%dma_start3A_110, %dma_start3A_111] : memref<10240x128xf32, #tpu.memory_space<vmem_shared>> -> memref<10240x128xf32, #tpu.memory_space<vmem_shared>>
        tpu.enqueue_indirect_dma source(%arg15 : memref<32x128xf32, #tpu.memory_space<vmem>>) target(%dma_start3A_112 : memref<10240x128xf32, #tpu.memory_space<vmem_shared>>) offsets(%arg17 : memref<32xi32, #tpu.memory_space<vmem>>) semaphore(%run_scoped3A : memref<!tpu.dma_semaphore, #tpu.memory_space<semaphore_mem>>)
        %dma_wait3A_113 = arith.constant 0 : i32
        %dma_wait3A_114 = arith.constant 0 : i32
        %dma_wait3A_115 = tpu.memref_slice %arg19[%dma_wait3A_113, %dma_wait3A_114] : memref<10240x128xf32, #tpu.memory_space<vmem_shared>> -> memref<10240x128xf32, #tpu.memory_space<vmem_shared>>
        tpu.wait_indirect_dma semaphore(%run_scoped3A : memref<!tpu.dma_semaphore, #tpu.memory_space<semaphore_mem>>) src(%arg15 : memref<32x128xf32, #tpu.memory_space<vmem>>) dst(%dma_wait3A_115 : memref<10240x128xf32, #tpu.memory_space<vmem_shared>>)
        tpu.yield
      }) : () -> ()
      %lt3A = arith.constant 9 : i32
      %lt3A_91 = arith.cmpi slt, %add3A_61, %lt3A : i32
      %convert_element_type3A = arith.extui %lt3A_91 : i1 to i32
      %cond3A = arith.constant 0 : i32
      %cond3A_92 = arith.cmpi ne, %convert_element_type3A, %cond3A : i32
      scf.if %cond3A_92 {
        %add3A_110 = arith.constant 2 : i32
        %add3A_111 = arith.addi %mul3A_63, %add3A_110 : i32
        %mul3A_112 = arith.constant 640 : i32
        %mul3A_113 = arith.muli %arg1, %mul3A_112 : i32
        %mul3A_114 = arith.constant 32 : i32
        %mul3A_115 = arith.muli %add3A_111, %mul3A_114 : i32
        %add3A_116 = arith.addi %mul3A_113, %mul3A_115 : i32
        %add3A_117 = arith.addi %mul3A_0, %add3A_116 : i32
        %dma_start3A_118 = arith.constant 0 : i32
        %dma_start3A_119 = tpu.memref_slice %arg2[%add3A_117, %dma_start3A_118] : memref<20480x128xf32, #tpu.memory_space<hbm>> -> memref<32x128xf32, #tpu.memory_space<hbm>>
        %dma_start3A_120 = arith.constant 0 : i32
        %dma_start3A_121 = tpu.memref_slice %arg2[%add3A_117, %dma_start3A_120] : memref<20480x128xf32, #tpu.memory_space<hbm>> -> memref<32x128xf32, #tpu.memory_space<hbm>>
        tpu.enqueue_dma source(%dma_start3A_121 : memref<32x128xf32, #tpu.memory_space<hbm>>) target(%arg15 : memref<32x128xf32, #tpu.memory_space<vmem>>) target_semaphore(%arg20 : memref<!tpu.dma_semaphore, #tpu.memory_space<semaphore_mem>>)
      } else {
      }
      %add3A_93 = arith.constant 1 : i32
      %add3A_94 = arith.addi %mul3A_63, %add3A_93 : i32
      %mul3A_95 = arith.constant 640 : i32
      %mul3A_96 = arith.muli %arg1, %mul3A_95 : i32
      %mul3A_97 = arith.constant 32 : i32
      %mul3A_98 = arith.muli %add3A_94, %mul3A_97 : i32
      %add3A_99 = arith.addi %mul3A_96, %mul3A_98 : i32
      %add3A_100 = arith.addi %mul3A_0, %add3A_99 : i32
      %dma_wait3A_101 = arith.constant 0 : i32
      %dma_wait3A_102 = tpu.memref_slice %arg2[%add3A_100, %dma_wait3A_101] : memref<20480x128xf32, #tpu.memory_space<hbm>> -> memref<32x128xf32, #tpu.memory_space<hbm>>
      %dma_wait3A_103 = arith.constant 0 : i32
      %dma_wait3A_104 = tpu.memref_slice %arg2[%add3A_100, %dma_wait3A_103] : memref<20480x128xf32, #tpu.memory_space<hbm>> -> memref<32x128xf32, #tpu.memory_space<hbm>>
      tpu.wait_dma2 semaphore(%arg21 : memref<!tpu.dma_semaphore, #tpu.memory_space<semaphore_mem>>) src(%dma_wait3A_104 : memref<32x128xf32, #tpu.memory_space<hbm>>) dst(%arg16 : memref<32x128xf32, #tpu.memory_space<vmem>>)
      %scan3A_105 = arith.constant 0 : i32
      %scan3A_106 = arith.constant 2 : i32
      %scan3A_107 = arith.addi %scan3A_105, %scan3A_106 : i32
      %scan3A_108 = arith.constant 1 : i32
      scf.for %scan3A_110 = %scan3A_105 to %scan3A_107 step %scan3A_108  : i32 {
        %mul3A_111 = arith.constant 1 : i32
        %mul3A_112 = arith.muli %scan3A_110, %mul3A_111 : i32
        %add3A_113 = arith.constant 0 : i32
        %add3A_114 = arith.addi %add3A_113, %mul3A_112 : i32
        %mul3A_115 = arith.constant 16 : i32
        %mul3A_116 = arith.muli %add3A_114, %mul3A_115 : i32
        %add3A_117 = arith.addi %add3A_99, %mul3A_116 : i32
        %iota3A = tpu.iota {dimensions = array<i32: 0>} : vector<16xi32>
        %add3A_118 = vector.broadcast %add3A_117 : i32 to vector<16xi32>
        %add3A_119 = arith.addi %add3A_118, %iota3A : vector<16xi32>
        %mul3A_120 = arith.constant 16 : i32
        %mul3A_121 = arith.muli %add3A_114, %mul3A_120 : i32
        %swap3A = arith.index_cast %mul3A_121 : i32 to index
        %swap3A_122 = tpu.vector_load %arg18[%swap3A] {strides = array<i32>} : memref<32xi32, #tpu.memory_space<vmem>>, vector<16xi32>,
        %swap3A_123 = vector.shape_cast %swap3A_122 : vector<16xi32> to vector<16xi32>
        %swap3A_124 = vector.shape_cast %add3A_119 : vector<16xi32> to vector<16xi32>
        tpu.vector_store %arg18[%swap3A], %swap3A_124 {strides = array<i32>} : memref<32xi32, #tpu.memory_space<vmem>>, vector<16xi32>,
      }
      %scan3A_109 = arith.constant 2 : i32
      "tpu.region"() ({
        %run_scoped3A = tpu.sem_alloc : memref<!tpu.dma_semaphore, #tpu.memory_space<semaphore_mem>>
        %dma_start3A_110 = arith.constant 0 : i32
        %dma_start3A_111 = arith.constant 0 : i32
        %dma_start3A_112 = tpu.memref_slice %arg19[%dma_start3A_110, %dma_start3A_111] : memref<10240x128xf32, #tpu.memory_space<vmem_shared>> -> memref<10240x128xf32, #tpu.memory_space<vmem_shared>>
        tpu.enqueue_indirect_dma source(%arg16 : memref<32x128xf32, #tpu.memory_space<vmem>>) target(%dma_start3A_112 : memref<10240x128xf32, #tpu.memory_space<vmem_shared>>) offsets(%arg18 : memref<32xi32, #tpu.memory_space<vmem>>) semaphore(%run_scoped3A : memref<!tpu.dma_semaphore, #tpu.memory_space<semaphore_mem>>)
        %dma_wait3A_113 = arith.constant 0 : i32
        %dma_wait3A_114 = arith.constant 0 : i32
        %dma_wait3A_115 = tpu.memref_slice %arg19[%dma_wait3A_113, %dma_wait3A_114] : memref<10240x128xf32, #tpu.memory_space<vmem_shared>> -> memref<10240x128xf32, #tpu.memory_space<vmem_shared>>
        tpu.wait_indirect_dma semaphore(%run_scoped3A : memref<!tpu.dma_semaphore, #tpu.memory_space<semaphore_mem>>) src(%arg16 : memref<32x128xf32, #tpu.memory_space<vmem>>) dst(%dma_wait3A_115 : memref<10240x128xf32, #tpu.memory_space<vmem_shared>>)
        tpu.yield
      }) : () -> ()
    }
    %scan3A_11 = arith.constant 10 : i32
    %barrier3A = arith.constant 0 : index
    tpu.barrier barrier_id(%barrier3A)
    %mul3A_12 = arith.constant 20000 : i32
    %mul3A_13 = arith.muli %arg1, %mul3A_12 : i32
    "tpu.region"() ({
      %run_scoped3A = tpu.sem_alloc : memref<!tpu.dma_semaphore, #tpu.memory_space<semaphore_mem>>
      %dma_start3A_57 = tpu.memref_slice %arg3[%mul3A_13] : memref<320000xi32, #tpu.memory_space<hbm>> -> memref<112xi32, #tpu.memory_space<hbm>>
      %dma_start3A_58 = tpu.memref_slice %arg3[%mul3A_13] : memref<320000xi32, #tpu.memory_space<hbm>> -> memref<112xi32, #tpu.memory_space<hbm>>
      tpu.enqueue_dma source(%dma_start3A_58 : memref<112xi32, #tpu.memory_space<hbm>>) target(%arg6 : memref<112xi32, #tpu.memory_space<vmem>>) target_semaphore(%run_scoped3A : memref<!tpu.dma_semaphore, #tpu.memory_space<semaphore_mem>>)
      %dma_wait3A_59 = tpu.memref_slice %arg3[%mul3A_13] : memref<320000xi32, #tpu.memory_space<hbm>> -> memref<112xi32, #tpu.memory_space<hbm>>
      %dma_wait3A_60 = tpu.memref_slice %arg3[%mul3A_13] : memref<320000xi32, #tpu.memory_space<hbm>> -> memref<112xi32, #tpu.memory_space<hbm>>
      tpu.wait_dma2 semaphore(%run_scoped3A : memref<!tpu.dma_semaphore, #tpu.memory_space<semaphore_mem>>) src(%dma_wait3A_60 : memref<112xi32, #tpu.memory_space<hbm>>) dst(%arg6 : memref<112xi32, #tpu.memory_space<vmem>>)
      tpu.yield
    }) : () -> ()
    "tpu.region"() ({
      %run_scoped3A = tpu.sem_alloc : memref<!tpu.dma_semaphore, #tpu.memory_space<semaphore_mem>>
      %dma_start3A_57 = tpu.memref_slice %arg4[%mul3A_13] : memref<320000xi32, #tpu.memory_space<hbm>> -> memref<112xi32, #tpu.memory_space<hbm>>
      %dma_start3A_58 = tpu.memref_slice %arg4[%mul3A_13] : memref<320000xi32, #tpu.memory_space<hbm>> -> memref<112xi32, #tpu.memory_space<hbm>>
      tpu.enqueue_dma source(%dma_start3A_58 : memref<112xi32, #tpu.memory_space<hbm>>) target(%arg8 : memref<112xi32, #tpu.memory_space<vmem>>) target_semaphore(%run_scoped3A : memref<!tpu.dma_semaphore, #tpu.memory_space<semaphore_mem>>)
      %dma_wait3A_59 = tpu.memref_slice %arg4[%mul3A_13] : memref<320000xi32, #tpu.memory_space<hbm>> -> memref<112xi32, #tpu.memory_space<hbm>>
      %dma_wait3A_60 = tpu.memref_slice %arg4[%mul3A_13] : memref<320000xi32, #tpu.memory_space<hbm>> -> memref<112xi32, #tpu.memory_space<hbm>>
      tpu.wait_dma2 semaphore(%run_scoped3A : memref<!tpu.dma_semaphore, #tpu.memory_space<semaphore_mem>>) src(%dma_wait3A_60 : memref<112xi32, #tpu.memory_space<hbm>>) dst(%arg8 : memref<112xi32, #tpu.memory_space<vmem>>)
      tpu.yield
    }) : () -> ()
    %scan3A_14 = arith.constant 0 : i32
    %scan3A_15 = arith.constant 7 : i32
    %scan3A_16 = arith.addi %scan3A_14, %scan3A_15 : i32
    %scan3A_17 = arith.constant 1 : i32
    scf.for %scan3A_57 = %scan3A_14 to %scan3A_16 step %scan3A_17  : i32 {
      %mul3A_58 = arith.constant 1 : i32
      %mul3A_59 = arith.muli %scan3A_57, %mul3A_58 : i32
      %add3A_60 = arith.constant 0 : i32
      %add3A_61 = arith.addi %add3A_60, %mul3A_59 : i32
      %mul3A_62 = arith.constant 16 : i32
      %mul3A_63 = arith.muli %add3A_61, %mul3A_62 : i32
      %get3A = arith.index_cast %mul3A_63 : i32 to index
      %get3A_64 = tpu.vector_load %arg6[%get3A] {strides = array<i32>} : memref<112xi32, #tpu.memory_space<vmem>>, vector<16xi32>,
      %get3A_65 = vector.shape_cast %get3A_64 : vector<16xi32> to vector<16xi32>
      %add3A_66 = vector.broadcast %mul3A_0 : i32 to vector<16xi32>
      %add3A_67 = arith.addi %get3A_65, %add3A_66 : vector<16xi32>
      %mul3A_68 = arith.constant 16 : i32
      %mul3A_69 = arith.muli %add3A_61, %mul3A_68 : i32
      %swap3A = arith.index_cast %mul3A_69 : i32 to index
      %swap3A_70 = tpu.vector_load %arg6[%swap3A] {strides = array<i32>} : memref<112xi32, #tpu.memory_space<vmem>>, vector<16xi32>,
      %swap3A_71 = vector.shape_cast %swap3A_70 : vector<16xi32> to vector<16xi32>
      %swap3A_72 = vector.shape_cast %add3A_67 : vector<16xi32> to vector<16xi32>
      tpu.vector_store %arg6[%swap3A], %swap3A_72 {strides = array<i32>} : memref<112xi32, #tpu.memory_space<vmem>>, vector<16xi32>,
    }
    %scan3A_18 = arith.constant 7 : i32
    %dma_start3A_19 = arith.constant 0 : i32
    %dma_start3A_20 = arith.constant 0 : i32
    %dma_start3A_21 = tpu.memref_slice %arg2[%dma_start3A_19, %dma_start3A_20] : memref<20480x128xf32, #tpu.memory_space<hbm>> -> memref<20480x128xf32, #tpu.memory_space<hbm>>
    tpu.enqueue_indirect_dma source(%dma_start3A_21 : memref<20480x128xf32, #tpu.memory_space<hbm>>) target(%arg10 : memref<112x128xf32, #tpu.memory_space<vmem>>) offsets(%arg6 : memref<112xi32, #tpu.memory_space<vmem>>) semaphore(%arg20 : memref<!tpu.dma_semaphore, #tpu.memory_space<semaphore_mem>>)
    %scan3A_22 = arith.constant 0 : i32
    %scan3A_23 = arith.constant 89 : i32
    %scan3A_24 = arith.addi %scan3A_22, %scan3A_23 : i32
    %scan3A_25 = arith.constant 1 : i32
    scf.for %scan3A_57 = %scan3A_22 to %scan3A_24 step %scan3A_25  : i32 {
      %mul3A_58 = arith.constant 1 : i32
      %mul3A_59 = arith.muli %scan3A_57, %mul3A_58 : i32
      %add3A_60 = arith.constant 0 : i32
      %add3A_61 = arith.addi %add3A_60, %mul3A_59 : i32
      %mul3A_62 = arith.constant 2 : i32
      %mul3A_63 = arith.muli %mul3A_62, %add3A_61 : i32
      %add3A_64 = arith.constant 1 : i32
      %add3A_65 = arith.addi %mul3A_63, %add3A_64 : i32
      %mul3A_66 = arith.constant 112 : i32
      %mul3A_67 = arith.muli %add3A_65, %mul3A_66 : i32
      %add3A_68 = arith.addi %mul3A_13, %mul3A_67 : i32
      "tpu.region"() ({
        %run_scoped3A = tpu.sem_alloc : memref<!tpu.dma_semaphore, #tpu.memory_space<semaphore_mem>>
        %dma_start3A_85 = tpu.memref_slice %arg3[%add3A_68] : memref<320000xi32, #tpu.memory_space<hbm>> -> memref<112xi32, #tpu.memory_space<hbm>>
        %dma_start3A_86 = tpu.memref_slice %arg3[%add3A_68] : memref<320000xi32, #tpu.memory_space<hbm>> -> memref<112xi32, #tpu.memory_space<hbm>>
        tpu.enqueue_dma source(%dma_start3A_86 : memref<112xi32, #tpu.memory_space<hbm>>) target(%arg7 : memref<112xi32, #tpu.memory_space<vmem>>) target_semaphore(%run_scoped3A : memref<!tpu.dma_semaphore, #tpu.memory_space<semaphore_mem>>)
        %dma_wait3A_87 = tpu.memref_slice %arg3[%add3A_68] : memref<320000xi32, #tpu.memory_space<hbm>> -> memref<112xi32, #tpu.memory_space<hbm>>
        %dma_wait3A_88 = tpu.memref_slice %arg3[%add3A_68] : memref<320000xi32, #tpu.memory_space<hbm>> -> memref<112xi32, #tpu.memory_space<hbm>>
        tpu.wait_dma2 semaphore(%run_scoped3A : memref<!tpu.dma_semaphore, #tpu.memory_space<semaphore_mem>>) src(%dma_wait3A_88 : memref<112xi32, #tpu.memory_space<hbm>>) dst(%arg7 : memref<112xi32, #tpu.memory_space<vmem>>)
        tpu.yield
      }) : () -> ()
      "tpu.region"() ({
        %run_scoped3A = tpu.sem_alloc : memref<!tpu.dma_semaphore, #tpu.memory_space<semaphore_mem>>
        %dma_start3A_85 = tpu.memref_slice %arg4[%add3A_68] : memref<320000xi32, #tpu.memory_space<hbm>> -> memref<112xi32, #tpu.memory_space<hbm>>
        %dma_start3A_86 = tpu.memref_slice %arg4[%add3A_68] : memref<320000xi32, #tpu.memory_space<hbm>> -> memref<112xi32, #tpu.memory_space<hbm>>
        tpu.enqueue_dma source(%dma_start3A_86 : memref<112xi32, #tpu.memory_space<hbm>>) target(%arg9 : memref<112xi32, #tpu.memory_space<vmem>>) target_semaphore(%run_scoped3A : memref<!tpu.dma_semaphore, #tpu.memory_space<semaphore_mem>>)
        %dma_wait3A_87 = tpu.memref_slice %arg4[%add3A_68] : memref<320000xi32, #tpu.memory_space<hbm>> -> memref<112xi32, #tpu.memory_space<hbm>>
        %dma_wait3A_88 = tpu.memref_slice %arg4[%add3A_68] : memref<320000xi32, #tpu.memory_space<hbm>> -> memref<112xi32, #tpu.memory_space<hbm>>
        tpu.wait_dma2 semaphore(%run_scoped3A : memref<!tpu.dma_semaphore, #tpu.memory_space<semaphore_mem>>) src(%dma_wait3A_88 : memref<112xi32, #tpu.memory_space<hbm>>) dst(%arg9 : memref<112xi32, #tpu.memory_space<vmem>>)
        tpu.yield
      }) : () -> ()
      %scan3A_69 = arith.constant 0 : i32
      %scan3A_70 = arith.constant 7 : i32
      %scan3A_71 = arith.addi %scan3A_69, %scan3A_70 : i32
      %scan3A_72 = arith.constant 1 : i32
      scf.for %scan3A_85 = %scan3A_69 to %scan3A_71 step %scan3A_72  : i32 {
        %mul3A_86 = arith.constant 1 : i32
        %mul3A_87 = arith.muli %scan3A_85, %mul3A_86 : i32
        %add3A_88 = arith.constant 0 : i32
        %add3A_89 = arith.addi %add3A_88, %mul3A_87 : i32
        %mul3A_90 = arith.constant 16 : i32
        %mul3A_91 = arith.muli %add3A_89, %mul3A_90 : i32
        %get3A = arith.index_cast %mul3A_91 : i32 to index
        %get3A_92 = tpu.vector_load %arg7[%get3A] {strides = array<i32>} : memref<112xi32, #tpu.memory_space<vmem>>, vector<16xi32>,
        %get3A_93 = vector.shape_cast %get3A_92 : vector<16xi32> to vector<16xi32>
        %add3A_94 = vector.broadcast %mul3A_0 : i32 to vector<16xi32>
        %add3A_95 = arith.addi %get3A_93, %add3A_94 : vector<16xi32>
        %mul3A_96 = arith.constant 16 : i32
        %mul3A_97 = arith.muli %add3A_89, %mul3A_96 : i32
        %swap3A = arith.index_cast %mul3A_97 : i32 to index
        %swap3A_98 = tpu.vector_load %arg7[%swap3A] {strides = array<i32>} : memref<112xi32, #tpu.memory_space<vmem>>, vector<16xi32>,
        %swap3A_99 = vector.shape_cast %swap3A_98 : vector<16xi32> to vector<16xi32>
        %swap3A_100 = vector.shape_cast %add3A_95 : vector<16xi32> to vector<16xi32>
        tpu.vector_store %arg7[%swap3A], %swap3A_100 {strides = array<i32>} : memref<112xi32, #tpu.memory_space<vmem>>, vector<16xi32>,
      }
      %scan3A_73 = arith.constant 7 : i32
      %dma_start3A_74 = arith.constant 0 : i32
      %dma_start3A_75 = arith.constant 0 : i32
      %dma_start3A_76 = tpu.memref_slice %arg2[%dma_start3A_74, %dma_start3A_75] : memref<20480x128xf32, #tpu.memory_space<hbm>> -> memref<20480x128xf32, #tpu.memory_space<hbm>>
      tpu.enqueue_indirect_dma source(%dma_start3A_76 : memref<20480x128xf32, #tpu.memory_space<hbm>>) target(%arg11 : memref<112x128xf32, #tpu.memory_space<vmem>>) offsets(%arg7 : memref<112xi32, #tpu.memory_space<vmem>>) semaphore(%arg21 : memref<!tpu.dma_semaphore, #tpu.memory_space<semaphore_mem>>)
      %dma_wait3A_77 = arith.constant 0 : i32
      %dma_wait3A_78 = arith.constant 0 : i32
      %dma_wait3A_79 = tpu.memref_slice %arg2[%dma_wait3A_77, %dma_wait3A_78] : memref<20480x128xf32, #tpu.memory_space<hbm>> -> memref<20480x128xf32, #tpu.memory_space<hbm>>
      tpu.wait_indirect_dma semaphore(%arg20 : memref<!tpu.dma_semaphore, #tpu.memory_space<semaphore_mem>>) src(%dma_wait3A_79 : memref<20480x128xf32, #tpu.memory_space<hbm>>) dst(%arg10 : memref<112x128xf32, #tpu.memory_space<vmem>>)
      "tpu.region"() ({
        %run_scoped3A = tpu.sem_alloc : memref<!tpu.dma_semaphore, #tpu.memory_space<semaphore_mem>>
        %dma_start3A_85 = arith.constant 0 : i32
        %dma_start3A_86 = arith.constant 0 : i32
        %dma_start3A_87 = tpu.memref_slice %arg19[%dma_start3A_85, %dma_start3A_86] : memref<10240x128xf32, #tpu.memory_space<vmem_shared>> -> memref<10240x128xf32, #tpu.memory_space<vmem_shared>>
        tpu.enqueue_indirect_dma source(%arg10 : memref<112x128xf32, #tpu.memory_space<vmem>>) target(%dma_start3A_87 : memref<10240x128xf32, #tpu.memory_space<vmem_shared>>) offsets(%arg8 : memref<112xi32, #tpu.memory_space<vmem>>) semaphore(%run_scoped3A : memref<!tpu.dma_semaphore, #tpu.memory_space<semaphore_mem>>) {add = true}
        %dma_wait3A_88 = arith.constant 0 : i32
        %dma_wait3A_89 = arith.constant 0 : i32
        %dma_wait3A_90 = tpu.memref_slice %arg19[%dma_wait3A_88, %dma_wait3A_89] : memref<10240x128xf32, #tpu.memory_space<vmem_shared>> -> memref<10240x128xf32, #tpu.memory_space<vmem_shared>>
        tpu.wait_indirect_dma semaphore(%run_scoped3A : memref<!tpu.dma_semaphore, #tpu.memory_space<semaphore_mem>>) src(%arg10 : memref<112x128xf32, #tpu.memory_space<vmem>>) dst(%dma_wait3A_90 : memref<10240x128xf32, #tpu.memory_space<vmem_shared>>)
        tpu.yield
      }) : () -> ()
      %lt3A = arith.constant 88 : i32
      %lt3A_80 = arith.cmpi slt, %add3A_61, %lt3A : i32
      %convert_element_type3A = arith.extui %lt3A_80 : i1 to i32
      %cond3A = arith.constant 0 : i32
      %cond3A_81 = arith.cmpi ne, %convert_element_type3A, %cond3A : i32
      scf.if %cond3A_81 {
        %add3A_85 = arith.constant 2 : i32
        %add3A_86 = arith.addi %mul3A_63, %add3A_85 : i32
        %mul3A_87 = arith.constant 112 : i32
        %mul3A_88 = arith.muli %add3A_86, %mul3A_87 : i32
        %add3A_89 = arith.addi %mul3A_13, %mul3A_88 : i32
        "tpu.region"() ({
          %run_scoped3A = tpu.sem_alloc : memref<!tpu.dma_semaphore, #tpu.memory_space<semaphore_mem>>
          %dma_start3A_98 = tpu.memref_slice %arg3[%add3A_89] : memref<320000xi32, #tpu.memory_space<hbm>> -> memref<112xi32, #tpu.memory_space<hbm>>
          %dma_start3A_99 = tpu.memref_slice %arg3[%add3A_89] : memref<320000xi32, #tpu.memory_space<hbm>> -> memref<112xi32, #tpu.memory_space<hbm>>
          tpu.enqueue_dma source(%dma_start3A_99 : memref<112xi32, #tpu.memory_space<hbm>>) target(%arg6 : memref<112xi32, #tpu.memory_space<vmem>>) target_semaphore(%run_scoped3A : memref<!tpu.dma_semaphore, #tpu.memory_space<semaphore_mem>>)
          %dma_wait3A_100 = tpu.memref_slice %arg3[%add3A_89] : memref<320000xi32, #tpu.memory_space<hbm>> -> memref<112xi32, #tpu.memory_space<hbm>>
          %dma_wait3A_101 = tpu.memref_slice %arg3[%add3A_89] : memref<320000xi32, #tpu.memory_space<hbm>> -> memref<112xi32, #tpu.memory_space<hbm>>
          tpu.wait_dma2 semaphore(%run_scoped3A : memref<!tpu.dma_semaphore, #tpu.memory_space<semaphore_mem>>) src(%dma_wait3A_101 : memref<112xi32, #tpu.memory_space<hbm>>) dst(%arg6 : memref<112xi32, #tpu.memory_space<vmem>>)
          tpu.yield
        }) : () -> ()
        "tpu.region"() ({
          %run_scoped3A = tpu.sem_alloc : memref<!tpu.dma_semaphore, #tpu.memory_space<semaphore_mem>>
          %dma_start3A_98 = tpu.memref_slice %arg4[%add3A_89] : memref<320000xi32, #tpu.memory_space<hbm>> -> memref<112xi32, #tpu.memory_space<hbm>>
          %dma_start3A_99 = tpu.memref_slice %arg4[%add3A_89] : memref<320000xi32, #tpu.memory_space<hbm>> -> memref<112xi32, #tpu.memory_space<hbm>>
          tpu.enqueue_dma source(%dma_start3A_99 : memref<112xi32, #tpu.memory_space<hbm>>) target(%arg8 : memref<112xi32, #tpu.memory_space<vmem>>) target_semaphore(%run_scoped3A : memref<!tpu.dma_semaphore, #tpu.memory_space<semaphore_mem>>)
          %dma_wait3A_100 = tpu.memref_slice %arg4[%add3A_89] : memref<320000xi32, #tpu.memory_space<hbm>> -> memref<112xi32, #tpu.memory_space<hbm>>
          %dma_wait3A_101 = tpu.memref_slice %arg4[%add3A_89] : memref<320000xi32, #tpu.memory_space<hbm>> -> memref<112xi32, #tpu.memory_space<hbm>>
          tpu.wait_dma2 semaphore(%run_scoped3A : memref<!tpu.dma_semaphore, #tpu.memory_space<semaphore_mem>>) src(%dma_wait3A_101 : memref<112xi32, #tpu.memory_space<hbm>>) dst(%arg8 : memref<112xi32, #tpu.memory_space<vmem>>)
          tpu.yield
        }) : () -> ()
        %scan3A_90 = arith.constant 0 : i32
        %scan3A_91 = arith.constant 7 : i32
        %scan3A_92 = arith.addi %scan3A_90, %scan3A_91 : i32
        %scan3A_93 = arith.constant 1 : i32
        scf.for %scan3A_98 = %scan3A_90 to %scan3A_92 step %scan3A_93  : i32 {
          %mul3A_99 = arith.constant 1 : i32
          %mul3A_100 = arith.muli %scan3A_98, %mul3A_99 : i32
          %add3A_101 = arith.constant 0 : i32
          %add3A_102 = arith.addi %add3A_101, %mul3A_100 : i32
          %mul3A_103 = arith.constant 16 : i32
          %mul3A_104 = arith.muli %add3A_102, %mul3A_103 : i32
          %get3A = arith.index_cast %mul3A_104 : i32 to index
          %get3A_105 = tpu.vector_load %arg6[%get3A] {strides = array<i32>} : memref<112xi32, #tpu.memory_space<vmem>>, vector<16xi32>,
          %get3A_106 = vector.shape_cast %get3A_105 : vector<16xi32> to vector<16xi32>
          %add3A_107 = vector.broadcast %mul3A_0 : i32 to vector<16xi32>
          %add3A_108 = arith.addi %get3A_106, %add3A_107 : vector<16xi32>
          %mul3A_109 = arith.constant 16 : i32
          %mul3A_110 = arith.muli %add3A_102, %mul3A_109 : i32
          %swap3A = arith.index_cast %mul3A_110 : i32 to index
          %swap3A_111 = tpu.vector_load %arg6[%swap3A] {strides = array<i32>} : memref<112xi32, #tpu.memory_space<vmem>>, vector<16xi32>,
          %swap3A_112 = vector.shape_cast %swap3A_111 : vector<16xi32> to vector<16xi32>
          %swap3A_113 = vector.shape_cast %add3A_108 : vector<16xi32> to vector<16xi32>
          tpu.vector_store %arg6[%swap3A], %swap3A_113 {strides = array<i32>} : memref<112xi32, #tpu.memory_space<vmem>>, vector<16xi32>,
        }
        %scan3A_94 = arith.constant 7 : i32
        %dma_start3A_95 = arith.constant 0 : i32
        %dma_start3A_96 = arith.constant 0 : i32
        %dma_start3A_97 = tpu.memref_slice %arg2[%dma_start3A_95, %dma_start3A_96] : memref<20480x128xf32, #tpu.memory_space<hbm>> -> memref<20480x128xf32, #tpu.memory_space<hbm>>
        tpu.enqueue_indirect_dma source(%dma_start3A_97 : memref<20480x128xf32, #tpu.memory_space<hbm>>) target(%arg10 : memref<112x128xf32, #tpu.memory_space<vmem>>) offsets(%arg6 : memref<112xi32, #tpu.memory_space<vmem>>) semaphore(%arg20 : memref<!tpu.dma_semaphore, #tpu.memory_space<semaphore_mem>>)
      } else {
      }
      %dma_wait3A_82 = arith.constant 0 : i32
      %dma_wait3A_83 = arith.constant 0 : i32
      %dma_wait3A_84 = tpu.memref_slice %arg2[%dma_wait3A_82, %dma_wait3A_83] : memref<20480x128xf32, #tpu.memory_space<hbm>> -> memref<20480x128xf32, #tpu.memory_space<hbm>>
      tpu.wait_indirect_dma semaphore(%arg21 : memref<!tpu.dma_semaphore, #tpu.memory_space<semaphore_mem>>) src(%dma_wait3A_84 : memref<20480x128xf32, #tpu.memory_space<hbm>>) dst(%arg11 : memref<112x128xf32, #tpu.memory_space<vmem>>)
      "tpu.region"() ({
        %run_scoped3A = tpu.sem_alloc : memref<!tpu.dma_semaphore, #tpu.memory_space<semaphore_mem>>
        %dma_start3A_85 = arith.constant 0 : i32
        %dma_start3A_86 = arith.constant 0 : i32
        %dma_start3A_87 = tpu.memref_slice %arg19[%dma_start3A_85, %dma_start3A_86] : memref<10240x128xf32, #tpu.memory_space<vmem_shared>> -> memref<10240x128xf32, #tpu.memory_space<vmem_shared>>
        tpu.enqueue_indirect_dma source(%arg11 : memref<112x128xf32, #tpu.memory_space<vmem>>) target(%dma_start3A_87 : memref<10240x128xf32, #tpu.memory_space<vmem_shared>>) offsets(%arg9 : memref<112xi32, #tpu.memory_space<vmem>>) semaphore(%run_scoped3A : memref<!tpu.dma_semaphore, #tpu.memory_space<semaphore_mem>>) {add = true}
        %dma_wait3A_88 = arith.constant 0 : i32
        %dma_wait3A_89 = arith.constant 0 : i32
        %dma_wait3A_90 = tpu.memref_slice %arg19[%dma_wait3A_88, %dma_wait3A_89] : memref<10240x128xf32, #tpu.memory_space<vmem_shared>> -> memref<10240x128xf32, #tpu.memory_space<vmem_shared>>
        tpu.wait_indirect_dma semaphore(%run_scoped3A : memref<!tpu.dma_semaphore, #tpu.memory_space<semaphore_mem>>) src(%arg11 : memref<112x128xf32, #tpu.memory_space<vmem>>) dst(%dma_wait3A_90 : memref<10240x128xf32, #tpu.memory_space<vmem_shared>>)
        tpu.yield
      }) : () -> ()
    }
    %scan3A_26 = arith.constant 89 : i32
    %add3A_27 = arith.constant 19936 : i32
    %add3A_28 = arith.addi %mul3A_13, %add3A_27 : i32
    "tpu.region"() ({
      %run_scoped3A = tpu.sem_alloc : memref<!tpu.dma_semaphore, #tpu.memory_space<semaphore_mem>>
      %dma_start3A_57 = tpu.memref_slice %arg3[%add3A_28] : memref<320000xi32, #tpu.memory_space<hbm>> -> memref<64xi32, #tpu.memory_space<hbm>>
      %dma_start3A_58 = tpu.memref_slice %arg3[%add3A_28] : memref<320000xi32, #tpu.memory_space<hbm>> -> memref<64xi32, #tpu.memory_space<hbm>>
      tpu.enqueue_dma source(%dma_start3A_58 : memref<64xi32, #tpu.memory_space<hbm>>) target(%arg12 : memref<64xi32, #tpu.memory_space<vmem>>) target_semaphore(%run_scoped3A : memref<!tpu.dma_semaphore, #tpu.memory_space<semaphore_mem>>)
      %dma_wait3A_59 = tpu.memref_slice %arg3[%add3A_28] : memref<320000xi32, #tpu.memory_space<hbm>> -> memref<64xi32, #tpu.memory_space<hbm>>
      %dma_wait3A_60 = tpu.memref_slice %arg3[%add3A_28] : memref<320000xi32, #tpu.memory_space<hbm>> -> memref<64xi32, #tpu.memory_space<hbm>>
      tpu.wait_dma2 semaphore(%run_scoped3A : memref<!tpu.dma_semaphore, #tpu.memory_space<semaphore_mem>>) src(%dma_wait3A_60 : memref<64xi32, #tpu.memory_space<hbm>>) dst(%arg12 : memref<64xi32, #tpu.memory_space<vmem>>)
      tpu.yield
    }) : () -> ()
    "tpu.region"() ({
      %run_scoped3A = tpu.sem_alloc : memref<!tpu.dma_semaphore, #tpu.memory_space<semaphore_mem>>
      %dma_start3A_57 = tpu.memref_slice %arg4[%add3A_28] : memref<320000xi32, #tpu.memory_space<hbm>> -> memref<64xi32, #tpu.memory_space<hbm>>
      %dma_start3A_58 = tpu.memref_slice %arg4[%add3A_28] : memref<320000xi32, #tpu.memory_space<hbm>> -> memref<64xi32, #tpu.memory_space<hbm>>
      tpu.enqueue_dma source(%dma_start3A_58 : memref<64xi32, #tpu.memory_space<hbm>>) target(%arg13 : memref<64xi32, #tpu.memory_space<vmem>>) target_semaphore(%run_scoped3A : memref<!tpu.dma_semaphore, #tpu.memory_space<semaphore_mem>>)
      %dma_wait3A_59 = tpu.memref_slice %arg4[%add3A_28] : memref<320000xi32, #tpu.memory_space<hbm>> -> memref<64xi32, #tpu.memory_space<hbm>>
      %dma_wait3A_60 = tpu.memref_slice %arg4[%add3A_28] : memref<320000xi32, #tpu.memory_space<hbm>> -> memref<64xi32, #tpu.memory_space<hbm>>
      tpu.wait_dma2 semaphore(%run_scoped3A : memref<!tpu.dma_semaphore, #tpu.memory_space<semaphore_mem>>) src(%dma_wait3A_60 : memref<64xi32, #tpu.memory_space<hbm>>) dst(%arg13 : memref<64xi32, #tpu.memory_space<vmem>>)
      tpu.yield
    }) : () -> ()
    %scan3A_29 = arith.constant 0 : i32
    %scan3A_30 = arith.constant 4 : i32
    %scan3A_31 = arith.addi %scan3A_29, %scan3A_30 : i32
    %scan3A_32 = arith.constant 1 : i32
    scf.for %scan3A_57 = %scan3A_29 to %scan3A_31 step %scan3A_32  : i32 {
      %mul3A_58 = arith.constant 1 : i32
      %mul3A_59 = arith.muli %scan3A_57, %mul3A_58 : i32
      %add3A_60 = arith.constant 0 : i32
      %add3A_61 = arith.addi %add3A_60, %mul3A_59 : i32
      %mul3A_62 = arith.constant 16 : i32
      %mul3A_63 = arith.muli %add3A_61, %mul3A_62 : i32
      %get3A = arith.index_cast %mul3A_63 : i32 to index
      %get3A_64 = tpu.vector_load %arg12[%get3A] {strides = array<i32>} : memref<64xi32, #tpu.memory_space<vmem>>, vector<16xi32>,
      %get3A_65 = vector.shape_cast %get3A_64 : vector<16xi32> to vector<16xi32>
      %add3A_66 = vector.broadcast %mul3A_0 : i32 to vector<16xi32>
      %add3A_67 = arith.addi %get3A_65, %add3A_66 : vector<16xi32>
      %mul3A_68 = arith.constant 16 : i32
      %mul3A_69 = arith.muli %add3A_61, %mul3A_68 : i32
      %swap3A = arith.index_cast %mul3A_69 : i32 to index
      %swap3A_70 = tpu.vector_load %arg12[%swap3A] {strides = array<i32>} : memref<64xi32, #tpu.memory_space<vmem>>, vector<16xi32>,
      %swap3A_71 = vector.shape_cast %swap3A_70 : vector<16xi32> to vector<16xi32>
      %swap3A_72 = vector.shape_cast %add3A_67 : vector<16xi32> to vector<16xi32>
      tpu.vector_store %arg12[%swap3A], %swap3A_72 {strides = array<i32>} : memref<64xi32, #tpu.memory_space<vmem>>, vector<16xi32>,
    }
    %scan3A_33 = arith.constant 4 : i32
    %dma_start3A_34 = arith.constant 0 : i32
    %dma_start3A_35 = arith.constant 0 : i32
    %dma_start3A_36 = tpu.memref_slice %arg2[%dma_start3A_34, %dma_start3A_35] : memref<20480x128xf32, #tpu.memory_space<hbm>> -> memref<20480x128xf32, #tpu.memory_space<hbm>>
    tpu.enqueue_indirect_dma source(%dma_start3A_36 : memref<20480x128xf32, #tpu.memory_space<hbm>>) target(%arg14 : memref<64x128xf32, #tpu.memory_space<vmem>>) offsets(%arg12 : memref<64xi32, #tpu.memory_space<vmem>>) semaphore(%arg20 : memref<!tpu.dma_semaphore, #tpu.memory_space<semaphore_mem>>)
    %dma_wait3A = arith.constant 0 : i32
    %dma_wait3A_37 = arith.constant 0 : i32
    %dma_wait3A_38 = tpu.memref_slice %arg2[%dma_wait3A, %dma_wait3A_37] : memref<20480x128xf32, #tpu.memory_space<hbm>> -> memref<20480x128xf32, #tpu.memory_space<hbm>>
    tpu.wait_indirect_dma semaphore(%arg20 : memref<!tpu.dma_semaphore, #tpu.memory_space<semaphore_mem>>) src(%dma_wait3A_38 : memref<20480x128xf32, #tpu.memory_space<hbm>>) dst(%arg14 : memref<64x128xf32, #tpu.memory_space<vmem>>)
    "tpu.region"() ({
      %run_scoped3A = tpu.sem_alloc : memref<!tpu.dma_semaphore, #tpu.memory_space<semaphore_mem>>
      %dma_start3A_57 = arith.constant 0 : i32
      %dma_start3A_58 = arith.constant 0 : i32
      %dma_start3A_59 = tpu.memref_slice %arg19[%dma_start3A_57, %dma_start3A_58] : memref<10240x128xf32, #tpu.memory_space<vmem_shared>> -> memref<10240x128xf32, #tpu.memory_space<vmem_shared>>
      tpu.enqueue_indirect_dma source(%arg14 : memref<64x128xf32, #tpu.memory_space<vmem>>) target(%dma_start3A_59 : memref<10240x128xf32, #tpu.memory_space<vmem_shared>>) offsets(%arg13 : memref<64xi32, #tpu.memory_space<vmem>>) semaphore(%run_scoped3A : memref<!tpu.dma_semaphore, #tpu.memory_space<semaphore_mem>>) {add = true}
      %dma_wait3A_60 = arith.constant 0 : i32
      %dma_wait3A_61 = arith.constant 0 : i32
      %dma_wait3A_62 = tpu.memref_slice %arg19[%dma_wait3A_60, %dma_wait3A_61] : memref<10240x128xf32, #tpu.memory_space<vmem_shared>> -> memref<10240x128xf32, #tpu.memory_space<vmem_shared>>
      tpu.wait_indirect_dma semaphore(%run_scoped3A : memref<!tpu.dma_semaphore, #tpu.memory_space<semaphore_mem>>) src(%arg14 : memref<64x128xf32, #tpu.memory_space<vmem>>) dst(%dma_wait3A_62 : memref<10240x128xf32, #tpu.memory_space<vmem_shared>>)
      tpu.yield
    }) : () -> ()
    %barrier3A_39 = arith.constant 0 : index
    tpu.barrier barrier_id(%barrier3A_39)
    %mul3A_40 = arith.constant 640 : i32
    %mul3A_41 = arith.muli %arg1, %mul3A_40 : i32
    %add3A_42 = arith.constant 0 : i32
    %add3A_43 = arith.addi %mul3A_41, %add3A_42 : i32
    %scan3A_44 = arith.constant 0 : i32
    %scan3A_45 = arith.constant 2 : i32
    %scan3A_46 = arith.addi %scan3A_44, %scan3A_45 : i32
    %scan3A_47 = arith.constant 1 : i32
    scf.for %scan3A_57 = %scan3A_44 to %scan3A_46 step %scan3A_47  : i32 {
      %mul3A_58 = arith.constant 1 : i32
      %mul3A_59 = arith.muli %scan3A_57, %mul3A_58 : i32
      %add3A_60 = arith.constant 0 : i32
      %add3A_61 = arith.addi %add3A_60, %mul3A_59 : i32
      %mul3A_62 = arith.constant 16 : i32
      %mul3A_63 = arith.muli %add3A_61, %mul3A_62 : i32
      %add3A_64 = arith.addi %add3A_43, %mul3A_63 : i32
      %iota3A = tpu.iota {dimensions = array<i32: 0>} : vector<16xi32>
      %add3A_65 = vector.broadcast %add3A_64 : i32 to vector<16xi32>
      %add3A_66 = arith.addi %add3A_65, %iota3A : vector<16xi32>
      %mul3A_67 = arith.constant 16 : i32
      %mul3A_68 = arith.muli %add3A_61, %mul3A_67 : i32
      %swap3A = arith.index_cast %mul3A_68 : i32 to index
      %swap3A_69 = tpu.vector_load %arg17[%swap3A] {strides = array<i32>} : memref<32xi32, #tpu.memory_space<vmem>>, vector<16xi32>,
      %swap3A_70 = vector.shape_cast %swap3A_69 : vector<16xi32> to vector<16xi32>
      %swap3A_71 = vector.shape_cast %add3A_66 : vector<16xi32> to vector<16xi32>
      tpu.vector_store %arg17[%swap3A], %swap3A_71 {strides = array<i32>} : memref<32xi32, #tpu.memory_space<vmem>>, vector<16xi32>,
    }
    %scan3A_48 = arith.constant 2 : i32
    %dma_start3A_49 = arith.constant 0 : i32
    %dma_start3A_50 = arith.constant 0 : i32
    %dma_start3A_51 = tpu.memref_slice %arg19[%dma_start3A_49, %dma_start3A_50] : memref<10240x128xf32, #tpu.memory_space<vmem_shared>> -> memref<10240x128xf32, #tpu.memory_space<vmem_shared>>
    tpu.enqueue_indirect_dma source(%dma_start3A_51 : memref<10240x128xf32, #tpu.memory_space<vmem_shared>>) target(%arg15 : memref<32x128xf32, #tpu.memory_space<vmem>>) offsets(%arg17 : memref<32xi32, #tpu.memory_space<vmem>>) semaphore(%arg20 : memref<!tpu.dma_semaphore, #tpu.memory_space<semaphore_mem>>)
    %scan3A_52 = arith.constant 0 : i32
    %scan3A_53 = arith.constant 10 : i32
    %scan3A_54 = arith.addi %scan3A_52, %scan3A_53 : i32
    %scan3A_55 = arith.constant 1 : i32
    scf.for %scan3A_57 = %scan3A_52 to %scan3A_54 step %scan3A_55  : i32 {
      %mul3A_58 = arith.constant 1 : i32
      %mul3A_59 = arith.muli %scan3A_57, %mul3A_58 : i32
      %add3A_60 = arith.constant 0 : i32
      %add3A_61 = arith.addi %add3A_60, %mul3A_59 : i32
      %mul3A_62 = arith.constant 2 : i32
      %mul3A_63 = arith.muli %mul3A_62, %add3A_61 : i32
      %add3A_64 = arith.constant 1 : i32
      %add3A_65 = arith.addi %mul3A_63, %add3A_64 : i32
      %mul3A_66 = arith.constant 640 : i32
      %mul3A_67 = arith.muli %arg1, %mul3A_66 : i32
      %mul3A_68 = arith.constant 32 : i32
      %mul3A_69 = arith.muli %add3A_65, %mul3A_68 : i32
      %add3A_70 = arith.addi %mul3A_67, %mul3A_69 : i32
      %scan3A_71 = arith.constant 0 : i32
      %scan3A_72 = arith.constant 2 : i32
      %scan3A_73 = arith.addi %scan3A_71, %scan3A_72 : i32
      %scan3A_74 = arith.constant 1 : i32
      scf.for %scan3A_101 = %scan3A_71 to %scan3A_73 step %scan3A_74  : i32 {
        %mul3A_102 = arith.constant 1 : i32
        %mul3A_103 = arith.muli %scan3A_101, %mul3A_102 : i32
        %add3A_104 = arith.constant 0 : i32
        %add3A_105 = arith.addi %add3A_104, %mul3A_103 : i32
        %mul3A_106 = arith.constant 16 : i32
        %mul3A_107 = arith.muli %add3A_105, %mul3A_106 : i32
        %add3A_108 = arith.addi %add3A_70, %mul3A_107 : i32
        %iota3A = tpu.iota {dimensions = array<i32: 0>} : vector<16xi32>
        %add3A_109 = vector.broadcast %add3A_108 : i32 to vector<16xi32>
        %add3A_110 = arith.addi %add3A_109, %iota3A : vector<16xi32>
        %mul3A_111 = arith.constant 16 : i32
        %mul3A_112 = arith.muli %add3A_105, %mul3A_111 : i32
        %swap3A = arith.index_cast %mul3A_112 : i32 to index
        %swap3A_113 = tpu.vector_load %arg18[%swap3A] {strides = array<i32>} : memref<32xi32, #tpu.memory_space<vmem>>, vector<16xi32>,
        %swap3A_114 = vector.shape_cast %swap3A_113 : vector<16xi32> to vector<16xi32>
        %swap3A_115 = vector.shape_cast %add3A_110 : vector<16xi32> to vector<16xi32>
        tpu.vector_store %arg18[%swap3A], %swap3A_115 {strides = array<i32>} : memref<32xi32, #tpu.memory_space<vmem>>, vector<16xi32>,
      }
      %scan3A_75 = arith.constant 2 : i32
      %dma_start3A_76 = arith.constant 0 : i32
      %dma_start3A_77 = arith.constant 0 : i32
      %dma_start3A_78 = tpu.memref_slice %arg19[%dma_start3A_76, %dma_start3A_77] : memref<10240x128xf32, #tpu.memory_space<vmem_shared>> -> memref<10240x128xf32, #tpu.memory_space<vmem_shared>>
      tpu.enqueue_indirect_dma source(%dma_start3A_78 : memref<10240x128xf32, #tpu.memory_space<vmem_shared>>) target(%arg16 : memref<32x128xf32, #tpu.memory_space<vmem>>) offsets(%arg18 : memref<32xi32, #tpu.memory_space<vmem>>) semaphore(%arg21 : memref<!tpu.dma_semaphore, #tpu.memory_space<semaphore_mem>>)
      %mul3A_79 = arith.constant 640 : i32
      %mul3A_80 = arith.muli %arg1, %mul3A_79 : i32
      %mul3A_81 = arith.constant 32 : i32
      %mul3A_82 = arith.muli %mul3A_63, %mul3A_81 : i32
      %add3A_83 = arith.addi %mul3A_80, %mul3A_82 : i32
      %dma_wait3A_84 = arith.constant 0 : i32
      %dma_wait3A_85 = arith.constant 0 : i32
      %dma_wait3A_86 = tpu.memref_slice %arg19[%dma_wait3A_84, %dma_wait3A_85] : memref<10240x128xf32, #tpu.memory_space<vmem_shared>> -> memref<10240x128xf32, #tpu.memory_space<vmem_shared>>
      tpu.wait_indirect_dma semaphore(%arg20 : memref<!tpu.dma_semaphore, #tpu.memory_space<semaphore_mem>>) src(%dma_wait3A_86 : memref<10240x128xf32, #tpu.memory_space<vmem_shared>>) dst(%arg15 : memref<32x128xf32, #tpu.memory_space<vmem>>)
      %add3A_87 = arith.addi %mul3A_0, %add3A_83 : i32
      "tpu.region"() ({
        %run_scoped3A = tpu.sem_alloc : memref<!tpu.dma_semaphore, #tpu.memory_space<semaphore_mem>>
        %dma_start3A_101 = arith.constant 0 : i32
        %dma_start3A_102 = tpu.memref_slice %arg5[%add3A_87, %dma_start3A_101] : memref<20480x128xf32, #tpu.memory_space<hbm>> -> memref<32x128xf32, #tpu.memory_space<hbm>>
        %dma_start3A_103 = arith.constant 0 : i32
        %dma_start3A_104 = tpu.memref_slice %arg5[%add3A_87, %dma_start3A_103] : memref<20480x128xf32, #tpu.memory_space<hbm>> -> memref<32x128xf32, #tpu.memory_space<hbm>>
        tpu.enqueue_dma source(%arg15 : memref<32x128xf32, #tpu.memory_space<vmem>>) target(%dma_start3A_104 : memref<32x128xf32, #tpu.memory_space<hbm>>) target_semaphore(%run_scoped3A : memref<!tpu.dma_semaphore, #tpu.memory_space<semaphore_mem>>)
        %dma_wait3A_105 = arith.constant 0 : i32
        %dma_wait3A_106 = tpu.memref_slice %arg5[%add3A_87, %dma_wait3A_105] : memref<20480x128xf32, #tpu.memory_space<hbm>> -> memref<32x128xf32, #tpu.memory_space<hbm>>
        %dma_wait3A_107 = arith.constant 0 : i32
        %dma_wait3A_108 = tpu.memref_slice %arg5[%add3A_87, %dma_wait3A_107] : memref<20480x128xf32, #tpu.memory_space<hbm>> -> memref<32x128xf32, #tpu.memory_space<hbm>>
        tpu.wait_dma2 semaphore(%run_scoped3A : memref<!tpu.dma_semaphore, #tpu.memory_space<semaphore_mem>>) src(%arg15 : memref<32x128xf32, #tpu.memory_space<vmem>>) dst(%dma_wait3A_108 : memref<32x128xf32, #tpu.memory_space<hbm>>)
        tpu.yield
      }) : () -> ()
      %lt3A = arith.constant 9 : i32
      %lt3A_88 = arith.cmpi slt, %add3A_61, %lt3A : i32
      %convert_element_type3A = arith.extui %lt3A_88 : i1 to i32
      %cond3A = arith.constant 0 : i32
      %cond3A_89 = arith.cmpi ne, %convert_element_type3A, %cond3A : i32
      scf.if %cond3A_89 {
        %add3A_101 = arith.constant 2 : i32
        %add3A_102 = arith.addi %mul3A_63, %add3A_101 : i32
        %mul3A_103 = arith.constant 640 : i32
        %mul3A_104 = arith.muli %arg1, %mul3A_103 : i32
        %mul3A_105 = arith.constant 32 : i32
        %mul3A_106 = arith.muli %add3A_102, %mul3A_105 : i32
        %add3A_107 = arith.addi %mul3A_104, %mul3A_106 : i32
        %scan3A_108 = arith.constant 0 : i32
        %scan3A_109 = arith.constant 2 : i32
        %scan3A_110 = arith.addi %scan3A_108, %scan3A_109 : i32
        %scan3A_111 = arith.constant 1 : i32
        scf.for %scan3A_116 = %scan3A_108 to %scan3A_110 step %scan3A_111  : i32 {
          %mul3A_117 = arith.constant 1 : i32
          %mul3A_118 = arith.muli %scan3A_116, %mul3A_117 : i32
          %add3A_119 = arith.constant 0 : i32
          %add3A_120 = arith.addi %add3A_119, %mul3A_118 : i32
          %mul3A_121 = arith.constant 16 : i32
          %mul3A_122 = arith.muli %add3A_120, %mul3A_121 : i32
          %add3A_123 = arith.addi %add3A_107, %mul3A_122 : i32
          %iota3A = tpu.iota {dimensions = array<i32: 0>} : vector<16xi32>
          %add3A_124 = vector.broadcast %add3A_123 : i32 to vector<16xi32>
          %add3A_125 = arith.addi %add3A_124, %iota3A : vector<16xi32>
          %mul3A_126 = arith.constant 16 : i32
          %mul3A_127 = arith.muli %add3A_120, %mul3A_126 : i32
          %swap3A = arith.index_cast %mul3A_127 : i32 to index
          %swap3A_128 = tpu.vector_load %arg17[%swap3A] {strides = array<i32>} : memref<32xi32, #tpu.memory_space<vmem>>, vector<16xi32>,
          %swap3A_129 = vector.shape_cast %swap3A_128 : vector<16xi32> to vector<16xi32>
          %swap3A_130 = vector.shape_cast %add3A_125 : vector<16xi32> to vector<16xi32>
          tpu.vector_store %arg17[%swap3A], %swap3A_130 {strides = array<i32>} : memref<32xi32, #tpu.memory_space<vmem>>, vector<16xi32>,
        }
        %scan3A_112 = arith.constant 2 : i32
        %dma_start3A_113 = arith.constant 0 : i32
        %dma_start3A_114 = arith.constant 0 : i32
        %dma_start3A_115 = tpu.memref_slice %arg19[%dma_start3A_113, %dma_start3A_114] : memref<10240x128xf32, #tpu.memory_space<vmem_shared>> -> memref<10240x128xf32, #tpu.memory_space<vmem_shared>>
        tpu.enqueue_indirect_dma source(%dma_start3A_115 : memref<10240x128xf32, #tpu.memory_space<vmem_shared>>) target(%arg15 : memref<32x128xf32, #tpu.memory_space<vmem>>) offsets(%arg17 : memref<32xi32, #tpu.memory_space<vmem>>) semaphore(%arg20 : memref<!tpu.dma_semaphore, #tpu.memory_space<semaphore_mem>>)
      } else {
      }
      %add3A_90 = arith.constant 1 : i32
      %add3A_91 = arith.addi %mul3A_63, %add3A_90 : i32
      %mul3A_92 = arith.constant 640 : i32
      %mul3A_93 = arith.muli %arg1, %mul3A_92 : i32
      %mul3A_94 = arith.constant 32 : i32
      %mul3A_95 = arith.muli %add3A_91, %mul3A_94 : i32
      %add3A_96 = arith.addi %mul3A_93, %mul3A_95 : i32
      %dma_wait3A_97 = arith.constant 0 : i32
      %dma_wait3A_98 = arith.constant 0 : i32
      %dma_wait3A_99 = tpu.memref_slice %arg19[%dma_wait3A_97, %dma_wait3A_98] : memref<10240x128xf32, #tpu.memory_space<vmem_shared>> -> memref<10240x128xf32, #tpu.memory_space<vmem_shared>>
      tpu.wait_indirect_dma semaphore(%arg21 : memref<!tpu.dma_semaphore, #tpu.memory_space<semaphore_mem>>) src(%dma_wait3A_99 : memref<10240x128xf32, #tpu.memory_space<vmem_shared>>) dst(%arg16 : memref<32x128xf32, #tpu.memory_space<vmem>>)
      %add3A_100 = arith.addi %mul3A_0, %add3A_96 : i32
      "tpu.region"() ({
        %run_scoped3A = tpu.sem_alloc : memref<!tpu.dma_semaphore, #tpu.memory_space<semaphore_mem>>
        %dma_start3A_101 = arith.constant 0 : i32
        %dma_start3A_102 = tpu.memref_slice %arg5[%add3A_100, %dma_start3A_101] : memref<20480x128xf32, #tpu.memory_space<hbm>> -> memref<32x128xf32, #tpu.memory_space<hbm>>
        %dma_start3A_103 = arith.constant 0 : i32
        %dma_start3A_104 = tpu.memref_slice %arg5[%add3A_100, %dma_start3A_103] : memref<20480x128xf32, #tpu.memory_space<hbm>> -> memref<32x128xf32, #tpu.memory_space<hbm>>
        tpu.enqueue_dma source(%arg16 : memref<32x128xf32, #tpu.memory_space<vmem>>) target(%dma_start3A_104 : memref<32x128xf32, #tpu.memory_space<hbm>>) target_semaphore(%run_scoped3A : memref<!tpu.dma_semaphore, #tpu.memory_space<semaphore_mem>>)
        %dma_wait3A_105 = arith.constant 0 : i32
        %dma_wait3A_106 = tpu.memref_slice %arg5[%add3A_100, %dma_wait3A_105] : memref<20480x128xf32, #tpu.memory_space<hbm>> -> memref<32x128xf32, #tpu.memory_space<hbm>>
        %dma_wait3A_107 = arith.constant 0 : i32
        %dma_wait3A_108 = tpu.memref_slice %arg5[%add3A_100, %dma_wait3A_107] : memref<20480x128xf32, #tpu.memory_space<hbm>> -> memref<32x128xf32, #tpu.memory_space<hbm>>
        tpu.wait_dma2 semaphore(%run_scoped3A : memref<!tpu.dma_semaphore, #tpu.memory_space<semaphore_mem>>) src(%arg16 : memref<32x128xf32, #tpu.memory_space<vmem>>) dst(%dma_wait3A_108 : memref<32x128xf32, #tpu.memory_space<hbm>>)
        tpu.yield
      }) : () -> ()
    }
    %scan3A_56 = arith.constant 10 : i32
    return
  }
}

#map = affine_map<(d0, d1) -> (0)>
#map1 = affine_map<(d0, d1) -> (0, 0)>
module attributes {stable_mosaic.version = 14 : i64} {
  func.func @_deg_kernel(%arg0: i32, %arg1: i32, %arg2: memref<320000xi32, #tpu.memory_space<hbm>>, %arg3: memref<20480x16xf32, #tpu.memory_space<hbm>>, %arg4: memref<80xi32, #tpu.memory_space<vmem>>, %arg5: memref<80x16xf32, #tpu.memory_space<vmem>>, %arg6: memref<128x16xf32, #tpu.memory_space<vmem>>, %arg7: memref<128xi32, #tpu.memory_space<vmem>>, %arg8: memref<10240x16xf32, #tpu.memory_space<vmem_shared>>, %arg9: memref<!tpu.dma_semaphore, #tpu.memory_space<semaphore_mem>>) attributes {dimension_semantics = [#tpu.dimension_semantics<core_parallel>, #tpu.dimension_semantics<subcore_parallel>], iteration_bounds = array<i64: 2, 16>, scalar_prefetch = 0 : i64, scratch_operands = 6 : i64, tpu.core_type = #tpu.core_type<sc_vector_subcore>, window_params = [{transform_indices = #map}, {transform_indices = #map1}]} {
    %scan3A = arith.constant 0 : i32
    %scan3A_0 = arith.constant 80 : i32
    %scan3A_1 = arith.addi %scan3A, %scan3A_0 : i32
    %scan3A_2 = arith.constant 1 : i32
    scf.for %scan3A_28 = %scan3A to %scan3A_1 step %scan3A_2  : i32 {
      %mul3A_29 = arith.constant 1 : i32
      %mul3A_30 = arith.muli %scan3A_28, %mul3A_29 : i32
      %add3A_31 = arith.constant 0 : i32
      %add3A_32 = arith.addi %add3A_31, %mul3A_30 : i32
      %broadcast_in_dim3A = arith.constant 1.000000e+00 : f32
      %broadcast_in_dim3A_33 = vector.broadcast %broadcast_in_dim3A : f32 to vector<16xf32>
      %swap3A = arith.index_cast %add3A_32 : i32 to index
      %swap3A_34 = arith.constant 0 : index
      %swap3A_35 = tpu.vector_load %arg5[%swap3A, %swap3A_34] {strides = array<i32>} : memref<80x16xf32, #tpu.memory_space<vmem>>, vector<1x16xf32>,
      %swap3A_36 = vector.shape_cast %swap3A_35 : vector<1x16xf32> to vector<16xf32>
      %swap3A_37 = vector.shape_cast %broadcast_in_dim3A_33 : vector<16xf32> to vector<1x16xf32>
      tpu.vector_store %arg5[%swap3A, %swap3A_34], %swap3A_37 {strides = array<i32>} : memref<80x16xf32, #tpu.memory_space<vmem>>, vector<1x16xf32>,
    }
    %scan3A_3 = arith.constant 80 : i32
    %scan3A_4 = arith.constant 0 : i32
    %scan3A_5 = arith.constant 128 : i32
    %scan3A_6 = arith.addi %scan3A_4, %scan3A_5 : i32
    %scan3A_7 = arith.constant 1 : i32
    scf.for %scan3A_28 = %scan3A_4 to %scan3A_6 step %scan3A_7  : i32 {
      %mul3A_29 = arith.constant 1 : i32
      %mul3A_30 = arith.muli %scan3A_28, %mul3A_29 : i32
      %add3A_31 = arith.constant 0 : i32
      %add3A_32 = arith.addi %add3A_31, %mul3A_30 : i32
      %broadcast_in_dim3A = arith.constant 0.000000e+00 : f32
      %broadcast_in_dim3A_33 = vector.broadcast %broadcast_in_dim3A : f32 to vector<16xf32>
      %swap3A = arith.index_cast %add3A_32 : i32 to index
      %swap3A_34 = arith.constant 0 : index
      %swap3A_35 = tpu.vector_load %arg6[%swap3A, %swap3A_34] {strides = array<i32>} : memref<128x16xf32, #tpu.memory_space<vmem>>, vector<1x16xf32>,
      %swap3A_36 = vector.shape_cast %swap3A_35 : vector<1x16xf32> to vector<16xf32>
      %swap3A_37 = vector.shape_cast %broadcast_in_dim3A_33 : vector<16xf32> to vector<1x16xf32>
      tpu.vector_store %arg6[%swap3A, %swap3A_34], %swap3A_37 {strides = array<i32>} : memref<128x16xf32, #tpu.memory_space<vmem>>, vector<1x16xf32>,
    }
    %scan3A_8 = arith.constant 128 : i32
    %scan3A_9 = arith.constant 0 : i32
    %scan3A_10 = arith.constant 5 : i32
    %scan3A_11 = arith.addi %scan3A_9, %scan3A_10 : i32
    %scan3A_12 = arith.constant 1 : i32
    scf.for %scan3A_28 = %scan3A_9 to %scan3A_11 step %scan3A_12  : i32 {
      %mul3A_29 = arith.constant 1 : i32
      %mul3A_30 = arith.muli %scan3A_28, %mul3A_29 : i32
      %add3A_31 = arith.constant 0 : i32
      %add3A_32 = arith.addi %add3A_31, %mul3A_30 : i32
      %mul3A_33 = arith.constant 640 : i32
      %mul3A_34 = arith.muli %arg1, %mul3A_33 : i32
      %mul3A_35 = arith.constant 128 : i32
      %mul3A_36 = arith.muli %add3A_32, %mul3A_35 : i32
      %add3A_37 = arith.addi %mul3A_34, %mul3A_36 : i32
      %scan3A_38 = arith.constant 0 : i32
      %scan3A_39 = arith.constant 8 : i32
      %scan3A_40 = arith.addi %scan3A_38, %scan3A_39 : i32
      %scan3A_41 = arith.constant 1 : i32
      scf.for %scan3A_43 = %scan3A_38 to %scan3A_40 step %scan3A_41  : i32 {
        %mul3A_44 = arith.constant 1 : i32
        %mul3A_45 = arith.muli %scan3A_43, %mul3A_44 : i32
        %add3A_46 = arith.constant 0 : i32
        %add3A_47 = arith.addi %add3A_46, %mul3A_45 : i32
        %mul3A_48 = arith.constant 16 : i32
        %mul3A_49 = arith.muli %add3A_47, %mul3A_48 : i32
        %add3A_50 = arith.addi %add3A_37, %mul3A_49 : i32
        %iota3A = tpu.iota {dimensions = array<i32: 0>} : vector<16xi32>
        %add3A_51 = vector.broadcast %add3A_50 : i32 to vector<16xi32>
        %add3A_52 = arith.addi %add3A_51, %iota3A : vector<16xi32>
        %mul3A_53 = arith.constant 16 : i32
        %mul3A_54 = arith.muli %add3A_47, %mul3A_53 : i32
        %swap3A = arith.index_cast %mul3A_54 : i32 to index
        %swap3A_55 = tpu.vector_load %arg7[%swap3A] {strides = array<i32>} : memref<128xi32, #tpu.memory_space<vmem>>, vector<16xi32>,
        %swap3A_56 = vector.shape_cast %swap3A_55 : vector<16xi32> to vector<16xi32>
        %swap3A_57 = vector.shape_cast %add3A_52 : vector<16xi32> to vector<16xi32>
        tpu.vector_store %arg7[%swap3A], %swap3A_57 {strides = array<i32>} : memref<128xi32, #tpu.memory_space<vmem>>, vector<16xi32>,
      }
      %scan3A_42 = arith.constant 8 : i32
      "tpu.region"() ({
        %run_scoped3A = tpu.sem_alloc : memref<!tpu.dma_semaphore, #tpu.memory_space<semaphore_mem>>
        %dma_start3A = arith.constant 0 : i32
        %dma_start3A_43 = arith.constant 0 : i32
        %dma_start3A_44 = tpu.memref_slice %arg8[%dma_start3A, %dma_start3A_43] : memref<10240x16xf32, #tpu.memory_space<vmem_shared>> -> memref<10240x16xf32, #tpu.memory_space<vmem_shared>>
        tpu.enqueue_indirect_dma source(%arg6 : memref<128x16xf32, #tpu.memory_space<vmem>>) target(%dma_start3A_44 : memref<10240x16xf32, #tpu.memory_space<vmem_shared>>) offsets(%arg7 : memref<128xi32, #tpu.memory_space<vmem>>) semaphore(%run_scoped3A : memref<!tpu.dma_semaphore, #tpu.memory_space<semaphore_mem>>)
        %dma_wait3A = arith.constant 0 : i32
        %dma_wait3A_45 = arith.constant 0 : i32
        %dma_wait3A_46 = tpu.memref_slice %arg8[%dma_wait3A, %dma_wait3A_45] : memref<10240x16xf32, #tpu.memory_space<vmem_shared>> -> memref<10240x16xf32, #tpu.memory_space<vmem_shared>>
        tpu.wait_indirect_dma semaphore(%run_scoped3A : memref<!tpu.dma_semaphore, #tpu.memory_space<semaphore_mem>>) src(%arg6 : memref<128x16xf32, #tpu.memory_space<vmem>>) dst(%dma_wait3A_46 : memref<10240x16xf32, #tpu.memory_space<vmem_shared>>)
        tpu.yield
      }) : () -> ()
    }
    %scan3A_13 = arith.constant 5 : i32
    %barrier3A = arith.constant 0 : index
    tpu.barrier barrier_id(%barrier3A)
    %mul3A = arith.constant 16 : i32
    %mul3A_14 = arith.muli %arg0, %mul3A : i32
    %add3A = arith.addi %mul3A_14, %arg1 : i32
    %mul3A_15 = arith.constant 10000 : i32
    %mul3A_16 = arith.muli %add3A, %mul3A_15 : i32
    %scan3A_17 = arith.constant 0 : i32
    %scan3A_18 = arith.constant 125 : i32
    %scan3A_19 = arith.addi %scan3A_17, %scan3A_18 : i32
    %scan3A_20 = arith.constant 1 : i32
    scf.for %scan3A_28 = %scan3A_17 to %scan3A_19 step %scan3A_20  : i32 {
      %mul3A_29 = arith.constant 1 : i32
      %mul3A_30 = arith.muli %scan3A_28, %mul3A_29 : i32
      %add3A_31 = arith.constant 0 : i32
      %add3A_32 = arith.addi %add3A_31, %mul3A_30 : i32
      %mul3A_33 = arith.constant 80 : i32
      %mul3A_34 = arith.muli %add3A_32, %mul3A_33 : i32
      %add3A_35 = arith.addi %mul3A_16, %mul3A_34 : i32
      "tpu.region"() ({
        %run_scoped3A = tpu.sem_alloc : memref<!tpu.dma_semaphore, #tpu.memory_space<semaphore_mem>>
        %dma_start3A = tpu.memref_slice %arg2[%add3A_35] : memref<320000xi32, #tpu.memory_space<hbm>> -> memref<80xi32, #tpu.memory_space<hbm>>
        %dma_start3A_36 = tpu.memref_slice %arg2[%add3A_35] : memref<320000xi32, #tpu.memory_space<hbm>> -> memref<80xi32, #tpu.memory_space<hbm>>
        tpu.enqueue_dma source(%dma_start3A_36 : memref<80xi32, #tpu.memory_space<hbm>>) target(%arg4 : memref<80xi32, #tpu.memory_space<vmem>>) target_semaphore(%run_scoped3A : memref<!tpu.dma_semaphore, #tpu.memory_space<semaphore_mem>>)
        %dma_wait3A = tpu.memref_slice %arg2[%add3A_35] : memref<320000xi32, #tpu.memory_space<hbm>> -> memref<80xi32, #tpu.memory_space<hbm>>
        %dma_wait3A_37 = tpu.memref_slice %arg2[%add3A_35] : memref<320000xi32, #tpu.memory_space<hbm>> -> memref<80xi32, #tpu.memory_space<hbm>>
        tpu.wait_dma2 semaphore(%run_scoped3A : memref<!tpu.dma_semaphore, #tpu.memory_space<semaphore_mem>>) src(%dma_wait3A_37 : memref<80xi32, #tpu.memory_space<hbm>>) dst(%arg4 : memref<80xi32, #tpu.memory_space<vmem>>)
        tpu.yield
      }) : () -> ()
      "tpu.region"() ({
        %run_scoped3A = tpu.sem_alloc : memref<!tpu.dma_semaphore, #tpu.memory_space<semaphore_mem>>
        %dma_start3A = arith.constant 0 : i32
        %dma_start3A_36 = arith.constant 0 : i32
        %dma_start3A_37 = tpu.memref_slice %arg8[%dma_start3A, %dma_start3A_36] : memref<10240x16xf32, #tpu.memory_space<vmem_shared>> -> memref<10240x16xf32, #tpu.memory_space<vmem_shared>>
        tpu.enqueue_indirect_dma source(%arg5 : memref<80x16xf32, #tpu.memory_space<vmem>>) target(%dma_start3A_37 : memref<10240x16xf32, #tpu.memory_space<vmem_shared>>) offsets(%arg4 : memref<80xi32, #tpu.memory_space<vmem>>) semaphore(%run_scoped3A : memref<!tpu.dma_semaphore, #tpu.memory_space<semaphore_mem>>) {add = true}
        %dma_wait3A = arith.constant 0 : i32
        %dma_wait3A_38 = arith.constant 0 : i32
        %dma_wait3A_39 = tpu.memref_slice %arg8[%dma_wait3A, %dma_wait3A_38] : memref<10240x16xf32, #tpu.memory_space<vmem_shared>> -> memref<10240x16xf32, #tpu.memory_space<vmem_shared>>
        tpu.wait_indirect_dma semaphore(%run_scoped3A : memref<!tpu.dma_semaphore, #tpu.memory_space<semaphore_mem>>) src(%arg5 : memref<80x16xf32, #tpu.memory_space<vmem>>) dst(%dma_wait3A_39 : memref<10240x16xf32, #tpu.memory_space<vmem_shared>>)
        tpu.yield
      }) : () -> ()
    }
    %scan3A_21 = arith.constant 125 : i32
    %barrier3A_22 = arith.constant 0 : index
    tpu.barrier barrier_id(%barrier3A_22)
    %scan3A_23 = arith.constant 0 : i32
    %scan3A_24 = arith.constant 5 : i32
    %scan3A_25 = arith.addi %scan3A_23, %scan3A_24 : i32
    %scan3A_26 = arith.constant 1 : i32
    scf.for %scan3A_28 = %scan3A_23 to %scan3A_25 step %scan3A_26  : i32 {
      %mul3A_29 = arith.constant 1 : i32
      %mul3A_30 = arith.muli %scan3A_28, %mul3A_29 : i32
      %add3A_31 = arith.constant 0 : i32
      %add3A_32 = arith.addi %add3A_31, %mul3A_30 : i32
      %mul3A_33 = arith.constant 640 : i32
      %mul3A_34 = arith.muli %arg1, %mul3A_33 : i32
      %mul3A_35 = arith.constant 128 : i32
      %mul3A_36 = arith.muli %add3A_32, %mul3A_35 : i32
      %add3A_37 = arith.addi %mul3A_34, %mul3A_36 : i32
      %scan3A_38 = arith.constant 0 : i32
      %scan3A_39 = arith.constant 8 : i32
      %scan3A_40 = arith.addi %scan3A_38, %scan3A_39 : i32
      %scan3A_41 = arith.constant 1 : i32
      scf.for %scan3A_50 = %scan3A_38 to %scan3A_40 step %scan3A_41  : i32 {
        %mul3A_51 = arith.constant 1 : i32
        %mul3A_52 = arith.muli %scan3A_50, %mul3A_51 : i32
        %add3A_53 = arith.constant 0 : i32
        %add3A_54 = arith.addi %add3A_53, %mul3A_52 : i32
        %mul3A_55 = arith.constant 16 : i32
        %mul3A_56 = arith.muli %add3A_54, %mul3A_55 : i32
        %add3A_57 = arith.addi %add3A_37, %mul3A_56 : i32
        %iota3A = tpu.iota {dimensions = array<i32: 0>} : vector<16xi32>
        %add3A_58 = vector.broadcast %add3A_57 : i32 to vector<16xi32>
        %add3A_59 = arith.addi %add3A_58, %iota3A : vector<16xi32>
        %mul3A_60 = arith.constant 16 : i32
        %mul3A_61 = arith.muli %add3A_54, %mul3A_60 : i32
        %swap3A = arith.index_cast %mul3A_61 : i32 to index
        %swap3A_62 = tpu.vector_load %arg7[%swap3A] {strides = array<i32>} : memref<128xi32, #tpu.memory_space<vmem>>, vector<16xi32>,
        %swap3A_63 = vector.shape_cast %swap3A_62 : vector<16xi32> to vector<16xi32>
        %swap3A_64 = vector.shape_cast %add3A_59 : vector<16xi32> to vector<16xi32>
        tpu.vector_store %arg7[%swap3A], %swap3A_64 {strides = array<i32>} : memref<128xi32, #tpu.memory_space<vmem>>, vector<16xi32>,
      }
      %scan3A_42 = arith.constant 8 : i32
      %dma_start3A = arith.constant 0 : i32
      %dma_start3A_43 = arith.constant 0 : i32
      %dma_start3A_44 = tpu.memref_slice %arg8[%dma_start3A, %dma_start3A_43] : memref<10240x16xf32, #tpu.memory_space<vmem_shared>> -> memref<10240x16xf32, #tpu.memory_space<vmem_shared>>
      tpu.enqueue_indirect_dma source(%dma_start3A_44 : memref<10240x16xf32, #tpu.memory_space<vmem_shared>>) target(%arg6 : memref<128x16xf32, #tpu.memory_space<vmem>>) offsets(%arg7 : memref<128xi32, #tpu.memory_space<vmem>>) semaphore(%arg9 : memref<!tpu.dma_semaphore, #tpu.memory_space<semaphore_mem>>)
      %dma_wait3A = arith.constant 0 : i32
      %dma_wait3A_45 = arith.constant 0 : i32
      %dma_wait3A_46 = tpu.memref_slice %arg8[%dma_wait3A, %dma_wait3A_45] : memref<10240x16xf32, #tpu.memory_space<vmem_shared>> -> memref<10240x16xf32, #tpu.memory_space<vmem_shared>>
      tpu.wait_indirect_dma semaphore(%arg9 : memref<!tpu.dma_semaphore, #tpu.memory_space<semaphore_mem>>) src(%dma_wait3A_46 : memref<10240x16xf32, #tpu.memory_space<vmem_shared>>) dst(%arg6 : memref<128x16xf32, #tpu.memory_space<vmem>>)
      %mul3A_47 = arith.constant 10240 : i32
      %mul3A_48 = arith.muli %arg0, %mul3A_47 : i32
      %add3A_49 = arith.addi %mul3A_48, %add3A_37 : i32
      "tpu.region"() ({
        %run_scoped3A = tpu.sem_alloc : memref<!tpu.dma_semaphore, #tpu.memory_space<semaphore_mem>>
        %dma_start3A_50 = arith.constant 0 : i32
        %dma_start3A_51 = tpu.memref_slice %arg3[%add3A_49, %dma_start3A_50] : memref<20480x16xf32, #tpu.memory_space<hbm>> -> memref<128x16xf32, #tpu.memory_space<hbm>>
        %dma_start3A_52 = arith.constant 0 : i32
        %dma_start3A_53 = tpu.memref_slice %arg3[%add3A_49, %dma_start3A_52] : memref<20480x16xf32, #tpu.memory_space<hbm>> -> memref<128x16xf32, #tpu.memory_space<hbm>>
        tpu.enqueue_dma source(%arg6 : memref<128x16xf32, #tpu.memory_space<vmem>>) target(%dma_start3A_53 : memref<128x16xf32, #tpu.memory_space<hbm>>) target_semaphore(%run_scoped3A : memref<!tpu.dma_semaphore, #tpu.memory_space<semaphore_mem>>)
        %dma_wait3A_54 = arith.constant 0 : i32
        %dma_wait3A_55 = tpu.memref_slice %arg3[%add3A_49, %dma_wait3A_54] : memref<20480x16xf32, #tpu.memory_space<hbm>> -> memref<128x16xf32, #tpu.memory_space<hbm>>
        %dma_wait3A_56 = arith.constant 0 : i32
        %dma_wait3A_57 = tpu.memref_slice %arg3[%add3A_49, %dma_wait3A_56] : memref<20480x16xf32, #tpu.memory_space<hbm>> -> memref<128x16xf32, #tpu.memory_space<hbm>>
        tpu.wait_dma2 semaphore(%run_scoped3A : memref<!tpu.dma_semaphore, #tpu.memory_space<semaphore_mem>>) src(%arg6 : memref<128x16xf32, #tpu.memory_space<vmem>>) dst(%dma_wait3A_57 : memref<128x16xf32, #tpu.memory_space<hbm>>)
        tpu.yield
      }) : () -> ()
    }
    %scan3A_27 = arith.constant 5 : i32
    return
  }
}

#map = affine_map<(d0, d1) -> (0, 0)>
#map1 = affine_map<(d0, d1) -> (0)>
module attributes {stable_mosaic.version = 14 : i64} {
  func.func @_seg_kernel(%arg0: i32, %arg1: i32, %arg2: memref<20480x128xf32, #tpu.memory_space<hbm>>, %arg3: memref<320000xi32, #tpu.memory_space<hbm>>, %arg4: memref<320000xi32, #tpu.memory_space<hbm>>, %arg5: memref<20480x128xf32, #tpu.memory_space<hbm>>, %arg6: memref<112xi32, #tpu.memory_space<vmem>>, %arg7: memref<112xi32, #tpu.memory_space<vmem>>, %arg8: memref<112xi32, #tpu.memory_space<vmem>>, %arg9: memref<112xi32, #tpu.memory_space<vmem>>, %arg10: memref<112x128xf32, #tpu.memory_space<vmem>>, %arg11: memref<112x128xf32, #tpu.memory_space<vmem>>, %arg12: memref<64xi32, #tpu.memory_space<vmem>>, %arg13: memref<64xi32, #tpu.memory_space<vmem>>, %arg14: memref<64x128xf32, #tpu.memory_space<vmem>>, %arg15: memref<32x128xf32, #tpu.memory_space<vmem>>, %arg16: memref<32x128xf32, #tpu.memory_space<vmem>>, %arg17: memref<32xi32, #tpu.memory_space<vmem>>, %arg18: memref<32xi32, #tpu.memory_space<vmem>>, %arg19: memref<10240x128xf32, #tpu.memory_space<vmem_shared>>, %arg20: memref<!tpu.dma_semaphore, #tpu.memory_space<semaphore_mem>>, %arg21: memref<!tpu.dma_semaphore, #tpu.memory_space<semaphore_mem>>) attributes {dimension_semantics = [#tpu.dimension_semantics<core_parallel>, #tpu.dimension_semantics<subcore_parallel>], iteration_bounds = array<i64: 2, 16>, scalar_prefetch = 0 : i64, scratch_operands = 16 : i64, tpu.core_type = #tpu.core_type<sc_vector_subcore>, window_params = [{transform_indices = #map}, {transform_indices = #map1}, {transform_indices = #map1}, {transform_indices = #map}]} {
    %mul3A = arith.constant 10240 : i32
    %mul3A_0 = arith.muli %arg0, %mul3A : i32
    %mul3A_1 = arith.constant 640 : i32
    %mul3A_2 = arith.muli %arg1, %mul3A_1 : i32
    %add3A = arith.constant 0 : i32
    %add3A_3 = arith.addi %mul3A_2, %add3A : i32
    %add3A_4 = arith.addi %mul3A_0, %add3A_3 : i32
    %dma_start3A = arith.constant 0 : i32
    %dma_start3A_5 = tpu.memref_slice %arg2[%add3A_4, %dma_start3A] : memref<20480x128xf32, #tpu.memory_space<hbm>> -> memref<32x128xf32, #tpu.memory_space<hbm>>
    %dma_start3A_6 = arith.constant 0 : i32
    %dma_start3A_7 = tpu.memref_slice %arg2[%add3A_4, %dma_start3A_6] : memref<20480x128xf32, #tpu.memory_space<hbm>> -> memref<32x128xf32, #tpu.memory_space<hbm>>
    tpu.enqueue_dma source(%dma_start3A_7 : memref<32x128xf32, #tpu.memory_space<hbm>>) target(%arg15 : memref<32x128xf32, #tpu.memory_space<vmem>>) target_semaphore(%arg20 : memref<!tpu.dma_semaphore, #tpu.memory_space<semaphore_mem>>)
    %scan3A = arith.constant 0 : i32
    %scan3A_8 = arith.constant 10 : i32
    %scan3A_9 = arith.addi %scan3A, %scan3A_8 : i32
    %scan3A_10 = arith.constant 1 : i32
    scf.for %scan3A_57 = %scan3A to %scan3A_9 step %scan3A_10  : i32 {
      %mul3A_58 = arith.constant 1 : i32
      %mul3A_59 = arith.muli %scan3A_57, %mul3A_58 : i32
      %add3A_60 = arith.constant 0 : i32
      %add3A_61 = arith.addi %add3A_60, %mul3A_59 : i32
      %mul3A_62 = arith.constant 2 : i32
      %mul3A_63 = arith.muli %mul3A_62, %add3A_61 : i32
      %add3A_64 = arith.constant 1 : i32
      %add3A_65 = arith.addi %mul3A_63, %add3A_64 : i32
      %mul3A_66 = arith.constant 640 : i32
      %mul3A_67 = arith.muli %arg1, %mul3A_66 : i32
      %mul3A_68 = arith.constant 32 : i32
      %mul3A_69 = arith.muli %add3A_65, %mul3A_68 : i32
      %add3A_70 = arith.addi %mul3A_67, %mul3A_69 : i32
      %add3A_71 = arith.addi %mul3A_0, %add3A_70 : i32
      %dma_start3A_72 = arith.constant 0 : i32
      %dma_start3A_73 = tpu.memref_slice %arg2[%add3A_71, %dma_start3A_72] : memref<20480x128xf32, #tpu.memory_space<hbm>> -> memref<32x128xf32, #tpu.memory_space<hbm>>
      %dma_start3A_74 = arith.constant 0 : i32
      %dma_start3A_75 = tpu.memref_slice %arg2[%add3A_71, %dma_start3A_74] : memref<20480x128xf32, #tpu.memory_space<hbm>> -> memref<32x128xf32, #tpu.memory_space<hbm>>
      tpu.enqueue_dma source(%dma_start3A_75 : memref<32x128xf32, #tpu.memory_space<hbm>>) target(%arg16 : memref<32x128xf32, #tpu.memory_space<vmem>>) target_semaphore(%arg21 : memref<!tpu.dma_semaphore, #tpu.memory_space<semaphore_mem>>)
      %mul3A_76 = arith.constant 640 : i32
      %mul3A_77 = arith.muli %arg1, %mul3A_76 : i32
      %mul3A_78 = arith.constant 32 : i32
      %mul3A_79 = arith.muli %mul3A_63, %mul3A_78 : i32
      %add3A_80 = arith.addi %mul3A_77, %mul3A_79 : i32
      %add3A_81 = arith.addi %mul3A_0, %add3A_80 : i32
      %dma_wait3A_82 = arith.constant 0 : i32
      %dma_wait3A_83 = tpu.memref_slice %arg2[%add3A_81, %dma_wait3A_82] : memref<20480x128xf32, #tpu.memory_space<hbm>> -> memref<32x128xf32, #tpu.memory_space<hbm>>
      %dma_wait3A_84 = arith.constant 0 : i32
      %dma_wait3A_85 = tpu.memref_slice %arg2[%add3A_81, %dma_wait3A_84] : memref<20480x128xf32, #tpu.memory_space<hbm>> -> memref<32x128xf32, #tpu.memory_space<hbm>>
      tpu.wait_dma2 semaphore(%arg20 : memref<!tpu.dma_semaphore, #tpu.memory_space<semaphore_mem>>) src(%dma_wait3A_85 : memref<32x128xf32, #tpu.memory_space<hbm>>) dst(%arg15 : memref<32x128xf32, #tpu.memory_space<vmem>>)
      %scan3A_86 = arith.constant 0 : i32
      %scan3A_87 = arith.constant 2 : i32
      %scan3A_88 = arith.addi %scan3A_86, %scan3A_87 : i32
      %scan3A_89 = arith.constant 1 : i32
      scf.for %scan3A_110 = %scan3A_86 to %scan3A_88 step %scan3A_89  : i32 {
        %mul3A_111 = arith.constant 1 : i32
        %mul3A_112 = arith.muli %scan3A_110, %mul3A_111 : i32
        %add3A_113 = arith.constant 0 : i32
        %add3A_114 = arith.addi %add3A_113, %mul3A_112 : i32
        %mul3A_115 = arith.constant 16 : i32
        %mul3A_116 = arith.muli %add3A_114, %mul3A_115 : i32
        %add3A_117 = arith.addi %add3A_80, %mul3A_116 : i32
        %iota3A = tpu.iota {dimensions = array<i32: 0>} : vector<16xi32>
        %add3A_118 = vector.broadcast %add3A_117 : i32 to vector<16xi32>
        %add3A_119 = arith.addi %add3A_118, %iota3A : vector<16xi32>
        %mul3A_120 = arith.constant 16 : i32
        %mul3A_121 = arith.muli %add3A_114, %mul3A_120 : i32
        %swap3A = arith.index_cast %mul3A_121 : i32 to index
        %swap3A_122 = tpu.vector_load %arg17[%swap3A] {strides = array<i32>} : memref<32xi32, #tpu.memory_space<vmem>>, vector<16xi32>,
        %swap3A_123 = vector.shape_cast %swap3A_122 : vector<16xi32> to vector<16xi32>
        %swap3A_124 = vector.shape_cast %add3A_119 : vector<16xi32> to vector<16xi32>
        tpu.vector_store %arg17[%swap3A], %swap3A_124 {strides = array<i32>} : memref<32xi32, #tpu.memory_space<vmem>>, vector<16xi32>,
      }
      %scan3A_90 = arith.constant 2 : i32
      "tpu.region"() ({
        %run_scoped3A = tpu.sem_alloc : memref<!tpu.dma_semaphore, #tpu.memory_space<semaphore_mem>>
        %dma_start3A_110 = arith.constant 0 : i32
        %dma_start3A_111 = arith.constant 0 : i32
        %dma_start3A_112 = tpu.memref_slice %arg19[%dma_start3A_110, %dma_start3A_111] : memref<10240x128xf32, #tpu.memory_space<vmem_shared>> -> memref<10240x128xf32, #tpu.memory_space<vmem_shared>>
        tpu.enqueue_indirect_dma source(%arg15 : memref<32x128xf32, #tpu.memory_space<vmem>>) target(%dma_start3A_112 : memref<10240x128xf32, #tpu.memory_space<vmem_shared>>) offsets(%arg17 : memref<32xi32, #tpu.memory_space<vmem>>) semaphore(%run_scoped3A : memref<!tpu.dma_semaphore, #tpu.memory_space<semaphore_mem>>)
        %dma_wait3A_113 = arith.constant 0 : i32
        %dma_wait3A_114 = arith.constant 0 : i32
        %dma_wait3A_115 = tpu.memref_slice %arg19[%dma_wait3A_113, %dma_wait3A_114] : memref<10240x128xf32, #tpu.memory_space<vmem_shared>> -> memref<10240x128xf32, #tpu.memory_space<vmem_shared>>
        tpu.wait_indirect_dma semaphore(%run_scoped3A : memref<!tpu.dma_semaphore, #tpu.memory_space<semaphore_mem>>) src(%arg15 : memref<32x128xf32, #tpu.memory_space<vmem>>) dst(%dma_wait3A_115 : memref<10240x128xf32, #tpu.memory_space<vmem_shared>>)
        tpu.yield
      }) : () -> ()
      %lt3A = arith.constant 9 : i32
      %lt3A_91 = arith.cmpi slt, %add3A_61, %lt3A : i32
      %convert_element_type3A = arith.extui %lt3A_91 : i1 to i32
      %cond3A = arith.constant 0 : i32
      %cond3A_92 = arith.cmpi ne, %convert_element_type3A, %cond3A : i32
      scf.if %cond3A_92 {
        %add3A_110 = arith.constant 2 : i32
        %add3A_111 = arith.addi %mul3A_63, %add3A_110 : i32
        %mul3A_112 = arith.constant 640 : i32
        %mul3A_113 = arith.muli %arg1, %mul3A_112 : i32
        %mul3A_114 = arith.constant 32 : i32
        %mul3A_115 = arith.muli %add3A_111, %mul3A_114 : i32
        %add3A_116 = arith.addi %mul3A_113, %mul3A_115 : i32
        %add3A_117 = arith.addi %mul3A_0, %add3A_116 : i32
        %dma_start3A_118 = arith.constant 0 : i32
        %dma_start3A_119 = tpu.memref_slice %arg2[%add3A_117, %dma_start3A_118] : memref<20480x128xf32, #tpu.memory_space<hbm>> -> memref<32x128xf32, #tpu.memory_space<hbm>>
        %dma_start3A_120 = arith.constant 0 : i32
        %dma_start3A_121 = tpu.memref_slice %arg2[%add3A_117, %dma_start3A_120] : memref<20480x128xf32, #tpu.memory_space<hbm>> -> memref<32x128xf32, #tpu.memory_space<hbm>>
        tpu.enqueue_dma source(%dma_start3A_121 : memref<32x128xf32, #tpu.memory_space<hbm>>) target(%arg15 : memref<32x128xf32, #tpu.memory_space<vmem>>) target_semaphore(%arg20 : memref<!tpu.dma_semaphore, #tpu.memory_space<semaphore_mem>>)
      } else {
      }
      %add3A_93 = arith.constant 1 : i32
      %add3A_94 = arith.addi %mul3A_63, %add3A_93 : i32
      %mul3A_95 = arith.constant 640 : i32
      %mul3A_96 = arith.muli %arg1, %mul3A_95 : i32
      %mul3A_97 = arith.constant 32 : i32
      %mul3A_98 = arith.muli %add3A_94, %mul3A_97 : i32
      %add3A_99 = arith.addi %mul3A_96, %mul3A_98 : i32
      %add3A_100 = arith.addi %mul3A_0, %add3A_99 : i32
      %dma_wait3A_101 = arith.constant 0 : i32
      %dma_wait3A_102 = tpu.memref_slice %arg2[%add3A_100, %dma_wait3A_101] : memref<20480x128xf32, #tpu.memory_space<hbm>> -> memref<32x128xf32, #tpu.memory_space<hbm>>
      %dma_wait3A_103 = arith.constant 0 : i32
      %dma_wait3A_104 = tpu.memref_slice %arg2[%add3A_100, %dma_wait3A_103] : memref<20480x128xf32, #tpu.memory_space<hbm>> -> memref<32x128xf32, #tpu.memory_space<hbm>>
      tpu.wait_dma2 semaphore(%arg21 : memref<!tpu.dma_semaphore, #tpu.memory_space<semaphore_mem>>) src(%dma_wait3A_104 : memref<32x128xf32, #tpu.memory_space<hbm>>) dst(%arg16 : memref<32x128xf32, #tpu.memory_space<vmem>>)
      %scan3A_105 = arith.constant 0 : i32
      %scan3A_106 = arith.constant 2 : i32
      %scan3A_107 = arith.addi %scan3A_105, %scan3A_106 : i32
      %scan3A_108 = arith.constant 1 : i32
      scf.for %scan3A_110 = %scan3A_105 to %scan3A_107 step %scan3A_108  : i32 {
        %mul3A_111 = arith.constant 1 : i32
        %mul3A_112 = arith.muli %scan3A_110, %mul3A_111 : i32
        %add3A_113 = arith.constant 0 : i32
        %add3A_114 = arith.addi %add3A_113, %mul3A_112 : i32
        %mul3A_115 = arith.constant 16 : i32
        %mul3A_116 = arith.muli %add3A_114, %mul3A_115 : i32
        %add3A_117 = arith.addi %add3A_99, %mul3A_116 : i32
        %iota3A = tpu.iota {dimensions = array<i32: 0>} : vector<16xi32>
        %add3A_118 = vector.broadcast %add3A_117 : i32 to vector<16xi32>
        %add3A_119 = arith.addi %add3A_118, %iota3A : vector<16xi32>
        %mul3A_120 = arith.constant 16 : i32
        %mul3A_121 = arith.muli %add3A_114, %mul3A_120 : i32
        %swap3A = arith.index_cast %mul3A_121 : i32 to index
        %swap3A_122 = tpu.vector_load %arg18[%swap3A] {strides = array<i32>} : memref<32xi32, #tpu.memory_space<vmem>>, vector<16xi32>,
        %swap3A_123 = vector.shape_cast %swap3A_122 : vector<16xi32> to vector<16xi32>
        %swap3A_124 = vector.shape_cast %add3A_119 : vector<16xi32> to vector<16xi32>
        tpu.vector_store %arg18[%swap3A], %swap3A_124 {strides = array<i32>} : memref<32xi32, #tpu.memory_space<vmem>>, vector<16xi32>,
      }
      %scan3A_109 = arith.constant 2 : i32
      "tpu.region"() ({
        %run_scoped3A = tpu.sem_alloc : memref<!tpu.dma_semaphore, #tpu.memory_space<semaphore_mem>>
        %dma_start3A_110 = arith.constant 0 : i32
        %dma_start3A_111 = arith.constant 0 : i32
        %dma_start3A_112 = tpu.memref_slice %arg19[%dma_start3A_110, %dma_start3A_111] : memref<10240x128xf32, #tpu.memory_space<vmem_shared>> -> memref<10240x128xf32, #tpu.memory_space<vmem_shared>>
        tpu.enqueue_indirect_dma source(%arg16 : memref<32x128xf32, #tpu.memory_space<vmem>>) target(%dma_start3A_112 : memref<10240x128xf32, #tpu.memory_space<vmem_shared>>) offsets(%arg18 : memref<32xi32, #tpu.memory_space<vmem>>) semaphore(%run_scoped3A : memref<!tpu.dma_semaphore, #tpu.memory_space<semaphore_mem>>)
        %dma_wait3A_113 = arith.constant 0 : i32
        %dma_wait3A_114 = arith.constant 0 : i32
        %dma_wait3A_115 = tpu.memref_slice %arg19[%dma_wait3A_113, %dma_wait3A_114] : memref<10240x128xf32, #tpu.memory_space<vmem_shared>> -> memref<10240x128xf32, #tpu.memory_space<vmem_shared>>
        tpu.wait_indirect_dma semaphore(%run_scoped3A : memref<!tpu.dma_semaphore, #tpu.memory_space<semaphore_mem>>) src(%arg16 : memref<32x128xf32, #tpu.memory_space<vmem>>) dst(%dma_wait3A_115 : memref<10240x128xf32, #tpu.memory_space<vmem_shared>>)
        tpu.yield
      }) : () -> ()
    }
    %scan3A_11 = arith.constant 10 : i32
    %barrier3A = arith.constant 0 : index
    tpu.barrier barrier_id(%barrier3A)
    %mul3A_12 = arith.constant 20000 : i32
    %mul3A_13 = arith.muli %arg1, %mul3A_12 : i32
    "tpu.region"() ({
      %run_scoped3A = tpu.sem_alloc : memref<!tpu.dma_semaphore, #tpu.memory_space<semaphore_mem>>
      %dma_start3A_57 = tpu.memref_slice %arg3[%mul3A_13] : memref<320000xi32, #tpu.memory_space<hbm>> -> memref<112xi32, #tpu.memory_space<hbm>>
      %dma_start3A_58 = tpu.memref_slice %arg3[%mul3A_13] : memref<320000xi32, #tpu.memory_space<hbm>> -> memref<112xi32, #tpu.memory_space<hbm>>
      tpu.enqueue_dma source(%dma_start3A_58 : memref<112xi32, #tpu.memory_space<hbm>>) target(%arg6 : memref<112xi32, #tpu.memory_space<vmem>>) target_semaphore(%run_scoped3A : memref<!tpu.dma_semaphore, #tpu.memory_space<semaphore_mem>>)
      %dma_wait3A_59 = tpu.memref_slice %arg3[%mul3A_13] : memref<320000xi32, #tpu.memory_space<hbm>> -> memref<112xi32, #tpu.memory_space<hbm>>
      %dma_wait3A_60 = tpu.memref_slice %arg3[%mul3A_13] : memref<320000xi32, #tpu.memory_space<hbm>> -> memref<112xi32, #tpu.memory_space<hbm>>
      tpu.wait_dma2 semaphore(%run_scoped3A : memref<!tpu.dma_semaphore, #tpu.memory_space<semaphore_mem>>) src(%dma_wait3A_60 : memref<112xi32, #tpu.memory_space<hbm>>) dst(%arg6 : memref<112xi32, #tpu.memory_space<vmem>>)
      tpu.yield
    }) : () -> ()
    "tpu.region"() ({
      %run_scoped3A = tpu.sem_alloc : memref<!tpu.dma_semaphore, #tpu.memory_space<semaphore_mem>>
      %dma_start3A_57 = tpu.memref_slice %arg4[%mul3A_13] : memref<320000xi32, #tpu.memory_space<hbm>> -> memref<112xi32, #tpu.memory_space<hbm>>
      %dma_start3A_58 = tpu.memref_slice %arg4[%mul3A_13] : memref<320000xi32, #tpu.memory_space<hbm>> -> memref<112xi32, #tpu.memory_space<hbm>>
      tpu.enqueue_dma source(%dma_start3A_58 : memref<112xi32, #tpu.memory_space<hbm>>) target(%arg8 : memref<112xi32, #tpu.memory_space<vmem>>) target_semaphore(%run_scoped3A : memref<!tpu.dma_semaphore, #tpu.memory_space<semaphore_mem>>)
      %dma_wait3A_59 = tpu.memref_slice %arg4[%mul3A_13] : memref<320000xi32, #tpu.memory_space<hbm>> -> memref<112xi32, #tpu.memory_space<hbm>>
      %dma_wait3A_60 = tpu.memref_slice %arg4[%mul3A_13] : memref<320000xi32, #tpu.memory_space<hbm>> -> memref<112xi32, #tpu.memory_space<hbm>>
      tpu.wait_dma2 semaphore(%run_scoped3A : memref<!tpu.dma_semaphore, #tpu.memory_space<semaphore_mem>>) src(%dma_wait3A_60 : memref<112xi32, #tpu.memory_space<hbm>>) dst(%arg8 : memref<112xi32, #tpu.memory_space<vmem>>)
      tpu.yield
    }) : () -> ()
    %scan3A_14 = arith.constant 0 : i32
    %scan3A_15 = arith.constant 7 : i32
    %scan3A_16 = arith.addi %scan3A_14, %scan3A_15 : i32
    %scan3A_17 = arith.constant 1 : i32
    scf.for %scan3A_57 = %scan3A_14 to %scan3A_16 step %scan3A_17  : i32 {
      %mul3A_58 = arith.constant 1 : i32
      %mul3A_59 = arith.muli %scan3A_57, %mul3A_58 : i32
      %add3A_60 = arith.constant 0 : i32
      %add3A_61 = arith.addi %add3A_60, %mul3A_59 : i32
      %mul3A_62 = arith.constant 16 : i32
      %mul3A_63 = arith.muli %add3A_61, %mul3A_62 : i32
      %get3A = arith.index_cast %mul3A_63 : i32 to index
      %get3A_64 = tpu.vector_load %arg6[%get3A] {strides = array<i32>} : memref<112xi32, #tpu.memory_space<vmem>>, vector<16xi32>,
      %get3A_65 = vector.shape_cast %get3A_64 : vector<16xi32> to vector<16xi32>
      %add3A_66 = vector.broadcast %mul3A_0 : i32 to vector<16xi32>
      %add3A_67 = arith.addi %get3A_65, %add3A_66 : vector<16xi32>
      %mul3A_68 = arith.constant 16 : i32
      %mul3A_69 = arith.muli %add3A_61, %mul3A_68 : i32
      %swap3A = arith.index_cast %mul3A_69 : i32 to index
      %swap3A_70 = tpu.vector_load %arg6[%swap3A] {strides = array<i32>} : memref<112xi32, #tpu.memory_space<vmem>>, vector<16xi32>,
      %swap3A_71 = vector.shape_cast %swap3A_70 : vector<16xi32> to vector<16xi32>
      %swap3A_72 = vector.shape_cast %add3A_67 : vector<16xi32> to vector<16xi32>
      tpu.vector_store %arg6[%swap3A], %swap3A_72 {strides = array<i32>} : memref<112xi32, #tpu.memory_space<vmem>>, vector<16xi32>,
    }
    %scan3A_18 = arith.constant 7 : i32
    %dma_start3A_19 = arith.constant 0 : i32
    %dma_start3A_20 = arith.constant 0 : i32
    %dma_start3A_21 = tpu.memref_slice %arg2[%dma_start3A_19, %dma_start3A_20] : memref<20480x128xf32, #tpu.memory_space<hbm>> -> memref<20480x128xf32, #tpu.memory_space<hbm>>
    tpu.enqueue_indirect_dma source(%dma_start3A_21 : memref<20480x128xf32, #tpu.memory_space<hbm>>) target(%arg10 : memref<112x128xf32, #tpu.memory_space<vmem>>) offsets(%arg6 : memref<112xi32, #tpu.memory_space<vmem>>) semaphore(%arg20 : memref<!tpu.dma_semaphore, #tpu.memory_space<semaphore_mem>>)
    %scan3A_22 = arith.constant 0 : i32
    %scan3A_23 = arith.constant 89 : i32
    %scan3A_24 = arith.addi %scan3A_22, %scan3A_23 : i32
    %scan3A_25 = arith.constant 1 : i32
    scf.for %scan3A_57 = %scan3A_22 to %scan3A_24 step %scan3A_25  : i32 {
      %mul3A_58 = arith.constant 1 : i32
      %mul3A_59 = arith.muli %scan3A_57, %mul3A_58 : i32
      %add3A_60 = arith.constant 0 : i32
      %add3A_61 = arith.addi %add3A_60, %mul3A_59 : i32
      %mul3A_62 = arith.constant 2 : i32
      %mul3A_63 = arith.muli %mul3A_62, %add3A_61 : i32
      %add3A_64 = arith.constant 1 : i32
      %add3A_65 = arith.addi %mul3A_63, %add3A_64 : i32
      %mul3A_66 = arith.constant 112 : i32
      %mul3A_67 = arith.muli %add3A_65, %mul3A_66 : i32
      %add3A_68 = arith.addi %mul3A_13, %mul3A_67 : i32
      "tpu.region"() ({
        %run_scoped3A = tpu.sem_alloc : memref<!tpu.dma_semaphore, #tpu.memory_space<semaphore_mem>>
        %dma_start3A_85 = tpu.memref_slice %arg3[%add3A_68] : memref<320000xi32, #tpu.memory_space<hbm>> -> memref<112xi32, #tpu.memory_space<hbm>>
        %dma_start3A_86 = tpu.memref_slice %arg3[%add3A_68] : memref<320000xi32, #tpu.memory_space<hbm>> -> memref<112xi32, #tpu.memory_space<hbm>>
        tpu.enqueue_dma source(%dma_start3A_86 : memref<112xi32, #tpu.memory_space<hbm>>) target(%arg7 : memref<112xi32, #tpu.memory_space<vmem>>) target_semaphore(%run_scoped3A : memref<!tpu.dma_semaphore, #tpu.memory_space<semaphore_mem>>)
        %dma_wait3A_87 = tpu.memref_slice %arg3[%add3A_68] : memref<320000xi32, #tpu.memory_space<hbm>> -> memref<112xi32, #tpu.memory_space<hbm>>
        %dma_wait3A_88 = tpu.memref_slice %arg3[%add3A_68] : memref<320000xi32, #tpu.memory_space<hbm>> -> memref<112xi32, #tpu.memory_space<hbm>>
        tpu.wait_dma2 semaphore(%run_scoped3A : memref<!tpu.dma_semaphore, #tpu.memory_space<semaphore_mem>>) src(%dma_wait3A_88 : memref<112xi32, #tpu.memory_space<hbm>>) dst(%arg7 : memref<112xi32, #tpu.memory_space<vmem>>)
        tpu.yield
      }) : () -> ()
      "tpu.region"() ({
        %run_scoped3A = tpu.sem_alloc : memref<!tpu.dma_semaphore, #tpu.memory_space<semaphore_mem>>
        %dma_start3A_85 = tpu.memref_slice %arg4[%add3A_68] : memref<320000xi32, #tpu.memory_space<hbm>> -> memref<112xi32, #tpu.memory_space<hbm>>
        %dma_start3A_86 = tpu.memref_slice %arg4[%add3A_68] : memref<320000xi32, #tpu.memory_space<hbm>> -> memref<112xi32, #tpu.memory_space<hbm>>
        tpu.enqueue_dma source(%dma_start3A_86 : memref<112xi32, #tpu.memory_space<hbm>>) target(%arg9 : memref<112xi32, #tpu.memory_space<vmem>>) target_semaphore(%run_scoped3A : memref<!tpu.dma_semaphore, #tpu.memory_space<semaphore_mem>>)
        %dma_wait3A_87 = tpu.memref_slice %arg4[%add3A_68] : memref<320000xi32, #tpu.memory_space<hbm>> -> memref<112xi32, #tpu.memory_space<hbm>>
        %dma_wait3A_88 = tpu.memref_slice %arg4[%add3A_68] : memref<320000xi32, #tpu.memory_space<hbm>> -> memref<112xi32, #tpu.memory_space<hbm>>
        tpu.wait_dma2 semaphore(%run_scoped3A : memref<!tpu.dma_semaphore, #tpu.memory_space<semaphore_mem>>) src(%dma_wait3A_88 : memref<112xi32, #tpu.memory_space<hbm>>) dst(%arg9 : memref<112xi32, #tpu.memory_space<vmem>>)
        tpu.yield
      }) : () -> ()
      %scan3A_69 = arith.constant 0 : i32
      %scan3A_70 = arith.constant 7 : i32
      %scan3A_71 = arith.addi %scan3A_69, %scan3A_70 : i32
      %scan3A_72 = arith.constant 1 : i32
      scf.for %scan3A_85 = %scan3A_69 to %scan3A_71 step %scan3A_72  : i32 {
        %mul3A_86 = arith.constant 1 : i32
        %mul3A_87 = arith.muli %scan3A_85, %mul3A_86 : i32
        %add3A_88 = arith.constant 0 : i32
        %add3A_89 = arith.addi %add3A_88, %mul3A_87 : i32
        %mul3A_90 = arith.constant 16 : i32
        %mul3A_91 = arith.muli %add3A_89, %mul3A_90 : i32
        %get3A = arith.index_cast %mul3A_91 : i32 to index
        %get3A_92 = tpu.vector_load %arg7[%get3A] {strides = array<i32>} : memref<112xi32, #tpu.memory_space<vmem>>, vector<16xi32>,
        %get3A_93 = vector.shape_cast %get3A_92 : vector<16xi32> to vector<16xi32>
        %add3A_94 = vector.broadcast %mul3A_0 : i32 to vector<16xi32>
        %add3A_95 = arith.addi %get3A_93, %add3A_94 : vector<16xi32>
        %mul3A_96 = arith.constant 16 : i32
        %mul3A_97 = arith.muli %add3A_89, %mul3A_96 : i32
        %swap3A = arith.index_cast %mul3A_97 : i32 to index
        %swap3A_98 = tpu.vector_load %arg7[%swap3A] {strides = array<i32>} : memref<112xi32, #tpu.memory_space<vmem>>, vector<16xi32>,
        %swap3A_99 = vector.shape_cast %swap3A_98 : vector<16xi32> to vector<16xi32>
        %swap3A_100 = vector.shape_cast %add3A_95 : vector<16xi32> to vector<16xi32>
        tpu.vector_store %arg7[%swap3A], %swap3A_100 {strides = array<i32>} : memref<112xi32, #tpu.memory_space<vmem>>, vector<16xi32>,
      }
      %scan3A_73 = arith.constant 7 : i32
      %dma_start3A_74 = arith.constant 0 : i32
      %dma_start3A_75 = arith.constant 0 : i32
      %dma_start3A_76 = tpu.memref_slice %arg2[%dma_start3A_74, %dma_start3A_75] : memref<20480x128xf32, #tpu.memory_space<hbm>> -> memref<20480x128xf32, #tpu.memory_space<hbm>>
      tpu.enqueue_indirect_dma source(%dma_start3A_76 : memref<20480x128xf32, #tpu.memory_space<hbm>>) target(%arg11 : memref<112x128xf32, #tpu.memory_space<vmem>>) offsets(%arg7 : memref<112xi32, #tpu.memory_space<vmem>>) semaphore(%arg21 : memref<!tpu.dma_semaphore, #tpu.memory_space<semaphore_mem>>)
      %dma_wait3A_77 = arith.constant 0 : i32
      %dma_wait3A_78 = arith.constant 0 : i32
      %dma_wait3A_79 = tpu.memref_slice %arg2[%dma_wait3A_77, %dma_wait3A_78] : memref<20480x128xf32, #tpu.memory_space<hbm>> -> memref<20480x128xf32, #tpu.memory_space<hbm>>
      tpu.wait_indirect_dma semaphore(%arg20 : memref<!tpu.dma_semaphore, #tpu.memory_space<semaphore_mem>>) src(%dma_wait3A_79 : memref<20480x128xf32, #tpu.memory_space<hbm>>) dst(%arg10 : memref<112x128xf32, #tpu.memory_space<vmem>>)
      "tpu.region"() ({
        %run_scoped3A = tpu.sem_alloc : memref<!tpu.dma_semaphore, #tpu.memory_space<semaphore_mem>>
        %dma_start3A_85 = arith.constant 0 : i32
        %dma_start3A_86 = arith.constant 0 : i32
        %dma_start3A_87 = tpu.memref_slice %arg19[%dma_start3A_85, %dma_start3A_86] : memref<10240x128xf32, #tpu.memory_space<vmem_shared>> -> memref<10240x128xf32, #tpu.memory_space<vmem_shared>>
        tpu.enqueue_indirect_dma source(%arg10 : memref<112x128xf32, #tpu.memory_space<vmem>>) target(%dma_start3A_87 : memref<10240x128xf32, #tpu.memory_space<vmem_shared>>) offsets(%arg8 : memref<112xi32, #tpu.memory_space<vmem>>) semaphore(%run_scoped3A : memref<!tpu.dma_semaphore, #tpu.memory_space<semaphore_mem>>) {add = true}
        %dma_wait3A_88 = arith.constant 0 : i32
        %dma_wait3A_89 = arith.constant 0 : i32
        %dma_wait3A_90 = tpu.memref_slice %arg19[%dma_wait3A_88, %dma_wait3A_89] : memref<10240x128xf32, #tpu.memory_space<vmem_shared>> -> memref<10240x128xf32, #tpu.memory_space<vmem_shared>>
        tpu.wait_indirect_dma semaphore(%run_scoped3A : memref<!tpu.dma_semaphore, #tpu.memory_space<semaphore_mem>>) src(%arg10 : memref<112x128xf32, #tpu.memory_space<vmem>>) dst(%dma_wait3A_90 : memref<10240x128xf32, #tpu.memory_space<vmem_shared>>)
        tpu.yield
      }) : () -> ()
      %lt3A = arith.constant 88 : i32
      %lt3A_80 = arith.cmpi slt, %add3A_61, %lt3A : i32
      %convert_element_type3A = arith.extui %lt3A_80 : i1 to i32
      %cond3A = arith.constant 0 : i32
      %cond3A_81 = arith.cmpi ne, %convert_element_type3A, %cond3A : i32
      scf.if %cond3A_81 {
        %add3A_85 = arith.constant 2 : i32
        %add3A_86 = arith.addi %mul3A_63, %add3A_85 : i32
        %mul3A_87 = arith.constant 112 : i32
        %mul3A_88 = arith.muli %add3A_86, %mul3A_87 : i32
        %add3A_89 = arith.addi %mul3A_13, %mul3A_88 : i32
        "tpu.region"() ({
          %run_scoped3A = tpu.sem_alloc : memref<!tpu.dma_semaphore, #tpu.memory_space<semaphore_mem>>
          %dma_start3A_98 = tpu.memref_slice %arg3[%add3A_89] : memref<320000xi32, #tpu.memory_space<hbm>> -> memref<112xi32, #tpu.memory_space<hbm>>
          %dma_start3A_99 = tpu.memref_slice %arg3[%add3A_89] : memref<320000xi32, #tpu.memory_space<hbm>> -> memref<112xi32, #tpu.memory_space<hbm>>
          tpu.enqueue_dma source(%dma_start3A_99 : memref<112xi32, #tpu.memory_space<hbm>>) target(%arg6 : memref<112xi32, #tpu.memory_space<vmem>>) target_semaphore(%run_scoped3A : memref<!tpu.dma_semaphore, #tpu.memory_space<semaphore_mem>>)
          %dma_wait3A_100 = tpu.memref_slice %arg3[%add3A_89] : memref<320000xi32, #tpu.memory_space<hbm>> -> memref<112xi32, #tpu.memory_space<hbm>>
          %dma_wait3A_101 = tpu.memref_slice %arg3[%add3A_89] : memref<320000xi32, #tpu.memory_space<hbm>> -> memref<112xi32, #tpu.memory_space<hbm>>
          tpu.wait_dma2 semaphore(%run_scoped3A : memref<!tpu.dma_semaphore, #tpu.memory_space<semaphore_mem>>) src(%dma_wait3A_101 : memref<112xi32, #tpu.memory_space<hbm>>) dst(%arg6 : memref<112xi32, #tpu.memory_space<vmem>>)
          tpu.yield
        }) : () -> ()
        "tpu.region"() ({
          %run_scoped3A = tpu.sem_alloc : memref<!tpu.dma_semaphore, #tpu.memory_space<semaphore_mem>>
          %dma_start3A_98 = tpu.memref_slice %arg4[%add3A_89] : memref<320000xi32, #tpu.memory_space<hbm>> -> memref<112xi32, #tpu.memory_space<hbm>>
          %dma_start3A_99 = tpu.memref_slice %arg4[%add3A_89] : memref<320000xi32, #tpu.memory_space<hbm>> -> memref<112xi32, #tpu.memory_space<hbm>>
          tpu.enqueue_dma source(%dma_start3A_99 : memref<112xi32, #tpu.memory_space<hbm>>) target(%arg8 : memref<112xi32, #tpu.memory_space<vmem>>) target_semaphore(%run_scoped3A : memref<!tpu.dma_semaphore, #tpu.memory_space<semaphore_mem>>)
          %dma_wait3A_100 = tpu.memref_slice %arg4[%add3A_89] : memref<320000xi32, #tpu.memory_space<hbm>> -> memref<112xi32, #tpu.memory_space<hbm>>
          %dma_wait3A_101 = tpu.memref_slice %arg4[%add3A_89] : memref<320000xi32, #tpu.memory_space<hbm>> -> memref<112xi32, #tpu.memory_space<hbm>>
          tpu.wait_dma2 semaphore(%run_scoped3A : memref<!tpu.dma_semaphore, #tpu.memory_space<semaphore_mem>>) src(%dma_wait3A_101 : memref<112xi32, #tpu.memory_space<hbm>>) dst(%arg8 : memref<112xi32, #tpu.memory_space<vmem>>)
          tpu.yield
        }) : () -> ()
        %scan3A_90 = arith.constant 0 : i32
        %scan3A_91 = arith.constant 7 : i32
        %scan3A_92 = arith.addi %scan3A_90, %scan3A_91 : i32
        %scan3A_93 = arith.constant 1 : i32
        scf.for %scan3A_98 = %scan3A_90 to %scan3A_92 step %scan3A_93  : i32 {
          %mul3A_99 = arith.constant 1 : i32
          %mul3A_100 = arith.muli %scan3A_98, %mul3A_99 : i32
          %add3A_101 = arith.constant 0 : i32
          %add3A_102 = arith.addi %add3A_101, %mul3A_100 : i32
          %mul3A_103 = arith.constant 16 : i32
          %mul3A_104 = arith.muli %add3A_102, %mul3A_103 : i32
          %get3A = arith.index_cast %mul3A_104 : i32 to index
          %get3A_105 = tpu.vector_load %arg6[%get3A] {strides = array<i32>} : memref<112xi32, #tpu.memory_space<vmem>>, vector<16xi32>,
          %get3A_106 = vector.shape_cast %get3A_105 : vector<16xi32> to vector<16xi32>
          %add3A_107 = vector.broadcast %mul3A_0 : i32 to vector<16xi32>
          %add3A_108 = arith.addi %get3A_106, %add3A_107 : vector<16xi32>
          %mul3A_109 = arith.constant 16 : i32
          %mul3A_110 = arith.muli %add3A_102, %mul3A_109 : i32
          %swap3A = arith.index_cast %mul3A_110 : i32 to index
          %swap3A_111 = tpu.vector_load %arg6[%swap3A] {strides = array<i32>} : memref<112xi32, #tpu.memory_space<vmem>>, vector<16xi32>,
          %swap3A_112 = vector.shape_cast %swap3A_111 : vector<16xi32> to vector<16xi32>
          %swap3A_113 = vector.shape_cast %add3A_108 : vector<16xi32> to vector<16xi32>
          tpu.vector_store %arg6[%swap3A], %swap3A_113 {strides = array<i32>} : memref<112xi32, #tpu.memory_space<vmem>>, vector<16xi32>,
        }
        %scan3A_94 = arith.constant 7 : i32
        %dma_start3A_95 = arith.constant 0 : i32
        %dma_start3A_96 = arith.constant 0 : i32
        %dma_start3A_97 = tpu.memref_slice %arg2[%dma_start3A_95, %dma_start3A_96] : memref<20480x128xf32, #tpu.memory_space<hbm>> -> memref<20480x128xf32, #tpu.memory_space<hbm>>
        tpu.enqueue_indirect_dma source(%dma_start3A_97 : memref<20480x128xf32, #tpu.memory_space<hbm>>) target(%arg10 : memref<112x128xf32, #tpu.memory_space<vmem>>) offsets(%arg6 : memref<112xi32, #tpu.memory_space<vmem>>) semaphore(%arg20 : memref<!tpu.dma_semaphore, #tpu.memory_space<semaphore_mem>>)
      } else {
      }
      %dma_wait3A_82 = arith.constant 0 : i32
      %dma_wait3A_83 = arith.constant 0 : i32
      %dma_wait3A_84 = tpu.memref_slice %arg2[%dma_wait3A_82, %dma_wait3A_83] : memref<20480x128xf32, #tpu.memory_space<hbm>> -> memref<20480x128xf32, #tpu.memory_space<hbm>>
      tpu.wait_indirect_dma semaphore(%arg21 : memref<!tpu.dma_semaphore, #tpu.memory_space<semaphore_mem>>) src(%dma_wait3A_84 : memref<20480x128xf32, #tpu.memory_space<hbm>>) dst(%arg11 : memref<112x128xf32, #tpu.memory_space<vmem>>)
      "tpu.region"() ({
        %run_scoped3A = tpu.sem_alloc : memref<!tpu.dma_semaphore, #tpu.memory_space<semaphore_mem>>
        %dma_start3A_85 = arith.constant 0 : i32
        %dma_start3A_86 = arith.constant 0 : i32
        %dma_start3A_87 = tpu.memref_slice %arg19[%dma_start3A_85, %dma_start3A_86] : memref<10240x128xf32, #tpu.memory_space<vmem_shared>> -> memref<10240x128xf32, #tpu.memory_space<vmem_shared>>
        tpu.enqueue_indirect_dma source(%arg11 : memref<112x128xf32, #tpu.memory_space<vmem>>) target(%dma_start3A_87 : memref<10240x128xf32, #tpu.memory_space<vmem_shared>>) offsets(%arg9 : memref<112xi32, #tpu.memory_space<vmem>>) semaphore(%run_scoped3A : memref<!tpu.dma_semaphore, #tpu.memory_space<semaphore_mem>>) {add = true}
        %dma_wait3A_88 = arith.constant 0 : i32
        %dma_wait3A_89 = arith.constant 0 : i32
        %dma_wait3A_90 = tpu.memref_slice %arg19[%dma_wait3A_88, %dma_wait3A_89] : memref<10240x128xf32, #tpu.memory_space<vmem_shared>> -> memref<10240x128xf32, #tpu.memory_space<vmem_shared>>
        tpu.wait_indirect_dma semaphore(%run_scoped3A : memref<!tpu.dma_semaphore, #tpu.memory_space<semaphore_mem>>) src(%arg11 : memref<112x128xf32, #tpu.memory_space<vmem>>) dst(%dma_wait3A_90 : memref<10240x128xf32, #tpu.memory_space<vmem_shared>>)
        tpu.yield
      }) : () -> ()
    }
    %scan3A_26 = arith.constant 89 : i32
    %add3A_27 = arith.constant 19936 : i32
    %add3A_28 = arith.addi %mul3A_13, %add3A_27 : i32
    "tpu.region"() ({
      %run_scoped3A = tpu.sem_alloc : memref<!tpu.dma_semaphore, #tpu.memory_space<semaphore_mem>>
      %dma_start3A_57 = tpu.memref_slice %arg3[%add3A_28] : memref<320000xi32, #tpu.memory_space<hbm>> -> memref<64xi32, #tpu.memory_space<hbm>>
      %dma_start3A_58 = tpu.memref_slice %arg3[%add3A_28] : memref<320000xi32, #tpu.memory_space<hbm>> -> memref<64xi32, #tpu.memory_space<hbm>>
      tpu.enqueue_dma source(%dma_start3A_58 : memref<64xi32, #tpu.memory_space<hbm>>) target(%arg12 : memref<64xi32, #tpu.memory_space<vmem>>) target_semaphore(%run_scoped3A : memref<!tpu.dma_semaphore, #tpu.memory_space<semaphore_mem>>)
      %dma_wait3A_59 = tpu.memref_slice %arg3[%add3A_28] : memref<320000xi32, #tpu.memory_space<hbm>> -> memref<64xi32, #tpu.memory_space<hbm>>
      %dma_wait3A_60 = tpu.memref_slice %arg3[%add3A_28] : memref<320000xi32, #tpu.memory_space<hbm>> -> memref<64xi32, #tpu.memory_space<hbm>>
      tpu.wait_dma2 semaphore(%run_scoped3A : memref<!tpu.dma_semaphore, #tpu.memory_space<semaphore_mem>>) src(%dma_wait3A_60 : memref<64xi32, #tpu.memory_space<hbm>>) dst(%arg12 : memref<64xi32, #tpu.memory_space<vmem>>)
      tpu.yield
    }) : () -> ()
    "tpu.region"() ({
      %run_scoped3A = tpu.sem_alloc : memref<!tpu.dma_semaphore, #tpu.memory_space<semaphore_mem>>
      %dma_start3A_57 = tpu.memref_slice %arg4[%add3A_28] : memref<320000xi32, #tpu.memory_space<hbm>> -> memref<64xi32, #tpu.memory_space<hbm>>
      %dma_start3A_58 = tpu.memref_slice %arg4[%add3A_28] : memref<320000xi32, #tpu.memory_space<hbm>> -> memref<64xi32, #tpu.memory_space<hbm>>
      tpu.enqueue_dma source(%dma_start3A_58 : memref<64xi32, #tpu.memory_space<hbm>>) target(%arg13 : memref<64xi32, #tpu.memory_space<vmem>>) target_semaphore(%run_scoped3A : memref<!tpu.dma_semaphore, #tpu.memory_space<semaphore_mem>>)
      %dma_wait3A_59 = tpu.memref_slice %arg4[%add3A_28] : memref<320000xi32, #tpu.memory_space<hbm>> -> memref<64xi32, #tpu.memory_space<hbm>>
      %dma_wait3A_60 = tpu.memref_slice %arg4[%add3A_28] : memref<320000xi32, #tpu.memory_space<hbm>> -> memref<64xi32, #tpu.memory_space<hbm>>
      tpu.wait_dma2 semaphore(%run_scoped3A : memref<!tpu.dma_semaphore, #tpu.memory_space<semaphore_mem>>) src(%dma_wait3A_60 : memref<64xi32, #tpu.memory_space<hbm>>) dst(%arg13 : memref<64xi32, #tpu.memory_space<vmem>>)
      tpu.yield
    }) : () -> ()
    %scan3A_29 = arith.constant 0 : i32
    %scan3A_30 = arith.constant 4 : i32
    %scan3A_31 = arith.addi %scan3A_29, %scan3A_30 : i32
    %scan3A_32 = arith.constant 1 : i32
    scf.for %scan3A_57 = %scan3A_29 to %scan3A_31 step %scan3A_32  : i32 {
      %mul3A_58 = arith.constant 1 : i32
      %mul3A_59 = arith.muli %scan3A_57, %mul3A_58 : i32
      %add3A_60 = arith.constant 0 : i32
      %add3A_61 = arith.addi %add3A_60, %mul3A_59 : i32
      %mul3A_62 = arith.constant 16 : i32
      %mul3A_63 = arith.muli %add3A_61, %mul3A_62 : i32
      %get3A = arith.index_cast %mul3A_63 : i32 to index
      %get3A_64 = tpu.vector_load %arg12[%get3A] {strides = array<i32>} : memref<64xi32, #tpu.memory_space<vmem>>, vector<16xi32>,
      %get3A_65 = vector.shape_cast %get3A_64 : vector<16xi32> to vector<16xi32>
      %add3A_66 = vector.broadcast %mul3A_0 : i32 to vector<16xi32>
      %add3A_67 = arith.addi %get3A_65, %add3A_66 : vector<16xi32>
      %mul3A_68 = arith.constant 16 : i32
      %mul3A_69 = arith.muli %add3A_61, %mul3A_68 : i32
      %swap3A = arith.index_cast %mul3A_69 : i32 to index
      %swap3A_70 = tpu.vector_load %arg12[%swap3A] {strides = array<i32>} : memref<64xi32, #tpu.memory_space<vmem>>, vector<16xi32>,
      %swap3A_71 = vector.shape_cast %swap3A_70 : vector<16xi32> to vector<16xi32>
      %swap3A_72 = vector.shape_cast %add3A_67 : vector<16xi32> to vector<16xi32>
      tpu.vector_store %arg12[%swap3A], %swap3A_72 {strides = array<i32>} : memref<64xi32, #tpu.memory_space<vmem>>, vector<16xi32>,
    }
    %scan3A_33 = arith.constant 4 : i32
    %dma_start3A_34 = arith.constant 0 : i32
    %dma_start3A_35 = arith.constant 0 : i32
    %dma_start3A_36 = tpu.memref_slice %arg2[%dma_start3A_34, %dma_start3A_35] : memref<20480x128xf32, #tpu.memory_space<hbm>> -> memref<20480x128xf32, #tpu.memory_space<hbm>>
    tpu.enqueue_indirect_dma source(%dma_start3A_36 : memref<20480x128xf32, #tpu.memory_space<hbm>>) target(%arg14 : memref<64x128xf32, #tpu.memory_space<vmem>>) offsets(%arg12 : memref<64xi32, #tpu.memory_space<vmem>>) semaphore(%arg20 : memref<!tpu.dma_semaphore, #tpu.memory_space<semaphore_mem>>)
    %dma_wait3A = arith.constant 0 : i32
    %dma_wait3A_37 = arith.constant 0 : i32
    %dma_wait3A_38 = tpu.memref_slice %arg2[%dma_wait3A, %dma_wait3A_37] : memref<20480x128xf32, #tpu.memory_space<hbm>> -> memref<20480x128xf32, #tpu.memory_space<hbm>>
    tpu.wait_indirect_dma semaphore(%arg20 : memref<!tpu.dma_semaphore, #tpu.memory_space<semaphore_mem>>) src(%dma_wait3A_38 : memref<20480x128xf32, #tpu.memory_space<hbm>>) dst(%arg14 : memref<64x128xf32, #tpu.memory_space<vmem>>)
    "tpu.region"() ({
      %run_scoped3A = tpu.sem_alloc : memref<!tpu.dma_semaphore, #tpu.memory_space<semaphore_mem>>
      %dma_start3A_57 = arith.constant 0 : i32
      %dma_start3A_58 = arith.constant 0 : i32
      %dma_start3A_59 = tpu.memref_slice %arg19[%dma_start3A_57, %dma_start3A_58] : memref<10240x128xf32, #tpu.memory_space<vmem_shared>> -> memref<10240x128xf32, #tpu.memory_space<vmem_shared>>
      tpu.enqueue_indirect_dma source(%arg14 : memref<64x128xf32, #tpu.memory_space<vmem>>) target(%dma_start3A_59 : memref<10240x128xf32, #tpu.memory_space<vmem_shared>>) offsets(%arg13 : memref<64xi32, #tpu.memory_space<vmem>>) semaphore(%run_scoped3A : memref<!tpu.dma_semaphore, #tpu.memory_space<semaphore_mem>>) {add = true}
      %dma_wait3A_60 = arith.constant 0 : i32
      %dma_wait3A_61 = arith.constant 0 : i32
      %dma_wait3A_62 = tpu.memref_slice %arg19[%dma_wait3A_60, %dma_wait3A_61] : memref<10240x128xf32, #tpu.memory_space<vmem_shared>> -> memref<10240x128xf32, #tpu.memory_space<vmem_shared>>
      tpu.wait_indirect_dma semaphore(%run_scoped3A : memref<!tpu.dma_semaphore, #tpu.memory_space<semaphore_mem>>) src(%arg14 : memref<64x128xf32, #tpu.memory_space<vmem>>) dst(%dma_wait3A_62 : memref<10240x128xf32, #tpu.memory_space<vmem_shared>>)
      tpu.yield
    }) : () -> ()
    %barrier3A_39 = arith.constant 0 : index
    tpu.barrier barrier_id(%barrier3A_39)
    %mul3A_40 = arith.constant 640 : i32
    %mul3A_41 = arith.muli %arg1, %mul3A_40 : i32
    %add3A_42 = arith.constant 0 : i32
    %add3A_43 = arith.addi %mul3A_41, %add3A_42 : i32
    %scan3A_44 = arith.constant 0 : i32
    %scan3A_45 = arith.constant 2 : i32
    %scan3A_46 = arith.addi %scan3A_44, %scan3A_45 : i32
    %scan3A_47 = arith.constant 1 : i32
    scf.for %scan3A_57 = %scan3A_44 to %scan3A_46 step %scan3A_47  : i32 {
      %mul3A_58 = arith.constant 1 : i32
      %mul3A_59 = arith.muli %scan3A_57, %mul3A_58 : i32
      %add3A_60 = arith.constant 0 : i32
      %add3A_61 = arith.addi %add3A_60, %mul3A_59 : i32
      %mul3A_62 = arith.constant 16 : i32
      %mul3A_63 = arith.muli %add3A_61, %mul3A_62 : i32
      %add3A_64 = arith.addi %add3A_43, %mul3A_63 : i32
      %iota3A = tpu.iota {dimensions = array<i32: 0>} : vector<16xi32>
      %add3A_65 = vector.broadcast %add3A_64 : i32 to vector<16xi32>
      %add3A_66 = arith.addi %add3A_65, %iota3A : vector<16xi32>
      %mul3A_67 = arith.constant 16 : i32
      %mul3A_68 = arith.muli %add3A_61, %mul3A_67 : i32
      %swap3A = arith.index_cast %mul3A_68 : i32 to index
      %swap3A_69 = tpu.vector_load %arg17[%swap3A] {strides = array<i32>} : memref<32xi32, #tpu.memory_space<vmem>>, vector<16xi32>,
      %swap3A_70 = vector.shape_cast %swap3A_69 : vector<16xi32> to vector<16xi32>
      %swap3A_71 = vector.shape_cast %add3A_66 : vector<16xi32> to vector<16xi32>
      tpu.vector_store %arg17[%swap3A], %swap3A_71 {strides = array<i32>} : memref<32xi32, #tpu.memory_space<vmem>>, vector<16xi32>,
    }
    %scan3A_48 = arith.constant 2 : i32
    %dma_start3A_49 = arith.constant 0 : i32
    %dma_start3A_50 = arith.constant 0 : i32
    %dma_start3A_51 = tpu.memref_slice %arg19[%dma_start3A_49, %dma_start3A_50] : memref<10240x128xf32, #tpu.memory_space<vmem_shared>> -> memref<10240x128xf32, #tpu.memory_space<vmem_shared>>
    tpu.enqueue_indirect_dma source(%dma_start3A_51 : memref<10240x128xf32, #tpu.memory_space<vmem_shared>>) target(%arg15 : memref<32x128xf32, #tpu.memory_space<vmem>>) offsets(%arg17 : memref<32xi32, #tpu.memory_space<vmem>>) semaphore(%arg20 : memref<!tpu.dma_semaphore, #tpu.memory_space<semaphore_mem>>)
    %scan3A_52 = arith.constant 0 : i32
    %scan3A_53 = arith.constant 10 : i32
    %scan3A_54 = arith.addi %scan3A_52, %scan3A_53 : i32
    %scan3A_55 = arith.constant 1 : i32
    scf.for %scan3A_57 = %scan3A_52 to %scan3A_54 step %scan3A_55  : i32 {
      %mul3A_58 = arith.constant 1 : i32
      %mul3A_59 = arith.muli %scan3A_57, %mul3A_58 : i32
      %add3A_60 = arith.constant 0 : i32
      %add3A_61 = arith.addi %add3A_60, %mul3A_59 : i32
      %mul3A_62 = arith.constant 2 : i32
      %mul3A_63 = arith.muli %mul3A_62, %add3A_61 : i32
      %add3A_64 = arith.constant 1 : i32
      %add3A_65 = arith.addi %mul3A_63, %add3A_64 : i32
      %mul3A_66 = arith.constant 640 : i32
      %mul3A_67 = arith.muli %arg1, %mul3A_66 : i32
      %mul3A_68 = arith.constant 32 : i32
      %mul3A_69 = arith.muli %add3A_65, %mul3A_68 : i32
      %add3A_70 = arith.addi %mul3A_67, %mul3A_69 : i32
      %scan3A_71 = arith.constant 0 : i32
      %scan3A_72 = arith.constant 2 : i32
      %scan3A_73 = arith.addi %scan3A_71, %scan3A_72 : i32
      %scan3A_74 = arith.constant 1 : i32
      scf.for %scan3A_101 = %scan3A_71 to %scan3A_73 step %scan3A_74  : i32 {
        %mul3A_102 = arith.constant 1 : i32
        %mul3A_103 = arith.muli %scan3A_101, %mul3A_102 : i32
        %add3A_104 = arith.constant 0 : i32
        %add3A_105 = arith.addi %add3A_104, %mul3A_103 : i32
        %mul3A_106 = arith.constant 16 : i32
        %mul3A_107 = arith.muli %add3A_105, %mul3A_106 : i32
        %add3A_108 = arith.addi %add3A_70, %mul3A_107 : i32
        %iota3A = tpu.iota {dimensions = array<i32: 0>} : vector<16xi32>
        %add3A_109 = vector.broadcast %add3A_108 : i32 to vector<16xi32>
        %add3A_110 = arith.addi %add3A_109, %iota3A : vector<16xi32>
        %mul3A_111 = arith.constant 16 : i32
        %mul3A_112 = arith.muli %add3A_105, %mul3A_111 : i32
        %swap3A = arith.index_cast %mul3A_112 : i32 to index
        %swap3A_113 = tpu.vector_load %arg18[%swap3A] {strides = array<i32>} : memref<32xi32, #tpu.memory_space<vmem>>, vector<16xi32>,
        %swap3A_114 = vector.shape_cast %swap3A_113 : vector<16xi32> to vector<16xi32>
        %swap3A_115 = vector.shape_cast %add3A_110 : vector<16xi32> to vector<16xi32>
        tpu.vector_store %arg18[%swap3A], %swap3A_115 {strides = array<i32>} : memref<32xi32, #tpu.memory_space<vmem>>, vector<16xi32>,
      }
      %scan3A_75 = arith.constant 2 : i32
      %dma_start3A_76 = arith.constant 0 : i32
      %dma_start3A_77 = arith.constant 0 : i32
      %dma_start3A_78 = tpu.memref_slice %arg19[%dma_start3A_76, %dma_start3A_77] : memref<10240x128xf32, #tpu.memory_space<vmem_shared>> -> memref<10240x128xf32, #tpu.memory_space<vmem_shared>>
      tpu.enqueue_indirect_dma source(%dma_start3A_78 : memref<10240x128xf32, #tpu.memory_space<vmem_shared>>) target(%arg16 : memref<32x128xf32, #tpu.memory_space<vmem>>) offsets(%arg18 : memref<32xi32, #tpu.memory_space<vmem>>) semaphore(%arg21 : memref<!tpu.dma_semaphore, #tpu.memory_space<semaphore_mem>>)
      %mul3A_79 = arith.constant 640 : i32
      %mul3A_80 = arith.muli %arg1, %mul3A_79 : i32
      %mul3A_81 = arith.constant 32 : i32
      %mul3A_82 = arith.muli %mul3A_63, %mul3A_81 : i32
      %add3A_83 = arith.addi %mul3A_80, %mul3A_82 : i32
      %dma_wait3A_84 = arith.constant 0 : i32
      %dma_wait3A_85 = arith.constant 0 : i32
      %dma_wait3A_86 = tpu.memref_slice %arg19[%dma_wait3A_84, %dma_wait3A_85] : memref<10240x128xf32, #tpu.memory_space<vmem_shared>> -> memref<10240x128xf32, #tpu.memory_space<vmem_shared>>
      tpu.wait_indirect_dma semaphore(%arg20 : memref<!tpu.dma_semaphore, #tpu.memory_space<semaphore_mem>>) src(%dma_wait3A_86 : memref<10240x128xf32, #tpu.memory_space<vmem_shared>>) dst(%arg15 : memref<32x128xf32, #tpu.memory_space<vmem>>)
      %add3A_87 = arith.addi %mul3A_0, %add3A_83 : i32
      "tpu.region"() ({
        %run_scoped3A = tpu.sem_alloc : memref<!tpu.dma_semaphore, #tpu.memory_space<semaphore_mem>>
        %dma_start3A_101 = arith.constant 0 : i32
        %dma_start3A_102 = tpu.memref_slice %arg5[%add3A_87, %dma_start3A_101] : memref<20480x128xf32, #tpu.memory_space<hbm>> -> memref<32x128xf32, #tpu.memory_space<hbm>>
        %dma_start3A_103 = arith.constant 0 : i32
        %dma_start3A_104 = tpu.memref_slice %arg5[%add3A_87, %dma_start3A_103] : memref<20480x128xf32, #tpu.memory_space<hbm>> -> memref<32x128xf32, #tpu.memory_space<hbm>>
        tpu.enqueue_dma source(%arg15 : memref<32x128xf32, #tpu.memory_space<vmem>>) target(%dma_start3A_104 : memref<32x128xf32, #tpu.memory_space<hbm>>) target_semaphore(%run_scoped3A : memref<!tpu.dma_semaphore, #tpu.memory_space<semaphore_mem>>)
        %dma_wait3A_105 = arith.constant 0 : i32
        %dma_wait3A_106 = tpu.memref_slice %arg5[%add3A_87, %dma_wait3A_105] : memref<20480x128xf32, #tpu.memory_space<hbm>> -> memref<32x128xf32, #tpu.memory_space<hbm>>
        %dma_wait3A_107 = arith.constant 0 : i32
        %dma_wait3A_108 = tpu.memref_slice %arg5[%add3A_87, %dma_wait3A_107] : memref<20480x128xf32, #tpu.memory_space<hbm>> -> memref<32x128xf32, #tpu.memory_space<hbm>>
        tpu.wait_dma2 semaphore(%run_scoped3A : memref<!tpu.dma_semaphore, #tpu.memory_space<semaphore_mem>>) src(%arg15 : memref<32x128xf32, #tpu.memory_space<vmem>>) dst(%dma_wait3A_108 : memref<32x128xf32, #tpu.memory_space<hbm>>)
        tpu.yield
      }) : () -> ()
      %lt3A = arith.constant 9 : i32
      %lt3A_88 = arith.cmpi slt, %add3A_61, %lt3A : i32
      %convert_element_type3A = arith.extui %lt3A_88 : i1 to i32
      %cond3A = arith.constant 0 : i32
      %cond3A_89 = arith.cmpi ne, %convert_element_type3A, %cond3A : i32
      scf.if %cond3A_89 {
        %add3A_101 = arith.constant 2 : i32
        %add3A_102 = arith.addi %mul3A_63, %add3A_101 : i32
        %mul3A_103 = arith.constant 640 : i32
        %mul3A_104 = arith.muli %arg1, %mul3A_103 : i32
        %mul3A_105 = arith.constant 32 : i32
        %mul3A_106 = arith.muli %add3A_102, %mul3A_105 : i32
        %add3A_107 = arith.addi %mul3A_104, %mul3A_106 : i32
        %scan3A_108 = arith.constant 0 : i32
        %scan3A_109 = arith.constant 2 : i32
        %scan3A_110 = arith.addi %scan3A_108, %scan3A_109 : i32
        %scan3A_111 = arith.constant 1 : i32
        scf.for %scan3A_116 = %scan3A_108 to %scan3A_110 step %scan3A_111  : i32 {
          %mul3A_117 = arith.constant 1 : i32
          %mul3A_118 = arith.muli %scan3A_116, %mul3A_117 : i32
          %add3A_119 = arith.constant 0 : i32
          %add3A_120 = arith.addi %add3A_119, %mul3A_118 : i32
          %mul3A_121 = arith.constant 16 : i32
          %mul3A_122 = arith.muli %add3A_120, %mul3A_121 : i32
          %add3A_123 = arith.addi %add3A_107, %mul3A_122 : i32
          %iota3A = tpu.iota {dimensions = array<i32: 0>} : vector<16xi32>
          %add3A_124 = vector.broadcast %add3A_123 : i32 to vector<16xi32>
          %add3A_125 = arith.addi %add3A_124, %iota3A : vector<16xi32>
          %mul3A_126 = arith.constant 16 : i32
          %mul3A_127 = arith.muli %add3A_120, %mul3A_126 : i32
          %swap3A = arith.index_cast %mul3A_127 : i32 to index
          %swap3A_128 = tpu.vector_load %arg17[%swap3A] {strides = array<i32>} : memref<32xi32, #tpu.memory_space<vmem>>, vector<16xi32>,
          %swap3A_129 = vector.shape_cast %swap3A_128 : vector<16xi32> to vector<16xi32>
          %swap3A_130 = vector.shape_cast %add3A_125 : vector<16xi32> to vector<16xi32>
          tpu.vector_store %arg17[%swap3A], %swap3A_130 {strides = array<i32>} : memref<32xi32, #tpu.memory_space<vmem>>, vector<16xi32>,
        }
        %scan3A_112 = arith.constant 2 : i32
        %dma_start3A_113 = arith.constant 0 : i32
        %dma_start3A_114 = arith.constant 0 : i32
        %dma_start3A_115 = tpu.memref_slice %arg19[%dma_start3A_113, %dma_start3A_114] : memref<10240x128xf32, #tpu.memory_space<vmem_shared>> -> memref<10240x128xf32, #tpu.memory_space<vmem_shared>>
        tpu.enqueue_indirect_dma source(%dma_start3A_115 : memref<10240x128xf32, #tpu.memory_space<vmem_shared>>) target(%arg15 : memref<32x128xf32, #tpu.memory_space<vmem>>) offsets(%arg17 : memref<32xi32, #tpu.memory_space<vmem>>) semaphore(%arg20 : memref<!tpu.dma_semaphore, #tpu.memory_space<semaphore_mem>>)
      } else {
      }
      %add3A_90 = arith.constant 1 : i32
      %add3A_91 = arith.addi %mul3A_63, %add3A_90 : i32
      %mul3A_92 = arith.constant 640 : i32
      %mul3A_93 = arith.muli %arg1, %mul3A_92 : i32
      %mul3A_94 = arith.constant 32 : i32
      %mul3A_95 = arith.muli %add3A_91, %mul3A_94 : i32
      %add3A_96 = arith.addi %mul3A_93, %mul3A_95 : i32
      %dma_wait3A_97 = arith.constant 0 : i32
      %dma_wait3A_98 = arith.constant 0 : i32
      %dma_wait3A_99 = tpu.memref_slice %arg19[%dma_wait3A_97, %dma_wait3A_98] : memref<10240x128xf32, #tpu.memory_space<vmem_shared>> -> memref<10240x128xf32, #tpu.memory_space<vmem_shared>>
      tpu.wait_indirect_dma semaphore(%arg21 : memref<!tpu.dma_semaphore, #tpu.memory_space<semaphore_mem>>) src(%dma_wait3A_99 : memref<10240x128xf32, #tpu.memory_space<vmem_shared>>) dst(%arg16 : memref<32x128xf32, #tpu.memory_space<vmem>>)
      %add3A_100 = arith.addi %mul3A_0, %add3A_96 : i32
      "tpu.region"() ({
        %run_scoped3A = tpu.sem_alloc : memref<!tpu.dma_semaphore, #tpu.memory_space<semaphore_mem>>
        %dma_start3A_101 = arith.constant 0 : i32
        %dma_start3A_102 = tpu.memref_slice %arg5[%add3A_100, %dma_start3A_101] : memref<20480x128xf32, #tpu.memory_space<hbm>> -> memref<32x128xf32, #tpu.memory_space<hbm>>
        %dma_start3A_103 = arith.constant 0 : i32
        %dma_start3A_104 = tpu.memref_slice %arg5[%add3A_100, %dma_start3A_103] : memref<20480x128xf32, #tpu.memory_space<hbm>> -> memref<32x128xf32, #tpu.memory_space<hbm>>
        tpu.enqueue_dma source(%arg16 : memref<32x128xf32, #tpu.memory_space<vmem>>) target(%dma_start3A_104 : memref<32x128xf32, #tpu.memory_space<hbm>>) target_semaphore(%run_scoped3A : memref<!tpu.dma_semaphore, #tpu.memory_space<semaphore_mem>>)
        %dma_wait3A_105 = arith.constant 0 : i32
        %dma_wait3A_106 = tpu.memref_slice %arg5[%add3A_100, %dma_wait3A_105] : memref<20480x128xf32, #tpu.memory_space<hbm>> -> memref<32x128xf32, #tpu.memory_space<hbm>>
        %dma_wait3A_107 = arith.constant 0 : i32
        %dma_wait3A_108 = tpu.memref_slice %arg5[%add3A_100, %dma_wait3A_107] : memref<20480x128xf32, #tpu.memory_space<hbm>> -> memref<32x128xf32, #tpu.memory_space<hbm>>
        tpu.wait_dma2 semaphore(%run_scoped3A : memref<!tpu.dma_semaphore, #tpu.memory_space<semaphore_mem>>) src(%arg16 : memref<32x128xf32, #tpu.memory_space<vmem>>) dst(%dma_wait3A_108 : memref<32x128xf32, #tpu.memory_space<hbm>>)
        tpu.yield
      }) : () -> ()
    }
    %scan3A_56 = arith.constant 10 : i32
    return
  }
}

module attributes {stable_mosaic.version = 14 : i64} {
  func.func @_tc2_body(%arg0: memref<20480x128xf32, #tpu.memory_space<vmem>>, %arg1: memref<10000x1xf32, #tpu.memory_space<vmem>>, %arg2: memref<1x256xf32, #tpu.memory_space<vmem>>, %arg3: memref<1x256xf32, #tpu.memory_space<vmem>>, %arg4: memref<256x256xf32, #tpu.memory_space<vmem>>, %arg5: memref<1x256xf32, #tpu.memory_space<vmem>>, %arg6: memref<20480x128xf32, #tpu.memory_space<vmem>>) attributes {dimension_semantics = [], scalar_prefetch = 0 : i64, scratch_operands = 0 : i64, tpu.core_type = #tpu.core_type<tc>} {
    %get3A = arith.constant 0 : index
    %get3A_0 = arith.constant 0 : index
    %get3A_1 = vector.load %arg1[%get3A, %get3A_0] : memref<10000x1xf32, #tpu.memory_space<vmem>>, vector<10000x1xf32>
    %get3A_2 = arith.constant 0 : index
    %get3A_3 = arith.constant 0 : index
    %get3A_4 = vector.load %arg0[%get3A_2, %get3A_3] : memref<20480x128xf32, #tpu.memory_space<vmem>>, vector<10000x128xf32>
    %get3A_5 = arith.constant 10240 : index
    %get3A_6 = arith.constant 0 : index
    %get3A_7 = vector.load %arg0[%get3A_5, %get3A_6] : memref<20480x128xf32, #tpu.memory_space<vmem>>, vector<10000x128xf32>
    %concatenate3A = tpu.concatenate %get3A_4, %get3A_7 in 1 : vector<10000x128xf32>, vector<10000x128xf32> -> vector<10000x256xf32>
    %mul3A = vector.broadcast %get3A_1 : vector<10000x1xf32> to vector<10000x256xf32>
    %mul3A_8 = arith.mulf %concatenate3A, %mul3A : vector<10000x256xf32>
    %reduce_sum3A = arith.constant dense<0.000000e+00> : vector<256xf32>
    %reduce_sum3A_9 = vector.multi_reduction <add>, %mul3A_8, %reduce_sum3A [0] : vector<10000x256xf32> to vector<256xf32>
    %broadcast_in_dim3A = vector.shape_cast %reduce_sum3A_9 : vector<256xf32> to vector<1x256xf32>
    %div3A = arith.constant 1.000000e+04 : f32
    %div3A_10 = vector.broadcast %div3A : f32 to vector<1x256xf32>
    %div3A_11 = arith.divf %broadcast_in_dim3A, %div3A_10 : vector<1x256xf32>
    %sub3A = vector.broadcast %div3A_11 : vector<1x256xf32> to vector<10000x256xf32>
    %sub3A_12 = arith.subf %mul3A_8, %sub3A : vector<10000x256xf32>
    %sub3A_13 = vector.broadcast %div3A_11 : vector<1x256xf32> to vector<10000x256xf32>
    %sub3A_14 = arith.subf %mul3A_8, %sub3A_13 : vector<10000x256xf32>
    %mul3A_15 = arith.mulf %sub3A_12, %sub3A_14 : vector<10000x256xf32>
    %reduce_sum3A_16 = arith.constant dense<0.000000e+00> : vector<256xf32>
    %reduce_sum3A_17 = vector.multi_reduction <add>, %mul3A_15, %reduce_sum3A_16 [0] : vector<10000x256xf32> to vector<256xf32>
    %broadcast_in_dim3A_18 = vector.shape_cast %reduce_sum3A_17 : vector<256xf32> to vector<1x256xf32>
    %div3A_19 = arith.constant 1.000000e+04 : f32
    %div3A_20 = vector.broadcast %div3A_19 : f32 to vector<1x256xf32>
    %div3A_21 = arith.divf %broadcast_in_dim3A_18, %div3A_20 : vector<1x256xf32>
    %get3A_22 = arith.constant 0 : index
    %get3A_23 = arith.constant 0 : index
    %get3A_24 = vector.load %arg2[%get3A_22, %get3A_23] : memref<1x256xf32, #tpu.memory_space<vmem>>, vector<1x256xf32>
    %sub3A_25 = vector.broadcast %div3A_11 : vector<1x256xf32> to vector<10000x256xf32>
    %sub3A_26 = arith.subf %mul3A_8, %sub3A_25 : vector<10000x256xf32>
    %mul3A_27 = vector.broadcast %get3A_24 : vector<1x256xf32> to vector<10000x256xf32>
    %mul3A_28 = arith.mulf %mul3A_27, %sub3A_26 : vector<10000x256xf32>
    %add3A = arith.constant 9.99999974E-6 : f32
    %add3A_29 = vector.broadcast %add3A : f32 to vector<1x256xf32>
    %add3A_30 = arith.addf %div3A_21, %add3A_29 : vector<1x256xf32>
    %rsqrt3A = math.rsqrt %add3A_30 : vector<1x256xf32>
    %mul3A_31 = vector.broadcast %rsqrt3A : vector<1x256xf32> to vector<10000x256xf32>
    %mul3A_32 = arith.mulf %mul3A_28, %mul3A_31 : vector<10000x256xf32>
    %get3A_33 = arith.constant 0 : index
    %get3A_34 = arith.constant 0 : index
    %get3A_35 = vector.load %arg3[%get3A_33, %get3A_34] : memref<1x256xf32, #tpu.memory_space<vmem>>, vector<1x256xf32>
    %add3A_36 = vector.broadcast %get3A_35 : vector<1x256xf32> to vector<10000x256xf32>
    %add3A_37 = arith.addf %mul3A_32, %add3A_36 : vector<10000x256xf32>
    %max3A = arith.constant 0.000000e+00 : f32
    %max3A_38 = vector.broadcast %max3A : f32 to vector<10000x256xf32>
    %max3A_39 = arith.maximumf %add3A_37, %max3A_38 : vector<10000x256xf32>
    %get3A_40 = arith.constant 0 : index
    %get3A_41 = arith.constant 0 : index
    %get3A_42 = vector.load %arg4[%get3A_40, %get3A_41] : memref<256x256xf32, #tpu.memory_space<vmem>>, vector<256x256xf32>
    %dot_general3A = arith.constant dense<0.000000e+00> : vector<10000x256xf32>
    %dot_general3A_43 = tpu.matmul %max3A_39, %get3A_42, %dot_general3A {dimension_numbers = #tpu.dot_dimension_numbers<[1], [0], [0], [1], [0, 0, 1, 1], [], []>, transpose_lhs_hint = false} : vector<10000x256xf32>, vector<256x256xf32>, vector<10000x256xf32> -> vector<10000x256xf32>
    %get3A_44 = arith.constant 0 : index
    %get3A_45 = arith.constant 0 : index
    %get3A_46 = vector.load %arg5[%get3A_44, %get3A_45] : memref<1x256xf32, #tpu.memory_space<vmem>>, vector<1x256xf32>
    %add3A_47 = vector.broadcast %get3A_46 : vector<1x256xf32> to vector<10000x256xf32>
    %add3A_48 = arith.addf %dot_general3A_43, %add3A_47 : vector<10000x256xf32>
    %mul3A_49 = vector.broadcast %get3A_1 : vector<10000x1xf32> to vector<10000x256xf32>
    %mul3A_50 = arith.mulf %add3A_48, %mul3A_49 : vector<10000x256xf32>
    %slice3A = vector.extract_strided_slice %mul3A_50 {offsets = [0, 0], sizes = [10000, 128], strides = [1, 1]} : vector<10000x256xf32> to vector<10000x128xf32>
    %swap3A = arith.constant 0 : index
    %swap3A_51 = arith.constant 0 : index
    %swap3A_52 = vector.load %arg6[%swap3A, %swap3A_51] : memref<20480x128xf32, #tpu.memory_space<vmem>>, vector<10000x128xf32>
    tpu.vector_store %arg6[%swap3A, %swap3A_51], %slice3A {strides = array<i32>} : memref<20480x128xf32, #tpu.memory_space<vmem>>, vector<10000x128xf32>,
    %slice3A_53 = vector.extract_strided_slice %mul3A_50 {offsets = [0, 128], sizes = [10000, 128], strides = [1, 1]} : vector<10000x256xf32> to vector<10000x128xf32>
    %swap3A_54 = arith.constant 10240 : index
    %swap3A_55 = arith.constant 0 : index
    %swap3A_56 = vector.load %arg6[%swap3A_54, %swap3A_55] : memref<20480x128xf32, #tpu.memory_space<vmem>>, vector<10000x128xf32>
    tpu.vector_store %arg6[%swap3A_54, %swap3A_55], %slice3A_53 {strides = array<i32>} : memref<20480x128xf32, #tpu.memory_space<vmem>>, vector<10000x128xf32>,
    return
  }
}

module attributes {stable_mosaic.version = 14 : i64} {
  func.func @_tc1_body(%arg0: memref<20480x16xf32, #tpu.memory_space<vmem>>, %arg1: memref<10000x128xf32, #tpu.memory_space<vmem>>, %arg2: memref<128x256xf32, #tpu.memory_space<vmem>>, %arg3: memref<1x256xf32, #tpu.memory_space<vmem>>, %arg4: memref<20480x128xf32, #tpu.memory_space<vmem>>, %arg5: memref<10000x1xf32, #tpu.memory_space<vmem>>) attributes {dimension_semantics = [], scalar_prefetch = 0 : i64, scratch_operands = 0 : i64, tpu.core_type = #tpu.core_type<tc>} {
    %get3A = arith.constant 0 : index
    %get3A_0 = arith.constant 0 : index
    %get3A_1 = vector.load %arg0[%get3A, %get3A_0] : memref<20480x16xf32, #tpu.memory_space<vmem>>, vector<10000x1xf32>
    %add3A = arith.constant 1.000000e+00 : f32
    %add3A_2 = vector.broadcast %add3A : f32 to vector<10000x1xf32>
    %add3A_3 = arith.addf %add3A_2, %get3A_1 : vector<10000x1xf32>
    %get3A_4 = arith.constant 10240 : index
    %get3A_5 = arith.constant 0 : index
    %get3A_6 = vector.load %arg0[%get3A_4, %get3A_5] : memref<20480x16xf32, #tpu.memory_space<vmem>>, vector<10000x1xf32>
    %add3A_7 = arith.addf %add3A_3, %get3A_6 : vector<10000x1xf32>
    %rsqrt3A = math.rsqrt %add3A_7 : vector<10000x1xf32>
    %swap3A = arith.constant 0 : index
    %swap3A_8 = arith.constant 0 : index
    %swap3A_9 = vector.load %arg5[%swap3A, %swap3A_8] : memref<10000x1xf32, #tpu.memory_space<vmem>>, vector<10000x1xf32>
    tpu.vector_store %arg5[%swap3A, %swap3A_8], %rsqrt3A {strides = array<i32>} : memref<10000x1xf32, #tpu.memory_space<vmem>>, vector<10000x1xf32>,
    %get3A_10 = arith.constant 0 : index
    %get3A_11 = arith.constant 0 : index
    %get3A_12 = vector.load %arg1[%get3A_10, %get3A_11] : memref<10000x128xf32, #tpu.memory_space<vmem>>, vector<10000x128xf32>
    %get3A_13 = arith.constant 0 : index
    %get3A_14 = arith.constant 0 : index
    %get3A_15 = vector.load %arg2[%get3A_13, %get3A_14] : memref<128x256xf32, #tpu.memory_space<vmem>>, vector<128x256xf32>
    %dot_general3A = arith.constant dense<0.000000e+00> : vector<10000x256xf32>
    %dot_general3A_16 = tpu.matmul %get3A_12, %get3A_15, %dot_general3A {dimension_numbers = #tpu.dot_dimension_numbers<[1], [0], [0], [1], [0, 0, 1, 1], [], []>, transpose_lhs_hint = false} : vector<10000x128xf32>, vector<128x256xf32>, vector<10000x256xf32> -> vector<10000x256xf32>
    %get3A_17 = arith.constant 0 : index
    %get3A_18 = arith.constant 0 : index
    %get3A_19 = vector.load %arg3[%get3A_17, %get3A_18] : memref<1x256xf32, #tpu.memory_space<vmem>>, vector<1x256xf32>
    %add3A_20 = vector.broadcast %get3A_19 : vector<1x256xf32> to vector<10000x256xf32>
    %add3A_21 = arith.addf %dot_general3A_16, %add3A_20 : vector<10000x256xf32>
    %mul3A = vector.broadcast %rsqrt3A : vector<10000x1xf32> to vector<10000x256xf32>
    %mul3A_22 = arith.mulf %add3A_21, %mul3A : vector<10000x256xf32>
    %slice3A = vector.extract_strided_slice %mul3A_22 {offsets = [0, 0], sizes = [10000, 128], strides = [1, 1]} : vector<10000x256xf32> to vector<10000x128xf32>
    %swap3A_23 = arith.constant 0 : index
    %swap3A_24 = arith.constant 0 : index
    %swap3A_25 = vector.load %arg4[%swap3A_23, %swap3A_24] : memref<20480x128xf32, #tpu.memory_space<vmem>>, vector<10000x128xf32>
    tpu.vector_store %arg4[%swap3A_23, %swap3A_24], %slice3A {strides = array<i32>} : memref<20480x128xf32, #tpu.memory_space<vmem>>, vector<10000x128xf32>,
    %slice3A_26 = vector.extract_strided_slice %mul3A_22 {offsets = [0, 128], sizes = [10000, 128], strides = [1, 1]} : vector<10000x256xf32> to vector<10000x128xf32>
    %swap3A_27 = arith.constant 10240 : index
    %swap3A_28 = arith.constant 0 : index
    %swap3A_29 = vector.load %arg4[%swap3A_27, %swap3A_28] : memref<20480x128xf32, #tpu.memory_space<vmem>>, vector<10000x128xf32>
    tpu.vector_store %arg4[%swap3A_27, %swap3A_28], %slice3A_26 {strides = array<i32>} : memref<20480x128xf32, #tpu.memory_space<vmem>>, vector<10000x128xf32>,
    return
  }
}

module attributes {stable_mosaic.version = 14 : i64} {
  func.func @_tc3_body(%arg0: memref<20480x128xf32, #tpu.memory_space<vmem>>, %arg1: memref<10000x1xf32, #tpu.memory_space<vmem>>, %arg2: memref<1x256xf32, #tpu.memory_space<vmem>>, %arg3: memref<1x256xf32, #tpu.memory_space<vmem>>, %arg4: memref<10000x256xf32, #tpu.memory_space<vmem>>) attributes {dimension_semantics = [], scalar_prefetch = 0 : i64, scratch_operands = 0 : i64, tpu.core_type = #tpu.core_type<tc>} {
    %get3A = arith.constant 0 : index
    %get3A_0 = arith.constant 0 : index
    %get3A_1 = vector.load %arg0[%get3A, %get3A_0] : memref<20480x128xf32, #tpu.memory_space<vmem>>, vector<10000x128xf32>
    %get3A_2 = arith.constant 10240 : index
    %get3A_3 = arith.constant 0 : index
    %get3A_4 = vector.load %arg0[%get3A_2, %get3A_3] : memref<20480x128xf32, #tpu.memory_space<vmem>>, vector<10000x128xf32>
    %concatenate3A = tpu.concatenate %get3A_1, %get3A_4 in 1 : vector<10000x128xf32>, vector<10000x128xf32> -> vector<10000x256xf32>
    %get3A_5 = arith.constant 0 : index
    %get3A_6 = arith.constant 0 : index
    %get3A_7 = vector.load %arg1[%get3A_5, %get3A_6] : memref<10000x1xf32, #tpu.memory_space<vmem>>, vector<10000x1xf32>
    %mul3A = vector.broadcast %get3A_7 : vector<10000x1xf32> to vector<10000x256xf32>
    %mul3A_8 = arith.mulf %concatenate3A, %mul3A : vector<10000x256xf32>
    %reduce_sum3A = arith.constant dense<0.000000e+00> : vector<256xf32>
    %reduce_sum3A_9 = vector.multi_reduction <add>, %mul3A_8, %reduce_sum3A [0] : vector<10000x256xf32> to vector<256xf32>
    %broadcast_in_dim3A = vector.shape_cast %reduce_sum3A_9 : vector<256xf32> to vector<1x256xf32>
    %div3A = arith.constant 1.000000e+04 : f32
    %div3A_10 = vector.broadcast %div3A : f32 to vector<1x256xf32>
    %div3A_11 = arith.divf %broadcast_in_dim3A, %div3A_10 : vector<1x256xf32>
    %sub3A = vector.broadcast %div3A_11 : vector<1x256xf32> to vector<10000x256xf32>
    %sub3A_12 = arith.subf %mul3A_8, %sub3A : vector<10000x256xf32>
    %sub3A_13 = vector.broadcast %div3A_11 : vector<1x256xf32> to vector<10000x256xf32>
    %sub3A_14 = arith.subf %mul3A_8, %sub3A_13 : vector<10000x256xf32>
    %mul3A_15 = arith.mulf %sub3A_12, %sub3A_14 : vector<10000x256xf32>
    %reduce_sum3A_16 = arith.constant dense<0.000000e+00> : vector<256xf32>
    %reduce_sum3A_17 = vector.multi_reduction <add>, %mul3A_15, %reduce_sum3A_16 [0] : vector<10000x256xf32> to vector<256xf32>
    %broadcast_in_dim3A_18 = vector.shape_cast %reduce_sum3A_17 : vector<256xf32> to vector<1x256xf32>
    %div3A_19 = arith.constant 1.000000e+04 : f32
    %div3A_20 = vector.broadcast %div3A_19 : f32 to vector<1x256xf32>
    %div3A_21 = arith.divf %broadcast_in_dim3A_18, %div3A_20 : vector<1x256xf32>
    %get3A_22 = arith.constant 0 : index
    %get3A_23 = arith.constant 0 : index
    %get3A_24 = vector.load %arg2[%get3A_22, %get3A_23] : memref<1x256xf32, #tpu.memory_space<vmem>>, vector<1x256xf32>
    %sub3A_25 = vector.broadcast %div3A_11 : vector<1x256xf32> to vector<10000x256xf32>
    %sub3A_26 = arith.subf %mul3A_8, %sub3A_25 : vector<10000x256xf32>
    %mul3A_27 = vector.broadcast %get3A_24 : vector<1x256xf32> to vector<10000x256xf32>
    %mul3A_28 = arith.mulf %mul3A_27, %sub3A_26 : vector<10000x256xf32>
    %add3A = arith.constant 9.99999974E-6 : f32
    %add3A_29 = vector.broadcast %add3A : f32 to vector<1x256xf32>
    %add3A_30 = arith.addf %div3A_21, %add3A_29 : vector<1x256xf32>
    %rsqrt3A = math.rsqrt %add3A_30 : vector<1x256xf32>
    %mul3A_31 = vector.broadcast %rsqrt3A : vector<1x256xf32> to vector<10000x256xf32>
    %mul3A_32 = arith.mulf %mul3A_28, %mul3A_31 : vector<10000x256xf32>
    %get3A_33 = arith.constant 0 : index
    %get3A_34 = arith.constant 0 : index
    %get3A_35 = vector.load %arg3[%get3A_33, %get3A_34] : memref<1x256xf32, #tpu.memory_space<vmem>>, vector<1x256xf32>
    %add3A_36 = vector.broadcast %get3A_35 : vector<1x256xf32> to vector<10000x256xf32>
    %add3A_37 = arith.addf %mul3A_32, %add3A_36 : vector<10000x256xf32>
    %max3A = arith.constant 0.000000e+00 : f32
    %max3A_38 = vector.broadcast %max3A : f32 to vector<10000x256xf32>
    %max3A_39 = arith.maximumf %add3A_37, %max3A_38 : vector<10000x256xf32>
    %swap3A = arith.constant 0 : index
    %swap3A_40 = arith.constant 0 : index
    %swap3A_41 = vector.load %arg4[%swap3A, %swap3A_40] : memref<10000x256xf32, #tpu.memory_space<vmem>>, vector<10000x256xf32>
    tpu.vector_store %arg4[%swap3A, %swap3A_40], %max3A_39 {strides = array<i32>} : memref<10000x256xf32, #tpu.memory_space<vmem>>, vector<10000x256xf32>,
    return
  }
}

</mosaic_0001>

<sc_bundles>
// kernel: kernel.11.cloned.1.call-start
scs
__scs_entry_jumppad:
0x0: {  	(pc) =	sbr.rel $0x88, $3  }
0x1: {  	(tag) =	ssettag $0x0;
	lr =	simm.s32 $0x1  }
0x2: {  	[smem:$0x3F97] =	sst lr;
	_ =	strace $0xD0000000  }
0x3: {  	_ = 	snop  }
0x4: {  	_ = 	snop  }
0x5: {  	_ = 	snop  }
0x6: {  	_ = 	snop  }
0x7: {  	_ = 	snop  }
__scs_overlays_trampoline_lowered:
0x8: {  	[smem:$0x3FA6] =	sst s0  }
0x9: {  	[smem:$0x3FA7] =	sst s1  }
0xa: {  	[smem:$0x3FA8] =	sst s2  }
0xb: {  	[smem:$0x3FA9] =	sst s3  }
0xc: {  	[smem:$0x3FAA] =	sst s4  }
0xd: {  	[smem:$0x3FAB] =	sst s5  }
0xe: {  	[smem:$0x3FAC] =	sst s6  }
0xf: {  	[smem:$0x3FAD] =	sst s7  }
0x10: {  	[smem:$0x3FAE] =	sst s8  }
0x11: {  	[smem:$0x3FAF] =	sst s9;
	s0 =	simm.s32 @!p0 $0x0  }
0x12: {  	s1 =	sld [smem:$0x3F95];
	s0 =	simm.s32 @p0 $0x1  }
0x13: {  	[smem:$0x3FB0] =	sst s0;
	s0 =	simm.s32 @!p1 $0x0  }
0x14: {  	s2 =	sld [smem:$0x3F94];
	s0 =	simm.s32 @p1 $0x1  }
0x15: {  	[smem:$0x3FB1] =	sst s0;
	s0 =	simm.s32 @!p2 $0x0  }
0x16: {  	s3 =	sld [smem:$0x3FDB];
	s0 =	simm.s32 @p2 $0x1  }
0x17: {  	s4 =	simm.s32 $0x1BF5;
	[smem:$0x3FB3] =	sst s0  }
0x18: {  	s0 =	sld [smem:$0x3F96];
	_ =	swait.ge [sflag:s4], $0x0  }
0x19: {  	s7 =	sld [smem:$0x3F97]  }
0x1a: {  	s8 =	sadd.s32 $0xFFFFE003, lr  }
0x1b: {  	s9 =	sadd.s32 $0xFFFFFEF7, lr;
	s5 =	simm.s32 $0xFFFFFFFF;
	p2 =	slt.u32 s8, $0xFFFFF086  }
0x1c: {  	p1 =	slt.u32 s9, $0xF7A;
	s5 =	simm.s32 @!p2 $0x0  }
0x1d: {  	s5 =	simm.s32 @p1 $0x1;
	p0 =	seq.s32 s7, s2  }
0x1e: {  	s7 =	smul.u32 @!p0 $0xF7A, s2;
	p2 =	seq.s32 @!p0 s5, $0x0  }
0x1f: {  	s9 =	smul.u32 $0xF7A, s1;
	s8 =	simm.s32 @!p0 $0x1BF5;
	p2 =	por !p2, p0  }
0x20: {  	[sflag:s8] =	ssyncset.s32 @!p0 $0xFFFFF086;
	s6 =	sadd.s32 @!p0 s3, s7;
	s7 =	simm.s32 @!p0 $0x108  }
0x21: {  	s3 =	sadd.s32 s3, s9;
	s6 =	sadd.s32 @!p0 $0x88, s6;
	s7 =	simm.s32 @p2 $0x1082  }
0x22: {  	[simem:s7], [sflag:s8] =	dma.local @!p0 [hbm:s6], $0xF7A  }
0x23: {  	s9 =	sor.u32 $0xD0000000, s2;
	s6 =	simm.s32 $0x108;
	_ =	swait.ge @!p0 [sflag:s8], $0x0  }
0x24: {  	s3 =	sadd.s32 $0x88, s3;
	s6 =	simm.s32 @!p1 $0x1082;
	[sflag:s4] =	ssyncset.s32 $0xFFFFF086  }
0x25: {  	[simem:s6], [sflag:s4] =	dma.local [hbm:s3], $0xF7A  }
0x26: {  	[smem:$0x3F97] =	sst s1;
	(tag) =	ssettag s2;
	_ =	strace s9  }
0x27: {  	s1 =	sld [smem:$0x3FA7]  }
0x28: {  	s2 =	sld [smem:$0x3FA8]  }
0x29: {  	s4 =	sld [smem:$0x3FAA]  }
0x2a: {  	p0 =	seq.s32 s5, $0x0;
	s5 =	sld [smem:$0x3FAB]  }
0x2b: {  	s6 =	sld [smem:$0x3FAC]  }
0x2c: {  	s7 =	sld [smem:$0x3FAD]  }
0x2d: {  	s3 =	simm.s32 $0x108;
	s8 =	sld [smem:$0x3FAE]  }
0x2e: {  	s3 =	simm.s32 @!p0 $0x1082;
	s9 =	sld [smem:$0x3FAF]  }
0x2f: {  	lr =	sadd.s32 s0, s3;
	s0 =	sld [smem:$0x3FA6]  }
0x30: {  	s3 =	sld [smem:$0x3FA9]  }
0x31: {  	[smem:$0x3FB2] =	sst s10  }
0x32: {  	s10 =	sld [smem:$0x3FB0];
	_ =	sdelay $0x3  }
0x33: {  	p0 =	seq.s32 s10, $0x1;
	s10 =	sld [smem:$0x3FB2];
	_ =	sdelay $0x3  }
0x34: {  	[smem:$0x3FB2] =	sst s10  }
0x35: {  	s10 =	sld [smem:$0x3FB1];
	_ =	sdelay $0x3  }
0x36: {  	p1 =	seq.s32 s10, $0x1;
	s10 =	sld [smem:$0x3FB2];
	_ =	sdelay $0x3  }
0x37: {  	[smem:$0x3FB2] =	sst s10  }
0x38: {  	s10 =	sld [smem:$0x3FB3]  }
0x39: {  	_ = 	snop;
	(pc) =	sbr.ind lr, $3  }
0x3a: {  	_ = 	snop  }
0x3b: {  	_ = 	snop  }
0x3c: {  	p2 =	seq.s32 s10, $0x1;
	s10 =	sld [smem:$0x3FB2]  }
0x3d: {  	_ =	shalt  }
0x3e: {  	_ =	shalt  }
0x3f: {  	_ =	shalt  }
0x40: {  	_ =	shalt  }
0x41: {  	_ =	shalt  }
0x42: {  	_ =	shalt  }
0x43: {  	_ =	shalt  }
0x44: {  	_ =	shalt  }
0x45: {  	_ =	shalt  }
0x46: {  	_ =	shalt  }
0x47: {  	_ =	shalt  }
0x48: {  	_ =	shalt  }
0x49: {  	_ =	shalt  }
0x4a: {  	_ =	shalt  }
0x4b: {  	_ =	shalt  }
0x4c: {  	_ =	shalt  }
0x4d: {  	_ =	shalt  }
0x4e: {  	_ =	shalt  }
0x4f: {  	_ =	shalt  }
0x50: {  	_ =	shalt  }
0x51: {  	_ =	shalt  }
0x52: {  	_ =	shalt  }
0x53: {  	_ =	shalt  }
0x54: {  	_ =	shalt  }
0x55: {  	_ =	shalt  }
0x56: {  	_ =	shalt  }
0x57: {  	_ =	shalt  }
0x58: {  	_ =	shalt  }
0x59: {  	_ =	shalt  }
0x5a: {  	_ =	shalt  }
0x5b: {  	_ =	shalt  }
0x5c: {  	_ =	shalt  }
0x5d: {  	_ =	shalt  }
0x5e: {  	_ =	shalt  }
0x5f: {  	_ =	shalt  }
0x60: {  	_ =	shalt  }
0x61: {  	_ =	shalt  }
0x62: {  	_ =	shalt  }
0x63: {  	_ =	shalt  }
0x64: {  	_ =	shalt  }
0x65: {  	_ =	shalt  }
0x66: {  	_ =	shalt  }
0x67: {  	_ =	shalt  }
0x68: {  	_ =	shalt  }
0x69: {  	_ =	shalt  }
0x6a: {  	_ =	shalt  }
0x6b: {  	_ =	shalt  }
0x6c: {  	_ =	shalt  }
0x6d: {  	_ =	shalt  }
0x6e: {  	_ =	shalt  }
0x6f: {  	_ =	shalt  }
0x70: {  	_ =	shalt  }
0x71: {  	_ =	shalt  }
0x72: {  	_ =	shalt  }
0x73: {  	_ =	shalt  }
0x74: {  	_ =	shalt  }
0x75: {  	_ =	shalt  }
0x76: {  	_ =	shalt  }
0x77: {  	_ =	shalt  }
0x78: {  	_ =	shalt  }
0x79: {  	_ =	shalt  }
0x7a: {  	_ =	shalt  }
0x7b: {  	_ =	shalt  }
0x7c: {  	_ =	shalt  }
0x7d: {  	_ =	shalt  }
0x7e: {  	_ =	shalt  }
0x7f: {  	_ =	shalt  }
0x80: {  	_ =	shalt  }
0x81: {  	_ =	shalt  }
0x82: {  	_ =	shalt  }
0x83: {  	_ =	shalt  }
0x84: {  	_ =	shalt  }
0x85: {  	_ =	shalt  }
0x86: {  	_ =	shalt  }
0x87: {  	_ =	shalt  }
.Lfunc_end0:
.L_simem_size_0:
called_computation.1_lowered:
.L_overlay_start_0:
0x88: {  	s2 =	sld [smem:$0x3FD9]  }
0x89: {  	s3 =	sld [smem:$0x3FFE];
	_ =	sdelay $0x1  }
0x8a: {  	s1 =	srdreg.scid  }
0x8b: {  	s0 =	sand.u32 $0x1, s1  }
0x8c: {  	s17 =	sshll.u32 s0, $0xA;
	s2 =	sadd.s32 s3, s2  }
0x8d: {  	s2 =	sadd.s32 s2, s17  }
0x8e: {  	[smem:$0x3FBE] =	sst s2  }
0x8f: {  	_ = 	snop  }
0x90: {  	s2 =	sld [smem:$0x3FD0];
	(tm) =	ssettm $0x1  }
0x91: {  	s18 =	sld [smem:$0x3FFB];
	_ =	sdelay $0x3  }
0x92: {  	_ =	strace s18  }
0x93: {  	s3 =	sld [smem:$0x3FFC];
	_ =	sdelay $0x3  }
0x94: {  	_ =	strace s3  }
0x95: {  	s3 =	sld [smem:$0x3FFD];
	_ =	sdelay $0x3  }
0x96: {  	_ =	strace s3  }
0x97: {  	_ =	strace $0x8FFFFFFF  }
0x98: {  	s19 =	sld [smem:$0x3FDB];
	_ =	sdelay $0x1  }
0x99: {  	s4 =	simm.s32 $_scs_section_size  }
0x9a: {  	s5 =	simm.s32 $_size__tile_overlayer_lowered;
	s6 =	simm.s32 $_tile_overlayer_lowered  }
0x9b: {  	s22 =	simm.s32 $0x1BFF;
	s21 =	sshll.u32 s6, $0x1;
	s3 =	sadd.s32 s4, s19  }
0x9c: {  	s7 =	simm.s32 $0x0;
	s20 =	sshll.u32 s5, $0x1;
	s5 =	sadd.s32 s21, s3  }
0x9d: {  	[timem:s7], [sflag:s22] =	dma.local [hbm:s5], s20  }
0x9e: {  	_ =	swait.ge [sflag:s22], s20  }
0x9f: {  	s4 =	ssub.s32 $0x0, s20;
	[sflag:s22] =	ssyncset.done $0x0  }
0xa0: {  	[sflag:s22] =	ssyncadd.s32 s4;
	_ =	sdelay $0x1  }
0xa1: {  	s23 =	simm.s32 $0x1B8B  }
0xa2: {  	_ =	swait.ge [sflag:s23], $0x1  }
0xa3: {  	[sflag:s23] =	ssyncset.done $0x0  }
0xa4: {  	s25 =	simm.s32 $0x1B8E;
	s24 =	sld [smem:$0x3FFE];
	[sflag:s23] =	ssyncadd.s32 $0xFFFFFFFF  }
0xa5: {  	s26 =	simm.s32 $execute0_lowered;
	[smem:$0x3FD2] =	sst s25  }
0xa6: {  	s5 =	sshll.u32 s26, $0x1;
	_ =	strace $0x80000049;
	[dreg:$0x1] =	wrdreg $0xFFFFFFFF  }
0xa7: {  	s28 =	simm.s32 $_size_execute0_lowered;
	s3 =	sadd.s32 s3, s5;
	[dreg:$0x0] =	wrdreg $0x0  }
0xa8: {  	s5 =	sshll.u32 s28, $0x1;
	[dreg:$0x2] =	wrdreg s3  }
0xa9: {  	[dreg:$0x3] =	wrdreg s5  }
0xaa: {  	[dreg:$0x4] =	wrdreg $0xC0  }
0xab: {  	_ =	task [dreg:s7], $0x5FFFF  }
0xac: {  	[dreg:$0x1] =	wrdreg $0xFFFFFFFF  }
0xad: {  	[dreg:$0x0] =	wrdreg $0x60  }
0xae: {  	[dreg:$0x2] =	wrdreg s24  }
0xaf: {  	[dreg:$0x3] =	wrdreg s2  }
0xb0: {  	[dreg:$0x4] =	wrdreg $0xB4000  }
0xb1: {  	[dreg:$0x5] =	wrdreg $0x9  }
0xb2: {  	_ =	task.clear_ibuf [dreg:s7], $0x6FFFF;
	_ =	strace $0x90000049  }
0xb3: {  	s29 =	simm.s32 $0x9;
	_ =	strace $0x8000004B  }
0xb4: {  	_ =	swait.ge [sflag:s29], $0x1  }
0xb5: {  	[sflag:s29] =	ssyncadd.s32 $0xFFFFFFFF  }
0xb6: {  	_ =	strace $0x9000004B  }
0xb7: {  	_ =	sfence  }
0xb8: {  	s30 =	sld [smem:$0x0];
	_ =	sdelay $0x2  }
0xb9: {  	s31 =	sshll.u32 s1, $0xD;
	s1 =	sshrl.u32 s1, $0x2  }
0xba: {  	s3 =	sand.u32 $0x4000, s31;
	s1 =	sadd.s32 s1, s30  }
0xbb: {  	s0 =	sor.u32 s3, s0;
	s1 =	sshll.u32 s1, $0x11  }
0xbc: {  	s0 =	sor.u32 s1, s0  }
0xbd: {  	s0 =	sadd.s32 $0x8F2B, s0  }
0xbe: {  	[sflag:s0] =	ssyncadd.remote.s32 $0x1  }
0xbf: {  	_ =	sfence.sel $0xFFFF  }
0xc0: {  	[dreg:$0x0] =	wrdreg $0xFFFFFFFF;
	(pc) =	sbr.abs _section_cstart, $3  }
0xc1: {  	[dreg:$0x1] =	wrdreg $0xFFFFFFFF  }
0xc2: {  	_ =	task.clear_ibuf [dreg:s7], $0x2FFFF;
	_ =	strace $0x9FFFFFFF  }
0xc3: {  	(tm) =	ssettm $0x7FFFFFFF  }
tec
execute0_lowered:
.L_overlay_start_1:
0x0: {  	(tag) =	ssettag $0x1  }
0x1: {  	s0 =	rddreg [dreg:$0x0]  }
0x2: {  	s2 =	rddreg [dreg:$0x1]  }
0x3: {  	s1 =	rddreg [dreg:$0x2];
	s4 =	srdreg.scid  }
0x4: {  	s3 =	simm.s32 $0x0;
	s13 =	stileid.u32;
	s16 =	simm.s32 $0x9300  }
0x5: {  	s17 =	simm.s32 $0xA300;
	s18 =	simm.s32 $0x1;
	s5 =	smul.u32 $0x280, s13  }
0x6: {  	s19 =	simm.s32 $0x20;
	s20 =	simm.s32 $0xB300;
	s10 =	smul.u32 $0x4E20, s13  }
0x7: {  	s28 =	simm.s32 $0x80;
	s29 =	simm.s32 $0x180;
	s25 =	smul.u32 $0x2800, s13  }
0x8: {  	s30 =	simm.s32 $0x3A00;
	s6 =	sand.u32 $0x1, s4;
	s26 =	smul.u32 $0x9C4, s13  }
0x9: {  	[smem:$0x7FF] =	sst s3;
	s4 =	sadd.s32 $0xC200, s0;
	s7 =	smul.u32 $0x28000, s6  }
0xa: {  	s9 =	sadd.s32 $0x2400, s0;
	s8 =	smul.u32 $0x2800, s6;
	s6 =	ssub.s32 $0x2, s6  }
0xb: {  	_ =	strace $0x8000004A;
	s11 =	sshrl.u32 s6, $0x1;
	s10 =	sshrl.u32 s10, $0x3  }
0xc: {  	s31 =	sor.u32 $0x10, s5;
	s13 =	sadd.s32 s26, s9;
	s14 =	sadd.s32 s26, s2  }
0xd: {  	s26 =	simm.s32 $0x200;
	s0 =	sadd.s32 s7, s0;
	s12 =	sadd.s32 s5, s8  }
0xe: {  	s6 =	ssub.s32 s6, s11;
	s22 =	sadd.s32 s2, s10;
	s23 =	sadd.s32 $0x9BC, s10  }
0xf: {  	s10 =	sadd.s32 s9, s10;
	s7 =	sadd.s32 s7, s4;
	[dreg:$0x5] =	wrdreg s22  }
0x10: {  	s21 =	sshll.u32 s12, $0x4;
	[dreg:$0x6] =	wrdreg s10;
	s24 =	sadd.s32 s2, s23  }
0x11: {  	s6 =	smax.u32 s6, $0x1;
	s7 =	sadd.s32 s25, s7;
	s0 =	sadd.s32 s25, s0  }
0x12: {  	s22 =	simm.s32 $0x2;
	s25 =	simm.s32 $0x70;
	[dreg:$0x7] =	wrdreg s24  }
0x13: {  	s11 =	sadd.s32 s4, s21;
	[dreg:$0x9] =	wrdreg s6;
	s7 =	sadd.s32 $0x400, s7  }
0x14: {  	s15 =	sadd.s32 $0x5C200, s0;
	s21 =	simm.s32 $0x3;
	[dreg:$0x4] =	wrdreg s11  }
0x15: {  	v0 =	vlaneseq.u32;
	s24 =	simm.s32 $0x100;
	s11 =	sadd.s32 s9, s23;
	[dreg:$0xa] =	wrdreg s7  }
0x16: {  	v3 =	vor.u32 s5, v0;
	v1 =	vmov s8;
	v2 =	vor.u32 s31, v0;
	s23 =	simm.s32 $0xB380;
	s7 =	simm.s32 $0x0;
	[dreg:$0x8] =	wrdreg s11  }
.LBB2_1:
0x17: {  	s0 =	rddreg [dreg:$0x4]  }
0x18: {  	s2 =	rddreg [dreg:$0xa]  }
0x19: {  	[tilespmem:s16], [sflag:$0x1] =	stream.linear.gather [hbm4b:s0+s3], $0x1000, $0x38;
	[tilespmem:$0x1F400] =	vst v63  }
0x1a: {  	s11 =	sadd.s32 $0xFFFFFE00, s2  }
0x1b: {  	[tilespmem:s17], [sflag:$0x2] =	stream.linear.gather [hbm4b:s11+s3], $0x1000, $0x38;
	[tilespmem:$0x1F400] =	vst v63  }
0x1c: {  	_ =	swait.ge [sflag:s18], $0x1000  }
0x1d: {  	s12 =	sadd.s32 $0x0, s5;
	[sflag:s18] =	ssyncset.done $0x0  }
0x1e: {  	s8 =	sadd.s32 $0x10, s12;
	v4 =	vor.u32 s12, v0;
	[sflag:s18] =	ssyncadd.s32 $0xFFFFF000  }
0x1f: {  	v5 =	vor.u32 s8, v0;
	[tilespmem:$0xB300] =	vst v4  }
0x20: {  	[tilespmem:$0xB310] =	vst v5  }
0x21: {  	[spmem:s1] =	stream.indirect.scatter [tilespmem:s16], [sflag:$0x3], $0x80, s20, s19, $0xb8;
	[tilespmem:$0x1F400] =	vst v63  }
0x22: {  	_ =	swait.ge [sflag:s21], $0x1000  }
0x23: {  	p0 =	por $0x0, $0x0;
	[sflag:s21] =	ssyncset.done $0x0  }
0x24: {  	s9 =	simm.s32 @!p0 $0x9300;
	s8 =	simm.s32 @!p0 $0x0;
	[sflag:s21] =	ssyncadd.s32 $0xFFFFF000  }
0x25: {  	[tilespmem:s9], [sflag:$0x1] =	stream.linear.gather @!p0 [hbm4b:s2+s8], $0x1000, $0x38;
	[tilespmem:$0x1F400] =	vst v63  }
0x26: {  	_ =	swait.ge [sflag:s22], $0x1000  }
0x27: {  	s31 =	sadd.s32 $0x20, s12;
	[sflag:s22] =	ssyncset.done $0x0  }
0x28: {  	s0 =	sadd.s32 $0x30, s12;
	v4 =	vor.u32 s31, v0;
	[sflag:s22] =	ssyncadd.s32 $0xFFFFF000  }
0x29: {  	v5 =	vor.u32 s0, v0;
	[tilespmem:$0xB380] =	vst v4  }
0x2a: {  	s8 =	simm.s32 $0x40;
	s9 =	sadd.s32 $0x400, s2;
	[tilespmem:$0xB390] =	vst v5  }
0x2b: {  	[spmem:s1] =	stream.indirect.scatter [tilespmem:s17], [sflag:$0x3], $0x80, s23, s19, $0xb8;
	[tilespmem:$0x1F400] =	vst v63  }
.LBB2_2:
0x2c: {  	s0 =	sadd.s32 s8, s5  }
0x2d: {  	_ =	swait.ge [sflag:s21], $0x1000;
	s10 =	smov.u32 s8;
	s8 =	sadd.s32 $0x40, s8  }
0x2e: {  	s11 =	sadd.s32 $0x20, s0;
	s31 =	sadd.s32 $0x10, s0;
	[sflag:s21] =	ssyncset.done $0x0  }
0x2f: {  	s2 =	sadd.s32 $0xFFFFFE00, s9;
	s6 =	sadd.s32 $0x30, s0;
	[sflag:s21] =	ssyncadd.s32 $0xFFFFF000  }
0x30: {  	[tilespmem:s17], [sflag:$0x2] =	stream.linear.gather [hbm4b:s2+s3], $0x1000, $0x38;
	[tilespmem:$0x1F400] =	vst v63  }
0x31: {  	p0 =	sne.s32 s8, $0x280;
	_ =	swait.ge [sflag:s18], $0x1000  }
0x32: {  	[sflag:s18] =	ssyncset.done $0x0  }
0x33: {  	v4 =	vor.u32 s0, v0;
	v5 =	vor.u32 s31, v0;
	[sflag:s18] =	ssyncadd.s32 $0xFFFFF000  }
0x34: {  	[tilespmem:$0xB300] =	vst v4  }
0x35: {  	[tilespmem:$0xB310] =	vst v5  }
0x36: {  	[spmem:s1] =	stream.indirect.scatter [tilespmem:s16], [sflag:$0x3], $0x80, s20, s19, $0xb8;
	[tilespmem:$0x1F400] =	vst v63  }
0x37: {  	p1 =	seq.s32 s10, $0x240;
	_ =	swait.ge [sflag:s21], $0x1000  }
0x38: {  	s0 =	simm.s32 @!p1 $0x0;
	s2 =	simm.s32 @!p1 $0x9300;
	[sflag:s21] =	ssyncset.done $0x0  }
0x39: {  	[sflag:s21] =	ssyncadd.s32 $0xFFFFF000  }
0x3a: {  	[tilespmem:s2], [sflag:$0x1] =	stream.linear.gather @!p1 [hbm4b:s9+s0], $0x1000, $0x38;
	[tilespmem:$0x1F400] =	vst v63  }
0x3b: {  	_ =	swait.ge [sflag:s22], $0x1000  }
.Ltmp0:
0x3c: {  	[sflag:s22] =	ssyncset.done $0x0;
	(pc) =	sbr.rel @p0 .LBB2_2-.Ltmp0, $4  }
0x3d: {  	v4 =	vor.u32 s11, v0;
	v5 =	vor.u32 s6, v0;
	[sflag:s22] =	ssyncadd.s32 $0xFFFFF000  }
0x3e: {  	[tilespmem:$0xB380] =	vst v4  }
0x3f: {  	s9 =	sadd.s32 $0x400, s9;
	[tilespmem:$0xB390] =	vst v5  }
0x40: {  	[spmem:s1] =	stream.indirect.scatter [tilespmem:s17], [sflag:$0x3], $0x80, s23, s19, $0xb8;
	[tilespmem:$0x1F400] =	vst v63  }
0x41: {  	_ =	swait.ge [sflag:s21], $0x1000  }
0x42: {  	[sflag:s21] =	ssyncset.done $0x0  }
0x43: {  	[sflag:s21] =	ssyncadd.s32 $0xFFFFF000  }
0x44: {  	[bflag:$0x0] =	sbarrier.arrive $0xFFFF  }
0x45: {  	s0 =	simm.s32 $0x0;
	s2 =	rddreg [dreg:$0x5]  }
0x46: {  	[tilespmem:s0], [sflag:$0x3] =	stream.linear.gather [hbm4b:s2+s0], $0x70, $0x38;
	[tilespmem:$0x1F400] =	vst v63  }
0x47: {  	_ =	swait.ge [sflag:s21], $0x70  }
0x48: {  	[sflag:s21] =	ssyncset.done $0x0  }
0x49: {  	s10 =	rddreg [dreg:$0x6];
	[sflag:s21] =	ssyncadd.s32 $0xFFFFFF90  }
0x4a: {  	[tilespmem:s24], [sflag:$0x3] =	stream.linear.gather [hbm4b:s10+s0], $0x70, $0x38;
	[tilespmem:$0x1F400] =	vst v63  }
0x4b: {  	_ =	swait.ge [sflag:s21], $0x70  }
0x4c: {  	[sflag:s21] =	ssyncset.done $0x0  }
0x4d: {  	[sflag:s21] =	ssyncadd.s32 $0xFFFFFF90  }
0x4e: {  	v4 =	vld [tilespmem:$0x0]  }
0x4f: {  	v5 =	vld [tilespmem:$0x10]  }
0x50: {  	v6 =	vld [tilespmem:$0x20]  }
0x51: {  	v7 =	vld [tilespmem:$0x30]  }
0x52: {  	v8 =	vld [tilespmem:$0x40]  }
0x53: {  	v9 =	vld [tilespmem:$0x50];
	v4 =	vadd.s32 v1, v4  }
0x54: {  	[tilespmem:$0x0] =	vst v4;
	v4 =	vadd.s32 v1, v5;
	v5 =	vld [tilespmem:$0x60]  }
0x55: {  	[tilespmem:$0x10] =	vst v4;
	v4 =	vadd.s32 v1, v6  }
0x56: {  	[tilespmem:$0x20] =	vst v4;
	v4 =	vadd.s32 v1, v7  }
0x57: {  	[tilespmem:$0x30] =	vst v4;
	v4 =	vadd.s32 v1, v8  }
0x58: {  	[tilespmem:$0x40] =	vst v4;
	v4 =	vadd.s32 v1, v9  }
0x59: {  	[tilespmem:$0x50] =	vst v4;
	v4 =	vadd.s32 v1, v5  }
0x5a: {  	s11 =	sadd.s32 $0x0, s14;
	[tilespmem:$0x60] =	vst v4  }
0x5b: {  	[tilespmem:s26], [sflag:$0x1] =	stream.indirect.gather [hbm4b:s4+s25], $0x80, s0, s25, $0xb8;
	[tilespmem:$0x1F400] =	vst v63  }
0x5c: {  	s0 =	sadd.s32 $0xE, s11  }
0x5d: {  	[tilespmem:s28], [sflag:$0x3] =	stream.linear.gather [hbm4b:s0+s3], $0x70, $0x38;
	[tilespmem:$0x1F400] =	vst v63  }
0x5e: {  	_ =	swait.ge [sflag:s21], $0x70  }
0x5f: {  	s12 =	sadd.s32 $0x0, s13;
	[sflag:s21] =	ssyncset.done $0x0  }
0x60: {  	s0 =	sadd.s32 $0xE, s12;
	[sflag:s21] =	ssyncadd.s32 $0xFFFFFF90  }
0x61: {  	[tilespmem:s29], [sflag:$0x3] =	stream.linear.gather [hbm4b:s0+s3], $0x70, $0x38;
	[tilespmem:$0x1F400] =	vst v63  }
0x62: {  	_ =	swait.ge [sflag:s21], $0x70  }
0x63: {  	[sflag:s21] =	ssyncset.done $0x0  }
0x64: {  	[sflag:s21] =	ssyncadd.s32 $0xFFFFFF90  }
0x65: {  	v4 =	vld [tilespmem:$0xD0]  }
0x66: {  	v5 =	vld [tilespmem:$0xE0]  }
0x67: {  	v6 =	vld [tilespmem:$0xC0]  }
0x68: {  	v7 =	vld [tilespmem:$0xB0]  }
0x69: {  	v62 =	vld [tilespmem:$0x80]  }
0x6a: {  	v63 =	vld [tilespmem:$0xA0];
	v4 =	vadd.s32 v1, v4  }
0x6b: {  	v10 =	vld [tilespmem:$0x90];
	[tilespmem:$0xD0] =	vst v4;
	v4 =	vadd.s32 v1, v5  }
0x6c: {  	v5 =	vadd.s32 v1, v6;
	[tilespmem:$0xE0] =	vst v4  }
0x6d: {  	v4 =	vadd.s32 v1, v7;
	[tilespmem:$0xC0] =	vst v5  }
0x6e: {  	v5 =	vadd.s32 v1, v62;
	[tilespmem:$0xB0] =	vst v4  }
0x6f: {  	[tilespmem:$0x80] =	vst v5;
	v4 =	vadd.s32 v1, v63  }
0x70: {  	v5 =	vadd.s32 v1, v10;
	[tilespmem:$0xA0] =	vst v4  }
0x71: {  	[tilespmem:$0x90] =	vst v5  }
0x72: {  	[tilespmem:s30], [sflag:$0x2] =	stream.indirect.gather [hbm4b:s4+s25], $0x80, s28, s25, $0xb8;
	[tilespmem:$0x1F400] =	vst v63  }
0x73: {  	_ =	swait.ge [sflag:s18], $0x3800  }
0x74: {  	[sflag:s18] =	ssyncset.done $0x0  }
0x75: {  	[sflag:s18] =	ssyncadd.s32 $0xFFFFC800  }
0x76: {  	[spmem:s1] =	stream.indirect.scatter.add.f32 [tilespmem:s26], [sflag:$0x3], $0x80, s24, s25, $0xb8;
	[tilespmem:$0x1F400] =	vst v63  }
0x77: {  	p1 =	por $0x0, $0x0;
	_ =	swait.ge [sflag:s21], $0x3800  }
0x78: {  	s2 =	simm.s32 @!p1 $0x3;
	s0 =	sadd.s32 @!p1 $0x0, s14;
	[sflag:s21] =	ssyncset.done $0x0  }
0x79: {  	s11 =	simm.s32 @!p1 $0x0;
	s0 =	sadd.s32 @!p1 $0x1C, s0;
	[sflag:s21] =	ssyncadd.s32 $0xFFFFC800  }
0x7a: {  	[tilespmem:s11], [sflag:$0x3] =	stream.linear.gather @!p1 [hbm4b:s0+s11], $0x70, $0x38;
	[tilespmem:$0x1F400] =	vst v63  }
0x7b: {  	_ =	swait.ge @!p1 [sflag:s2], $0x70  }
0x7c: {  	s0 =	sadd.s32 @!p1 $0x0, s13;
	[sflag:s2] =	ssyncset.done @!p1 $0x0  }
0x7d: {  	s6 =	simm.s32 @!p1 $0x100;
	s0 =	sadd.s32 @!p1 $0x1C, s0;
	[sflag:s2] =	ssyncadd.s32 @!p1 $0xFFFFFF90  }
0x7e: {  	[tilespmem:s6], [sflag:$0x3] =	stream.linear.gather @!p1 [hbm4b:s0+s11], $0x70, $0x38;
	[tilespmem:$0x1F400] =	vst v63  }
0x7f: {  	_ =	swait.ge @!p1 [sflag:s2], $0x70  }
0x80: {  	[sflag:s2] =	ssyncset.done @!p1 $0x0  }
0x81: {  	[sflag:s2] =	ssyncadd.s32 @!p1 $0xFFFFFF90  }
0x82: {  	v4 =	vld @!p1 [tilespmem:$0x50]  }
0x83: {  	v5 =	vld @!p1 [tilespmem:$0x40]  }
0x84: {  	v6 =	vld @!p1 [tilespmem:$0x20]  }
0x85: {  	v7 =	vld @!p1 [tilespmem:$0x10]  }
0x86: {  	v9 =	vld @!p1 [tilespmem:$0x0]  }
0x87: {  	v8 =	vld @!p1 [tilespmem:$0x30];
	v4 =	vadd.s32 @!p1 v1, v4  }
0x88: {  	v5 =	vadd.s32 @!p1 v1, v5;
	[tilespmem:$0x50] =	vst @!p1 v4;
	v4 =	vld @!p1 [tilespmem:$0x60]  }
0x89: {  	v6 =	vadd.s32 @!p1 v1, v6;
	[tilespmem:$0x40] =	vst @!p1 v5  }
0x8a: {  	v5 =	vadd.s32 @!p1 v1, v7;
	[tilespmem:$0x20] =	vst @!p1 v6  }
0x8b: {  	v6 =	vadd.s32 @!p1 v1, v9;
	[tilespmem:$0x10] =	vst @!p1 v5  }
0x8c: {  	s8 =	simm.s32 $0x1C;
	v5 =	vadd.s32 @!p1 v1, v8;
	[tilespmem:$0x0] =	vst @!p1 v6  }
0x8d: {  	s9 =	simm.s32 $0x38;
	s31 =	simm.s32 @!p1 $0x70;
	s0 =	simm.s32 @!p1 $0x200;
	[tilespmem:$0x30] =	vst @!p1 v5;
	v4 =	vadd.s32 @!p1 v1, v4  }
.LBB2_4:
0x8e: {  	[tilespmem:$0x60] =	vst @!p1 v4;
	s10 =	smov.u32 s9;
	s9 =	sadd.s32 $0x1C, s9  }
0x8f: {  	[tilespmem:s0], [sflag:$0x1] =	stream.indirect.gather @!p1 [hbm4b:s4+s31], $0x80, s11, s31, $0xb8;
	[tilespmem:$0x1F400] =	vst v63  }
0x90: {  	p0 =	sne.s32 s9, $0x9BC;
	_ =	swait.ge [sflag:s22], $0x3800  }
0x91: {  	[sflag:s22] =	ssyncset.done $0x0  }
0x92: {  	[sflag:s22] =	ssyncadd.s32 $0xFFFFC800  }
0x93: {  	[spmem:s1] =	stream.indirect.scatter.add.f32 [tilespmem:s30], [sflag:$0x3], $0x80, s29, s25, $0xb8;
	[tilespmem:$0x1F400] =	vst v63  }
0x94: {  	_ =	swait.ge [sflag:s21], $0x3800  }
0x95: {  	s0 =	sadd.s32 s8, s14;
	[sflag:s21] =	ssyncset.done $0x0  }
0x96: {  	s0 =	sadd.s32 $0xE, s0;
	[sflag:s21] =	ssyncadd.s32 $0xFFFFC800  }
0x97: {  	[tilespmem:s28], [sflag:$0x3] =	stream.linear.gather [hbm4b:s0+s3], $0x70, $0x38;
	[tilespmem:$0x1F400] =	vst v63  }
0x98: {  	_ =	swait.ge [sflag:s21], $0x70  }
0x99: {  	s0 =	sadd.s32 s8, s13;
	[sflag:s21] =	ssyncset.done $0x0  }
0x9a: {  	s0 =	sadd.s32 $0xE, s0;
	[sflag:s21] =	ssyncadd.s32 $0xFFFFFF90  }
0x9b: {  	[tilespmem:s29], [sflag:$0x3] =	stream.linear.gather [hbm4b:s0+s3], $0x70, $0x38;
	[tilespmem:$0x1F400] =	vst v63  }
0x9c: {  	_ =	swait.ge [sflag:s21], $0x70  }
0x9d: {  	[sflag:s21] =	ssyncset.done $0x0  }
0x9e: {  	[sflag:s21] =	ssyncadd.s32 $0xFFFFFF90  }
0x9f: {  	v4 =	vld [tilespmem:$0xD0]  }
0xa0: {  	v5 =	vld [tilespmem:$0xE0]  }
0xa1: {  	v6 =	vld [tilespmem:$0xC0]  }
0xa2: {  	v7 =	vld [tilespmem:$0xB0]  }
0xa3: {  	v8 =	vld [tilespmem:$0x80]  }
0xa4: {  	v9 =	vld [tilespmem:$0xA0];
	v4 =	vadd.s32 v1, v4  }
0xa5: {  	v10 =	vld [tilespmem:$0x90];
	[tilespmem:$0xD0] =	vst v4;
	v4 =	vadd.s32 v1, v5  }
0xa6: {  	v5 =	vadd.s32 v1, v6;
	[tilespmem:$0xE0] =	vst v4  }
0xa7: {  	v4 =	vadd.s32 v1, v7;
	[tilespmem:$0xC0] =	vst v5  }
0xa8: {  	v5 =	vadd.s32 v1, v8;
	[tilespmem:$0xB0] =	vst v4  }
0xa9: {  	[tilespmem:$0x80] =	vst v5;
	v4 =	vadd.s32 v1, v9  }
0xaa: {  	v5 =	vadd.s32 v1, v10;
	[tilespmem:$0xA0] =	vst v4  }
0xab: {  	[tilespmem:$0x90] =	vst v5  }
0xac: {  	[tilespmem:s30], [sflag:$0x2] =	stream.indirect.gather [hbm4b:s4+s25], $0x80, s28, s25, $0xb8;
	[tilespmem:$0x1F400] =	vst v63  }
0xad: {  	_ =	swait.ge [sflag:s18], $0x3800  }
0xae: {  	[sflag:s18] =	ssyncset.done $0x0  }
0xaf: {  	[sflag:s18] =	ssyncadd.s32 $0xFFFFC800  }
0xb0: {  	[spmem:s1] =	stream.indirect.scatter.add.f32 [tilespmem:s26], [sflag:$0x3], $0x80, s24, s25, $0xb8;
	[tilespmem:$0x1F400] =	vst v63  }
0xb1: {  	p1 =	seq.s32 s8, $0x9A0;
	_ =	swait.ge [sflag:s21], $0x3800  }
0xb2: {  	s2 =	simm.s32 @!p1 $0x3;
	s0 =	sadd.s32 @!p1 s8, s14;
	[sflag:s21] =	ssyncset.done $0x0  }
0xb3: {  	s11 =	simm.s32 @!p1 $0x0;
	s0 =	sadd.s32 @!p1 $0x1C, s0;
	[sflag:s21] =	ssyncadd.s32 $0xFFFFC800  }
0xb4: {  	[tilespmem:s11], [sflag:$0x3] =	stream.linear.gather @!p1 [hbm4b:s0+s11], $0x70, $0x38;
	[tilespmem:$0x1F400] =	vst v63  }
0xb5: {  	s31 =	simm.s32 @!p1 $0x70;
	s0 =	sadd.s32 @!p1 s8, s13;
	_ =	swait.ge @!p1 [sflag:s2], $0x70  }
0xb6: {  	s6 =	sadd.s32 @!p1 $0x1C, s0;
	s0 =	simm.s32 @!p1 $0x200;
	[sflag:s2] =	ssyncset.done @!p1 $0x0  }
0xb7: {  	s12 =	simm.s32 @!p1 $0x100;
	s8 =	smov.u32 s10;
	[sflag:s2] =	ssyncadd.s32 @!p1 $0xFFFFFF90  }
0xb8: {  	[tilespmem:s12], [sflag:$0x3] =	stream.linear.gather @!p1 [hbm4b:s6+s11], $0x70, $0x38;
	[tilespmem:$0x1F400] =	vst v63  }
0xb9: {  	_ =	swait.ge @!p1 [sflag:s2], $0x70  }
0xba: {  	[sflag:s2] =	ssyncset.done @!p1 $0x0  }
0xbb: {  	[sflag:s2] =	ssyncadd.s32 @!p1 $0xFFFFFF90  }
0xbc: {  	v4 =	vld @!p1 [tilespmem:$0x50]  }
0xbd: {  	v5 =	vld @!p1 [tilespmem:$0x40]  }
0xbe: {  	v6 =	vld @!p1 [tilespmem:$0x20]  }
0xbf: {  	v7 =	vld @!p1 [tilespmem:$0x10]  }
0xc0: {  	v8 =	vld @!p1 [tilespmem:$0x30]  }
0xc1: {  	v9 =	vld @!p1 [tilespmem:$0x0];
	v4 =	vadd.s32 @!p1 v1, v4  }
0xc2: {  	v5 =	vadd.s32 @!p1 v1, v5;
	[tilespmem:$0x50] =	vst @!p1 v4;
	v4 =	vld @!p1 [tilespmem:$0x60]  }
.Ltmp1:
0xc3: {  	v6 =	vadd.s32 @!p1 v1, v6;
	[tilespmem:$0x40] =	vst @!p1 v5;
	(pc) =	sbr.rel @p0 .LBB2_4-.Ltmp1, $4  }
0xc4: {  	v5 =	vadd.s32 @!p1 v1, v7;
	[tilespmem:$0x20] =	vst @!p1 v6  }
0xc5: {  	[tilespmem:$0x10] =	vst @!p1 v5;
	v5 =	vadd.s32 @!p1 v1, v8  }
0xc6: {  	v6 =	vadd.s32 @!p1 v1, v9;
	[tilespmem:$0x30] =	vst @!p1 v5  }
0xc7: {  	[tilespmem:$0x0] =	vst @!p1 v6;
	v4 =	vadd.s32 @!p1 v1, v4  }
0xc8: {  	[tilespmem:$0x60] =	vst @!p1 v4  }
0xc9: {  	[tilespmem:s0], [sflag:$0x1] =	stream.indirect.gather @!p1 [hbm4b:s4+s31], $0x80, s11, s31, $0xb8;
	[tilespmem:$0x1F400] =	vst v63  }
0xca: {  	_ =	swait.ge [sflag:s22], $0x3800  }
0xcb: {  	[sflag:s22] =	ssyncset.done $0x0  }
0xcc: {  	[sflag:s22] =	ssyncadd.s32 $0xFFFFC800  }
0xcd: {  	[spmem:s1] =	stream.indirect.scatter.add.f32 [tilespmem:s30], [sflag:$0x3], $0x80, s29, s25, $0xb8;
	[tilespmem:$0x1F400] =	vst v63  }
0xce: {  	_ =	swait.ge [sflag:s21], $0x3800  }
0xcf: {  	s2 =	sadd.s32 s8, s14;
	[sflag:s21] =	ssyncset.done $0x0  }
0xd0: {  	s0 =	sadd.s32 $0xE, s2;
	[sflag:s21] =	ssyncadd.s32 $0xFFFFC800  }
0xd1: {  	[tilespmem:s28], [sflag:$0x3] =	stream.linear.gather [hbm4b:s0+s3], $0x70, $0x38;
	[tilespmem:$0x1F400] =	vst v63  }
0xd2: {  	_ =	swait.ge [sflag:s21], $0x70  }
0xd3: {  	s6 =	sadd.s32 s8, s13;
	[sflag:s21] =	ssyncset.done $0x0  }
0xd4: {  	s0 =	sadd.s32 $0xE, s6;
	[sflag:s21] =	ssyncadd.s32 $0xFFFFFF90  }
0xd5: {  	[tilespmem:s29], [sflag:$0x3] =	stream.linear.gather [hbm4b:s0+s3], $0x70, $0x38;
	[tilespmem:$0x1F400] =	vst v63  }
0xd6: {  	_ =	swait.ge [sflag:s21], $0x70  }
0xd7: {  	[sflag:s21] =	ssyncset.done $0x0  }
0xd8: {  	[sflag:s21] =	ssyncadd.s32 $0xFFFFFF90  }
0xd9: {  	v4 =	vld [tilespmem:$0xD0]  }
0xda: {  	v5 =	vld [tilespmem:$0xE0]  }
0xdb: {  	v6 =	vld [tilespmem:$0xC0]  }
0xdc: {  	v7 =	vld [tilespmem:$0xB0]  }
0xdd: {  	v8 =	vld [tilespmem:$0x80]  }
0xde: {  	v9 =	vld [tilespmem:$0xA0];
	v4 =	vadd.s32 v1, v4  }
0xdf: {  	v10 =	vld [tilespmem:$0x90];
	[tilespmem:$0xD0] =	vst v4;
	v4 =	vadd.s32 v1, v5  }
0xe0: {  	v5 =	vadd.s32 v1, v6;
	[tilespmem:$0xE0] =	vst v4  }
0xe1: {  	v4 =	vadd.s32 v1, v7;
	[tilespmem:$0xC0] =	vst v5  }
0xe2: {  	v5 =	vadd.s32 v1, v8;
	[tilespmem:$0xB0] =	vst v4  }
0xe3: {  	[tilespmem:$0x80] =	vst v5;
	v4 =	vadd.s32 v1, v9  }
0xe4: {  	v5 =	vadd.s32 v1, v10;
	[tilespmem:$0xA0] =	vst v4  }
0xe5: {  	[tilespmem:$0x90] =	vst v5  }
0xe6: {  	[tilespmem:s30], [sflag:$0x2] =	stream.indirect.gather [hbm4b:s4+s25], $0x80, s28, s25, $0xb8;
	[tilespmem:$0x1F400] =	vst v63  }
0xe7: {  	_ =	swait.ge [sflag:s18], $0x3800  }
0xe8: {  	[sflag:s18] =	ssyncset.done $0x0  }
0xe9: {  	[sflag:s18] =	ssyncadd.s32 $0xFFFFC800  }
0xea: {  	[spmem:s1] =	stream.indirect.scatter.add.f32 [tilespmem:s26], [sflag:$0x3], $0x80, s24, s25, $0xb8;
	[tilespmem:$0x1F400] =	vst v63  }
0xeb: {  	p0 =	seq.s32 s8, $0x9A0;
	_ =	swait.ge [sflag:s21], $0x3800  }
0xec: {  	s2 =	simm.s32 @!p0 $0x3;
	s0 =	sadd.s32 @!p0 s8, s14;
	[sflag:s21] =	ssyncset.done $0x0  }
0xed: {  	s6 =	simm.s32 @!p0 $0x0;
	s0 =	sadd.s32 @!p0 $0x1C, s0;
	[sflag:s21] =	ssyncadd.s32 $0xFFFFC800  }
0xee: {  	[tilespmem:s6], [sflag:$0x3] =	stream.linear.gather @!p0 [hbm4b:s0+s6], $0x70, $0x38;
	[tilespmem:$0x1F400] =	vst v63  }
0xef: {  	_ =	swait.ge @!p0 [sflag:s2], $0x70  }
0xf0: {  	s0 =	sadd.s32 @!p0 s8, s13;
	[sflag:s2] =	ssyncset.done @!p0 $0x0  }
0xf1: {  	s8 =	simm.s32 @!p0 $0x100;
	s0 =	sadd.s32 @!p0 $0x1C, s0;
	[sflag:s2] =	ssyncadd.s32 @!p0 $0xFFFFFF90  }
0xf2: {  	[tilespmem:s8], [sflag:$0x3] =	stream.linear.gather @!p0 [hbm4b:s0+s6], $0x70, $0x38;
	[tilespmem:$0x1F400] =	vst v63  }
0xf3: {  	_ =	swait.ge @!p0 [sflag:s2], $0x70  }
0xf4: {  	[sflag:s2] =	ssyncset.done @!p0 $0x0  }
0xf5: {  	[sflag:s2] =	ssyncadd.s32 @!p0 $0xFFFFFF90  }
0xf6: {  	v4 =	vld @!p0 [tilespmem:$0x50]  }
0xf7: {  	v5 =	vld @!p0 [tilespmem:$0x40]  }
0xf8: {  	v6 =	vld @!p0 [tilespmem:$0x20]  }
0xf9: {  	v7 =	vld @!p0 [tilespmem:$0x10]  }
0xfa: {  	v9 =	vld @!p0 [tilespmem:$0x0]  }
0xfb: {  	v8 =	vld @!p0 [tilespmem:$0x30];
	v4 =	vadd.s32 @!p0 v1, v4  }
0xfc: {  	v5 =	vadd.s32 @!p0 v1, v5;
	[tilespmem:$0x50] =	vst @!p0 v4;
	v4 =	vld @!p0 [tilespmem:$0x60]  }
0xfd: {  	v6 =	vadd.s32 @!p0 v1, v6;
	[tilespmem:$0x40] =	vst @!p0 v5  }
0xfe: {  	v5 =	vadd.s32 @!p0 v1, v7;
	[tilespmem:$0x20] =	vst @!p0 v6  }
0xff: {  	v6 =	vadd.s32 @!p0 v1, v9;
	[tilespmem:$0x10] =	vst @!p0 v5  }
0x100: {  	v5 =	vadd.s32 @!p0 v1, v8;
	[tilespmem:$0x0] =	vst @!p0 v6  }
0x101: {  	[tilespmem:$0x30] =	vst @!p0 v5;
	v4 =	vadd.s32 @!p0 v1, v4  }
0x102: {  	s0 =	simm.s32 @!p0 $0x70;
	s2 =	simm.s32 @!p0 $0x200;
	[tilespmem:$0x60] =	vst @!p0 v4  }
0x103: {  	[tilespmem:s2], [sflag:$0x1] =	stream.indirect.gather @!p0 [hbm4b:s4+s0], $0x80, s6, s0, $0xb8;
	[tilespmem:$0x1F400] =	vst v63  }
0x104: {  	_ =	swait.ge [sflag:s22], $0x3800  }
0x105: {  	[sflag:s22] =	ssyncset.done $0x0  }
0x106: {  	[sflag:s22] =	ssyncadd.s32 $0xFFFFC800  }
0x107: {  	[spmem:s1] =	stream.indirect.scatter.add.f32 [tilespmem:s30], [sflag:$0x3], $0x80, s29, s25, $0xb8;
	[tilespmem:$0x1F400] =	vst v63  }
0x108: {  	_ =	swait.ge [sflag:s21], $0x3800  }
0x109: {  	s9 =	simm.s32 $0x0;
	[sflag:s21] =	ssyncset.done $0x0  }
0x10a: {  	s11 =	simm.s32 $0x7200;
	s10 =	rddreg [dreg:$0x7];
	[sflag:s21] =	ssyncadd.s32 $0xFFFFC800  }
0x10b: {  	[tilespmem:s11], [sflag:$0x3] =	stream.linear.gather [hbm4b:s10+s9], $0x40, $0x38;
	[tilespmem:$0x1F400] =	vst v63  }
0x10c: {  	_ =	swait.ge [sflag:s21], $0x40  }
0x10d: {  	[sflag:s21] =	ssyncset.done $0x0  }
0x10e: {  	s31 =	simm.s32 $0x7280;
	s12 =	rddreg [dreg:$0x8];
	[sflag:s21] =	ssyncadd.s32 $0xFFFFFFC0  }
0x10f: {  	[tilespmem:s31], [sflag:$0x3] =	stream.linear.gather [hbm4b:s12+s9], $0x40, $0x38;
	[tilespmem:$0x1F400] =	vst v63  }
0x110: {  	_ =	swait.ge [sflag:s21], $0x40  }
0x111: {  	[sflag:s21] =	ssyncset.done $0x0  }
0x112: {  	[sflag:s21] =	ssyncadd.s32 $0xFFFFFFC0  }
0x113: {  	v4 =	vld [tilespmem:$0x7200]  }
0x114: {  	v5 =	vld [tilespmem:$0x7210]  }
0x115: {  	v62 =	vld [tilespmem:$0x7220]  }
0x116: {  	v63 =	vld [tilespmem:$0x7230];
	_ =	sdelay $0x1  }
0x117: {  	v4 =	vadd.s32 v1, v4  }
0x118: {  	[tilespmem:$0x7200] =	vst v4;
	v4 =	vadd.s32 v1, v5  }
0x119: {  	[tilespmem:$0x7210] =	vst v4;
	v4 =	vadd.s32 v1, v62  }
0x11a: {  	[tilespmem:$0x7220] =	vst v4;
	v4 =	vadd.s32 v1, v63  }
0x11b: {  	s10 =	simm.s32 $0x7300;
	s9 =	simm.s32 $0x40;
	[tilespmem:$0x7230] =	vst v4  }
0x11c: {  	[tilespmem:s10], [sflag:$0x1] =	stream.indirect.gather [hbm4b:s4+s9], $0x80, s11, s9, $0xb8;
	[tilespmem:$0x1F400] =	vst v63  }
0x11d: {  	_ =	swait.ge [sflag:s18], $0x2000  }
0x11e: {  	[sflag:s18] =	ssyncset.done $0x0  }
0x11f: {  	[sflag:s18] =	ssyncadd.s32 $0xFFFFE000  }
0x120: {  	[spmem:s1] =	stream.indirect.scatter.add.f32 [tilespmem:s10], [sflag:$0x3], $0x80, s31, s9, $0xb8;
	[tilespmem:$0x1F400] =	vst v63  }
0x121: {  	_ =	swait.ge [sflag:s21], $0x2000  }
0x122: {  	[sflag:s21] =	ssyncset.done $0x0  }
0x123: {  	[sflag:s21] =	ssyncadd.s32 $0xFFFFE000  }
0x124: {  	[bflag:$0x0] =	sbarrier.arrive $0xFFFF  }
0x125: {  	s11 =	sadd.s32 $0x0, s5;
	[tilespmem:$0xB300] =	vst v3  }
0x126: {  	s12 =	sadd.s32 $0x20, s11;
	s0 =	sadd.s32 $0x30, s11;
	[tilespmem:$0xB310] =	vst v2  }
0x127: {  	v4 =	vor.u32 s12, v0;
	[tilespmem:s16], [sflag:$0x1] =	stream.indirect.gather [spmem:s1], $0x80, s20, s19, $0xb8;
	[tilespmem:$0x1F400] =	vst v63  }
0x128: {  	v5 =	vor.u32 s0, v0;
	[tilespmem:$0xB380] =	vst v4  }
0x129: {  	[tilespmem:$0xB390] =	vst v5  }
0x12a: {  	[tilespmem:s17], [sflag:$0x2] =	stream.indirect.gather [spmem:s1], $0x80, s23, s19, $0xb8;
	[tilespmem:$0x1F400] =	vst v63  }
0x12b: {  	_ =	swait.ge [sflag:s18], $0x1000  }
0x12c: {  	[sflag:s18] =	ssyncset.done $0x0  }
0x12d: {  	p0 =	por $0x0, $0x0;
	[sflag:s18] =	ssyncadd.s32 $0xFFFFF000  }
0x12e: {  	[hbm4b:s15+s3] =	stream.linear.scatter [tilespmem:s16], [sflag:$0x3], $0x1000, $0x38;
	[tilespmem:$0x1F400] =	vst v63  }
0x12f: {  	s0 =	sadd.s32 @!p0 $0x0, s5;
	_ =	swait.ge [sflag:s21], $0x1000  }
0x130: {  	s2 =	sadd.s32 @!p0 $0x40, s0;
	v4 =	vlaneseq.u32 @!p0;
	[sflag:s21] =	ssyncset.done $0x0  }
0x131: {  	s0 =	sadd.s32 @!p0 $0x50, s0;
	v5 =	vor.u32 @!p0 s2, v4;
	[sflag:s21] =	ssyncadd.s32 $0xFFFFF000  }
0x132: {  	v4 =	vor.u32 @!p0 s0, v4;
	[tilespmem:$0xB300] =	vst @!p0 v5  }
0x133: {  	s6 =	simm.s32 @!p0 $0xB300;
	s0 =	simm.s32 @!p0 $0x9300;
	s2 =	simm.s32 @!p0 $0x20;
	[tilespmem:$0xB310] =	vst @!p0 v4  }
0x134: {  	[tilespmem:s0], [sflag:$0x1] =	stream.indirect.gather @!p0 [spmem:s1], $0x80, s6, s2, $0xb8;
	[tilespmem:$0x1F400] =	vst v63  }
0x135: {  	_ =	swait.ge [sflag:s22], $0x1000  }
0x136: {  	s8 =	sadd.s32 $0x400, s15;
	s31 =	sadd.s32 $0x200, s15;
	[sflag:s22] =	ssyncset.done $0x0  }
0x137: {  	s9 =	simm.s32 $0x40;
	s10 =	simm.s32 $0x80;
	[sflag:s22] =	ssyncadd.s32 $0xFFFFF000  }
0x138: {  	[hbm4b:s31+s3] =	stream.linear.scatter [tilespmem:s17], [sflag:$0x3], $0x1000, $0x38;
	[tilespmem:$0x1F400] =	vst v63  }
.LBB2_6:
0x139: {  	s0 =	sadd.s32 s9, s5  }
0x13a: {  	_ =	swait.ge [sflag:s21], $0x1000;
	s2 =	smov.u32 s10;
	s10 =	sadd.s32 $0x40, s10  }
0x13b: {  	s6 =	sadd.s32 $0x20, s0;
	s0 =	sadd.s32 $0x30, s0;
	[sflag:s21] =	ssyncset.done $0x0  }
0x13c: {  	p0 =	sne.s32 s10, $0x280;
	v4 =	vor.u32 s6, v0;
	v5 =	vor.u32 s0, v0;
	[sflag:s21] =	ssyncadd.s32 $0xFFFFF000  }
0x13d: {  	[tilespmem:$0xB380] =	vst v4  }
0x13e: {  	[tilespmem:$0xB390] =	vst v5  }
0x13f: {  	[tilespmem:s17], [sflag:$0x2] =	stream.indirect.gather [spmem:s1], $0x80, s23, s19, $0xb8;
	[tilespmem:$0x1F400] =	vst v63  }
0x140: {  	_ =	swait.ge [sflag:s18], $0x1000  }
0x141: {  	[sflag:s18] =	ssyncset.done $0x0  }
0x142: {  	p1 =	seq.s32 s9, $0x240;
	[sflag:s18] =	ssyncadd.s32 $0xFFFFF000  }
0x143: {  	[hbm4b:s8+s3] =	stream.linear.scatter [tilespmem:s16], [sflag:$0x3], $0x1000, $0x38;
	[tilespmem:$0x1F400] =	vst v63  }
0x144: {  	s0 =	sadd.s32 @!p1 s9, s5;
	s6 =	simm.s32 @!p1 $0x9300;
	_ =	swait.ge [sflag:s21], $0x1000  }
0x145: {  	s9 =	sadd.s32 @!p1 $0x40, s0;
	v4 =	vlaneseq.u32 @!p1;
	s0 =	sadd.s32 @!p1 $0x50, s0;
	[sflag:s21] =	ssyncset.done $0x0  }
0x146: {  	s11 =	simm.s32 @!p1 $0xB300;
	v5 =	vor.u32 @!p1 s9, v4;
	v4 =	vor.u32 @!p1 s0, v4;
	s0 =	simm.s32 @!p1 $0x20;
	[sflag:s21] =	ssyncadd.s32 $0xFFFFF000  }
0x147: {  	s9 =	smov.u32 s2;
	[tilespmem:$0xB300] =	vst @!p1 v5  }
0x148: {  	[tilespmem:$0xB310] =	vst @!p1 v4  }
0x149: {  	[tilespmem:s6], [sflag:$0x1] =	stream.indirect.gather @!p1 [spmem:s1], $0x80, s11, s0, $0xb8;
	[tilespmem:$0x1F400] =	vst v63  }
.Ltmp2:
0x14a: {  	_ = 	snop;
	(pc) =	sbr.rel @p0 .LBB2_6-.Ltmp2, $4  }
0x14b: {  	s0 =	sadd.s32 $0x200, s8;
	_ =	swait.ge [sflag:s22], $0x1000  }
0x14c: {  	[sflag:s22] =	ssyncset.done $0x0  }
0x14d: {  	s8 =	sadd.s32 $0x400, s8;
	[sflag:s22] =	ssyncadd.s32 $0xFFFFF000  }
0x14e: {  	[hbm4b:s0+s3] =	stream.linear.scatter [tilespmem:s17], [sflag:$0x3], $0x1000, $0x38;
	[tilespmem:$0x1F400] =	vst v63  }
0x14f: {  	s0 =	sadd.s32 s9, s5;
	_ =	swait.ge [sflag:s21], $0x1000  }
0x150: {  	s2 =	sadd.s32 $0x20, s0;
	[sflag:s21] =	ssyncset.done $0x0  }
0x151: {  	s0 =	sadd.s32 $0x30, s0;
	v4 =	vor.u32 s2, v0;
	[sflag:s21] =	ssyncadd.s32 $0xFFFFF000  }
0x152: {  	v5 =	vor.u32 s0, v0;
	[tilespmem:$0xB380] =	vst v4  }
0x153: {  	[tilespmem:$0xB390] =	vst v5  }
0x154: {  	[tilespmem:s17], [sflag:$0x2] =	stream.indirect.gather [spmem:s1], $0x80, s23, s19, $0xb8;
	[tilespmem:$0x1F400] =	vst v63  }
0x155: {  	_ =	swait.ge [sflag:s18], $0x1000  }
0x156: {  	[sflag:s18] =	ssyncset.done $0x0  }
0x157: {  	p0 =	seq.s32 s9, $0x240;
	[sflag:s18] =	ssyncadd.s32 $0xFFFFF000  }
0x158: {  	[hbm4b:s8+s3] =	stream.linear.scatter [tilespmem:s16], [sflag:$0x3], $0x1000, $0x38;
	[tilespmem:$0x1F400] =	vst v63  }
0x159: {  	s0 =	sadd.s32 @!p0 s9, s5;
	_ =	swait.ge [sflag:s21], $0x1000  }
0x15a: {  	s2 =	sadd.s32 @!p0 $0x40, s0;
	v4 =	vlaneseq.u32 @!p0;
	[sflag:s21] =	ssyncset.done $0x0  }
0x15b: {  	s0 =	sadd.s32 @!p0 $0x50, s0;
	v5 =	vor.u32 @!p0 s2, v4;
	[sflag:s21] =	ssyncadd.s32 $0xFFFFF000  }
0x15c: {  	v4 =	vor.u32 @!p0 s0, v4;
	[tilespmem:$0xB300] =	vst @!p0 v5  }
0x15d: {  	s6 =	simm.s32 @!p0 $0xB300;
	s0 =	simm.s32 @!p0 $0x9300;
	s2 =	simm.s32 @!p0 $0x20;
	[tilespmem:$0xB310] =	vst @!p0 v4  }
0x15e: {  	[tilespmem:s0], [sflag:$0x1] =	stream.indirect.gather @!p0 [spmem:s1], $0x80, s6, s2, $0xb8;
	[tilespmem:$0x1F400] =	vst v63  }
0x15f: {  	_ =	swait.ge [sflag:s22], $0x1000  }
0x160: {  	[sflag:s22] =	ssyncset.done $0x0  }
0x161: {  	s12 =	sadd.s32 $0x200, s8;
	[sflag:s22] =	ssyncadd.s32 $0xFFFFF000  }
0x162: {  	[hbm4b:s12+s3] =	stream.linear.scatter [tilespmem:s17], [sflag:$0x3], $0x1000, $0x38;
	[tilespmem:$0x1F400] =	vst v63  }
0x163: {  	_ =	swait.ge [sflag:s21], $0x1000  }
0x164: {  	s7 =	sadd.s32 $0x1, s7;
	s31 =	rddreg [dreg:$0x9]  }
0x165: {  	p0 =	sne.s32 s7, s31  }
.Ltmp3:
0x166: {  	_ = 	snop;
	(pc) =	sbr.rel @p0 .LBB2_1-.Ltmp3, $3  }
0x167: {  	_ =	sdelay $0x1  }
0x168: {  	[sflag:s21] =	ssyncset.done $0x0  }
0x169: {  	[sflag:s21] =	ssyncadd.s32 $0xFFFFF000  }
0x16a: {  	_ =	sfence.sel $0x180000  }
0x16b: {  	[bflag:$0x0] =	sbarrier.arrive $0xFFFF  }
0x16c: {  	_ =	strace $0x9000004A  }
0x16d: {  	s0 =	stileid.u32;
	[bflag:$0x2] =	sbarrier.arrive $0xFFFF  }
0x16e: {  	p0 =	sne.s32 s0, $0x0;
	s0 =	rddreg [dreg:$0x3]  }
0x16f: {  	s0 =	sadd.s32 @!p0 $0x100000, s0  }
0x170: {  	[sflag:s0] =	ssyncadd.tile.s32 @!p0 $0x1;
	_ =	shalt  }
.Lfunc_end2:
_tile_overlayer_lowered:
.L_overlay_start_2:
0x171: {  	(tag) =	ssettag $0x2  }
0x172: {  	s0 =	rddreg [dreg:$0x0];
	s2 =	stileid.u32  }
0x173: {  	s1 =	rddreg [dreg:$0x1];
	p0 =	sne.s32 s2, $0x0  }
0x174: {  	s3 =	rddreg [dreg:$0x2];
	[bflag:$0x3] =	sbarrier.arrive $0xFFFF;
	s2 =	simm.s32 @!p0 $0x1C03  }
0x175: {  	[timem:s3], [sflag:s2] =	dma.local @!p0 [hbm:s0], s1  }
0x176: {  	s0 =	simm.s32 @!p0 $0x3  }
0x177: {  	_ =	swait.ge @!p0 [sflag:s0], s1  }
0x178: {  	s1 =	ssub.s32 @!p0 $0x0, s1;
	[sflag:s0] =	ssyncset.done @!p0 $0x0  }
0x179: {  	[sflag:s0] =	ssyncadd.s32 @!p0 s1  }
0x17a: {  	[bflag:$0x3] =	sbarrier.arrive $0xFFFF  }
0x17b: {  	_ =	shalt  }

// kernel: kernel.14.cloned.1.call-start
scs
__scs_entry_jumppad:
0x0: {  	(pc) =	sbr.rel $0x88, $3  }
0x1: {  	(tag) =	ssettag $0x0;
	lr =	simm.s32 $0x1  }
0x2: {  	[smem:$0x3F97] =	sst lr;
	_ =	strace $0xD0000000  }
0x3: {  	_ = 	snop  }
0x4: {  	_ = 	snop  }
0x5: {  	_ = 	snop  }
0x6: {  	_ = 	snop  }
0x7: {  	_ = 	snop  }
__scs_overlays_trampoline_lowered:
0x8: {  	[smem:$0x3FA6] =	sst s0  }
0x9: {  	[smem:$0x3FA7] =	sst s1  }
0xa: {  	[smem:$0x3FA8] =	sst s2  }
0xb: {  	[smem:$0x3FA9] =	sst s3  }
0xc: {  	[smem:$0x3FAA] =	sst s4  }
0xd: {  	[smem:$0x3FAB] =	sst s5  }
0xe: {  	[smem:$0x3FAC] =	sst s6  }
0xf: {  	[smem:$0x3FAD] =	sst s7  }
0x10: {  	[smem:$0x3FAE] =	sst s8  }
0x11: {  	[smem:$0x3FAF] =	sst s9;
	s0 =	simm.s32 @!p0 $0x0  }
0x12: {  	s1 =	sld [smem:$0x3F95];
	s0 =	simm.s32 @p0 $0x1  }
0x13: {  	[smem:$0x3FB0] =	sst s0;
	s0 =	simm.s32 @!p1 $0x0  }
0x14: {  	s2 =	sld [smem:$0x3F94];
	s0 =	simm.s32 @p1 $0x1  }
0x15: {  	[smem:$0x3FB1] =	sst s0;
	s0 =	simm.s32 @!p2 $0x0  }
0x16: {  	s3 =	sld [smem:$0x3FDB];
	s0 =	simm.s32 @p2 $0x1  }
0x17: {  	s4 =	simm.s32 $0x1BF5;
	[smem:$0x3FB3] =	sst s0  }
0x18: {  	s0 =	sld [smem:$0x3F96];
	_ =	swait.ge [sflag:s4], $0x0  }
0x19: {  	s7 =	sld [smem:$0x3F97]  }
0x1a: {  	s8 =	sadd.s32 $0xFFFFE003, lr  }
0x1b: {  	s9 =	sadd.s32 $0xFFFFFEF7, lr;
	s5 =	simm.s32 $0xFFFFFFFF;
	p2 =	slt.u32 s8, $0xFFFFF086  }
0x1c: {  	p1 =	slt.u32 s9, $0xF7A;
	s5 =	simm.s32 @!p2 $0x0  }
0x1d: {  	s5 =	simm.s32 @p1 $0x1;
	p0 =	seq.s32 s7, s2  }
0x1e: {  	s7 =	smul.u32 @!p0 $0xF7A, s2;
	p2 =	seq.s32 @!p0 s5, $0x0  }
0x1f: {  	s9 =	smul.u32 $0xF7A, s1;
	s8 =	simm.s32 @!p0 $0x1BF5;
	p2 =	por !p2, p0  }
0x20: {  	[sflag:s8] =	ssyncset.s32 @!p0 $0xFFFFF086;
	s6 =	sadd.s32 @!p0 s3, s7;
	s7 =	simm.s32 @!p0 $0x108  }
0x21: {  	s3 =	sadd.s32 s3, s9;
	s6 =	sadd.s32 @!p0 $0x88, s6;
	s7 =	simm.s32 @p2 $0x1082  }
0x22: {  	[simem:s7], [sflag:s8] =	dma.local @!p0 [hbm:s6], $0xF7A  }
0x23: {  	s9 =	sor.u32 $0xD0000000, s2;
	s6 =	simm.s32 $0x108;
	_ =	swait.ge @!p0 [sflag:s8], $0x0  }
0x24: {  	s3 =	sadd.s32 $0x88, s3;
	s6 =	simm.s32 @!p1 $0x1082;
	[sflag:s4] =	ssyncset.s32 $0xFFFFF086  }
0x25: {  	[simem:s6], [sflag:s4] =	dma.local [hbm:s3], $0xF7A  }
0x26: {  	[smem:$0x3F97] =	sst s1;
	(tag) =	ssettag s2;
	_ =	strace s9  }
0x27: {  	s1 =	sld [smem:$0x3FA7]  }
0x28: {  	s2 =	sld [smem:$0x3FA8]  }
0x29: {  	s4 =	sld [smem:$0x3FAA]  }
0x2a: {  	p0 =	seq.s32 s5, $0x0;
	s5 =	sld [smem:$0x3FAB]  }
0x2b: {  	s6 =	sld [smem:$0x3FAC]  }
0x2c: {  	s7 =	sld [smem:$0x3FAD]  }
0x2d: {  	s3 =	simm.s32 $0x108;
	s8 =	sld [smem:$0x3FAE]  }
0x2e: {  	s3 =	simm.s32 @!p0 $0x1082;
	s9 =	sld [smem:$0x3FAF]  }
0x2f: {  	lr =	sadd.s32 s0, s3;
	s0 =	sld [smem:$0x3FA6]  }
0x30: {  	s3 =	sld [smem:$0x3FA9]  }
0x31: {  	[smem:$0x3FB2] =	sst s10  }
0x32: {  	s10 =	sld [smem:$0x3FB0];
	_ =	sdelay $0x3  }
0x33: {  	p0 =	seq.s32 s10, $0x1;
	s10 =	sld [smem:$0x3FB2];
	_ =	sdelay $0x3  }
0x34: {  	[smem:$0x3FB2] =	sst s10  }
0x35: {  	s10 =	sld [smem:$0x3FB1];
	_ =	sdelay $0x3  }
0x36: {  	p1 =	seq.s32 s10, $0x1;
	s10 =	sld [smem:$0x3FB2];
	_ =	sdelay $0x3  }
0x37: {  	[smem:$0x3FB2] =	sst s10  }
0x38: {  	s10 =	sld [smem:$0x3FB3]  }
0x39: {  	_ = 	snop;
	(pc) =	sbr.ind lr, $3  }
0x3a: {  	_ = 	snop  }
0x3b: {  	_ = 	snop  }
0x3c: {  	p2 =	seq.s32 s10, $0x1;
	s10 =	sld [smem:$0x3FB2]  }
0x3d: {  	_ =	shalt  }
0x3e: {  	_ =	shalt  }
0x3f: {  	_ =	shalt  }
0x40: {  	_ =	shalt  }
0x41: {  	_ =	shalt  }
0x42: {  	_ =	shalt  }
0x43: {  	_ =	shalt  }
0x44: {  	_ =	shalt  }
0x45: {  	_ =	shalt  }
0x46: {  	_ =	shalt  }
0x47: {  	_ =	shalt  }
0x48: {  	_ =	shalt  }
0x49: {  	_ =	shalt  }
0x4a: {  	_ =	shalt  }
0x4b: {  	_ =	shalt  }
0x4c: {  	_ =	shalt  }
0x4d: {  	_ =	shalt  }
0x4e: {  	_ =	shalt  }
0x4f: {  	_ =	shalt  }
0x50: {  	_ =	shalt  }
0x51: {  	_ =	shalt  }
0x52: {  	_ =	shalt  }
0x53: {  	_ =	shalt  }
0x54: {  	_ =	shalt  }
0x55: {  	_ =	shalt  }
0x56: {  	_ =	shalt  }
0x57: {  	_ =	shalt  }
0x58: {  	_ =	shalt  }
0x59: {  	_ =	shalt  }
0x5a: {  	_ =	shalt  }
0x5b: {  	_ =	shalt  }
0x5c: {  	_ =	shalt  }
0x5d: {  	_ =	shalt  }
0x5e: {  	_ =	shalt  }
0x5f: {  	_ =	shalt  }
0x60: {  	_ =	shalt  }
0x61: {  	_ =	shalt  }
0x62: {  	_ =	shalt  }
0x63: {  	_ =	shalt  }
0x64: {  	_ =	shalt  }
0x65: {  	_ =	shalt  }
0x66: {  	_ =	shalt  }
0x67: {  	_ =	shalt  }
0x68: {  	_ =	shalt  }
0x69: {  	_ =	shalt  }
0x6a: {  	_ =	shalt  }
0x6b: {  	_ =	shalt  }
0x6c: {  	_ =	shalt  }
0x6d: {  	_ =	shalt  }
0x6e: {  	_ =	shalt  }
0x6f: {  	_ =	shalt  }
0x70: {  	_ =	shalt  }
0x71: {  	_ =	shalt  }
0x72: {  	_ =	shalt  }
0x73: {  	_ =	shalt  }
0x74: {  	_ =	shalt  }
0x75: {  	_ =	shalt  }
0x76: {  	_ =	shalt  }
0x77: {  	_ =	shalt  }
0x78: {  	_ =	shalt  }
0x79: {  	_ =	shalt  }
0x7a: {  	_ =	shalt  }
0x7b: {  	_ =	shalt  }
0x7c: {  	_ =	shalt  }
0x7d: {  	_ =	shalt  }
0x7e: {  	_ =	shalt  }
0x7f: {  	_ =	shalt  }
0x80: {  	_ =	shalt  }
0x81: {  	_ =	shalt  }
0x82: {  	_ =	shalt  }
0x83: {  	_ =	shalt  }
0x84: {  	_ =	shalt  }
0x85: {  	_ =	shalt  }
0x86: {  	_ =	shalt  }
0x87: {  	_ =	shalt  }
.Lfunc_end0:
.L_simem_size_0:
called_computation.2_lowered:
.L_overlay_start_0:
0x88: {  	s2 =	sld [smem:$0x3FD9]  }
0x89: {  	s3 =	sld [smem:$0x3FFE];
	_ =	sdelay $0x1  }
0x8a: {  	s1 =	srdreg.scid  }
0x8b: {  	s0 =	sand.u32 $0x1, s1  }
0x8c: {  	s17 =	sshll.u32 s0, $0xA;
	s2 =	sadd.s32 s3, s2  }
0x8d: {  	s2 =	sadd.s32 s2, s17  }
0x8e: {  	[smem:$0x3FBE] =	sst s2  }
0x8f: {  	_ = 	snop  }
0x90: {  	s2 =	sld [smem:$0x3FD0];
	(tm) =	ssettm $0x1  }
0x91: {  	s18 =	sld [smem:$0x3FFB];
	_ =	sdelay $0x3  }
0x92: {  	_ =	strace s18  }
0x93: {  	s3 =	sld [smem:$0x3FFC];
	_ =	sdelay $0x3  }
0x94: {  	_ =	strace s3  }
0x95: {  	s3 =	sld [smem:$0x3FFD];
	_ =	sdelay $0x3  }
0x96: {  	_ =	strace s3  }
0x97: {  	_ =	strace $0x8FFFFFFF  }
0x98: {  	s19 =	sld [smem:$0x3FDB];
	_ =	sdelay $0x1  }
0x99: {  	s4 =	simm.s32 $_scs_section_size  }
0x9a: {  	s5 =	simm.s32 $_size__tile_overlayer_lowered;
	s6 =	simm.s32 $_tile_overlayer_lowered  }
0x9b: {  	s22 =	simm.s32 $0x1BFF;
	s21 =	sshll.u32 s6, $0x1;
	s3 =	sadd.s32 s4, s19  }
0x9c: {  	s7 =	simm.s32 $0x0;
	s20 =	sshll.u32 s5, $0x1;
	s5 =	sadd.s32 s21, s3  }
0x9d: {  	[timem:s7], [sflag:s22] =	dma.local [hbm:s5], s20  }
0x9e: {  	_ =	swait.ge [sflag:s22], s20  }
0x9f: {  	s4 =	ssub.s32 $0x0, s20;
	[sflag:s22] =	ssyncset.done $0x0  }
0xa0: {  	[sflag:s22] =	ssyncadd.s32 s4;
	_ =	sdelay $0x1  }
0xa1: {  	s23 =	simm.s32 $0x1B8B  }
0xa2: {  	_ =	swait.ge [sflag:s23], $0x1  }
0xa3: {  	[sflag:s23] =	ssyncset.done $0x0  }
0xa4: {  	s25 =	simm.s32 $0x1B8E;
	s24 =	sld [smem:$0x3FFE];
	[sflag:s23] =	ssyncadd.s32 $0xFFFFFFFF  }
0xa5: {  	s26 =	simm.s32 $execute0_lowered;
	[smem:$0x3FD2] =	sst s25  }
0xa6: {  	s5 =	sshll.u32 s26, $0x1;
	_ =	strace $0x8000004C;
	[dreg:$0x1] =	wrdreg $0xFFFFFFFF  }
0xa7: {  	s28 =	simm.s32 $_size_execute0_lowered;
	s3 =	sadd.s32 s3, s5;
	[dreg:$0x0] =	wrdreg $0x0  }
0xa8: {  	s5 =	sshll.u32 s28, $0x1;
	[dreg:$0x2] =	wrdreg s3  }
0xa9: {  	[dreg:$0x3] =	wrdreg s5  }
0xaa: {  	[dreg:$0x4] =	wrdreg $0xC0  }
0xab: {  	_ =	task [dreg:s7], $0x5FFFF  }
0xac: {  	[dreg:$0x1] =	wrdreg $0xFFFFFFFF  }
0xad: {  	[dreg:$0x0] =	wrdreg $0x60  }
0xae: {  	[dreg:$0x2] =	wrdreg s24  }
0xaf: {  	[dreg:$0x3] =	wrdreg s2  }
0xb0: {  	[dreg:$0x4] =	wrdreg $0xB4000  }
0xb1: {  	[dreg:$0x5] =	wrdreg $0x9  }
0xb2: {  	_ =	task.clear_ibuf [dreg:s7], $0x6FFFF;
	_ =	strace $0x9000004C  }
0xb3: {  	s29 =	simm.s32 $0x9;
	_ =	strace $0x8000004E  }
0xb4: {  	_ =	swait.ge [sflag:s29], $0x1  }
0xb5: {  	[sflag:s29] =	ssyncadd.s32 $0xFFFFFFFF  }
0xb6: {  	_ =	strace $0x9000004E  }
0xb7: {  	_ =	sfence  }
0xb8: {  	s30 =	sld [smem:$0x0];
	_ =	sdelay $0x2  }
0xb9: {  	s31 =	sshll.u32 s1, $0xD;
	s1 =	sshrl.u32 s1, $0x2  }
0xba: {  	s3 =	sand.u32 $0x4000, s31;
	s1 =	sadd.s32 s1, s30  }
0xbb: {  	s0 =	sor.u32 s3, s0;
	s1 =	sshll.u32 s1, $0x11  }
0xbc: {  	s0 =	sor.u32 s1, s0  }
0xbd: {  	s0 =	sadd.s32 $0x8F2B, s0  }
0xbe: {  	[sflag:s0] =	ssyncadd.remote.s32 $0x1  }
0xbf: {  	_ =	sfence.sel $0xFFFF  }
0xc0: {  	[dreg:$0x0] =	wrdreg $0xFFFFFFFF;
	(pc) =	sbr.abs _section_cstart, $3  }
0xc1: {  	[dreg:$0x1] =	wrdreg $0xFFFFFFFF  }
0xc2: {  	_ =	task.clear_ibuf [dreg:s7], $0x2FFFF;
	_ =	strace $0x9FFFFFFF  }
0xc3: {  	(tm) =	ssettm $0x7FFFFFFF  }
tec
execute0_lowered:
.L_overlay_start_1:
0x0: {  	(tag) =	ssettag $0x1  }
0x1: {  	s0 =	rddreg [dreg:$0x0]  }
0x2: {  	s2 =	rddreg [dreg:$0x1]  }
0x3: {  	s1 =	rddreg [dreg:$0x2];
	s4 =	srdreg.scid  }
0x4: {  	s3 =	simm.s32 $0x0;
	s13 =	stileid.u32;
	s16 =	simm.s32 $0x9300  }
0x5: {  	s17 =	simm.s32 $0xA300;
	s18 =	simm.s32 $0x1;
	s5 =	smul.u32 $0x280, s13  }
0x6: {  	s19 =	simm.s32 $0x20;
	s20 =	simm.s32 $0xB300;
	s10 =	smul.u32 $0x4E20, s13  }
0x7: {  	s28 =	simm.s32 $0x80;
	s29 =	simm.s32 $0x180;
	s25 =	smul.u32 $0x2800, s13  }
0x8: {  	s30 =	simm.s32 $0x3A00;
	s6 =	sand.u32 $0x1, s4;
	s26 =	smul.u32 $0x9C4, s13  }
0x9: {  	[smem:$0x7FF] =	sst s3;
	s4 =	sadd.s32 $0xC200, s0;
	s7 =	smul.u32 $0x28000, s6  }
0xa: {  	s9 =	sadd.s32 $0x2400, s0;
	s8 =	smul.u32 $0x2800, s6;
	s6 =	ssub.s32 $0x2, s6  }
0xb: {  	_ =	strace $0x8000004D;
	s11 =	sshrl.u32 s6, $0x1;
	s10 =	sshrl.u32 s10, $0x3  }
0xc: {  	s31 =	sor.u32 $0x10, s5;
	s13 =	sadd.s32 s26, s9;
	s14 =	sadd.s32 s26, s2  }
0xd: {  	s26 =	simm.s32 $0x200;
	s0 =	sadd.s32 s7, s0;
	s12 =	sadd.s32 s5, s8  }
0xe: {  	s6 =	ssub.s32 s6, s11;
	s22 =	sadd.s32 s2, s10;
	s23 =	sadd.s32 $0x9BC, s10  }
0xf: {  	s10 =	sadd.s32 s9, s10;
	s7 =	sadd.s32 s7, s4;
	[dreg:$0x5] =	wrdreg s22  }
0x10: {  	s21 =	sshll.u32 s12, $0x4;
	[dreg:$0x6] =	wrdreg s10;
	s24 =	sadd.s32 s2, s23  }
0x11: {  	s6 =	smax.u32 s6, $0x1;
	s7 =	sadd.s32 s25, s7;
	s0 =	sadd.s32 s25, s0  }
0x12: {  	s22 =	simm.s32 $0x2;
	s25 =	simm.s32 $0x70;
	[dreg:$0x7] =	wrdreg s24  }
0x13: {  	s11 =	sadd.s32 s4, s21;
	[dreg:$0x9] =	wrdreg s6;
	s7 =	sadd.s32 $0x400, s7  }
0x14: {  	s15 =	sadd.s32 $0x5C200, s0;
	s21 =	simm.s32 $0x3;
	[dreg:$0x4] =	wrdreg s11  }
0x15: {  	v0 =	vlaneseq.u32;
	s24 =	simm.s32 $0x100;
	s11 =	sadd.s32 s9, s23;
	[dreg:$0xa] =	wrdreg s7  }
0x16: {  	v3 =	vor.u32 s5, v0;
	v1 =	vmov s8;
	v2 =	vor.u32 s31, v0;
	s23 =	simm.s32 $0xB380;
	s7 =	simm.s32 $0x0;
	[dreg:$0x8] =	wrdreg s11  }
.LBB2_1:
0x17: {  	s0 =	rddreg [dreg:$0x4]  }
0x18: {  	s2 =	rddreg [dreg:$0xa]  }
0x19: {  	[tilespmem:s16], [sflag:$0x1] =	stream.linear.gather [hbm4b:s0+s3], $0x1000, $0x38;
	[tilespmem:$0x1F400] =	vst v63  }
0x1a: {  	s11 =	sadd.s32 $0xFFFFFE00, s2  }
0x1b: {  	[tilespmem:s17], [sflag:$0x2] =	stream.linear.gather [hbm4b:s11+s3], $0x1000, $0x38;
	[tilespmem:$0x1F400] =	vst v63  }
0x1c: {  	_ =	swait.ge [sflag:s18], $0x1000  }
0x1d: {  	s12 =	sadd.s32 $0x0, s5;
	[sflag:s18] =	ssyncset.done $0x0  }
0x1e: {  	s8 =	sadd.s32 $0x10, s12;
	v4 =	vor.u32 s12, v0;
	[sflag:s18] =	ssyncadd.s32 $0xFFFFF000  }
0x1f: {  	v5 =	vor.u32 s8, v0;
	[tilespmem:$0xB300] =	vst v4  }
0x20: {  	[tilespmem:$0xB310] =	vst v5  }
0x21: {  	[spmem:s1] =	stream.indirect.scatter [tilespmem:s16], [sflag:$0x3], $0x80, s20, s19, $0xb8;
	[tilespmem:$0x1F400] =	vst v63  }
0x22: {  	_ =	swait.ge [sflag:s21], $0x1000  }
0x23: {  	p0 =	por $0x0, $0x0;
	[sflag:s21] =	ssyncset.done $0x0  }
0x24: {  	s9 =	simm.s32 @!p0 $0x9300;
	s8 =	simm.s32 @!p0 $0x0;
	[sflag:s21] =	ssyncadd.s32 $0xFFFFF000  }
0x25: {  	[tilespmem:s9], [sflag:$0x1] =	stream.linear.gather @!p0 [hbm4b:s2+s8], $0x1000, $0x38;
	[tilespmem:$0x1F400] =	vst v63  }
0x26: {  	_ =	swait.ge [sflag:s22], $0x1000  }
0x27: {  	s31 =	sadd.s32 $0x20, s12;
	[sflag:s22] =	ssyncset.done $0x0  }
0x28: {  	s0 =	sadd.s32 $0x30, s12;
	v4 =	vor.u32 s31, v0;
	[sflag:s22] =	ssyncadd.s32 $0xFFFFF000  }
0x29: {  	v5 =	vor.u32 s0, v0;
	[tilespmem:$0xB380] =	vst v4  }
0x2a: {  	s8 =	simm.s32 $0x40;
	s9 =	sadd.s32 $0x400, s2;
	[tilespmem:$0xB390] =	vst v5  }
0x2b: {  	[spmem:s1] =	stream.indirect.scatter [tilespmem:s17], [sflag:$0x3], $0x80, s23, s19, $0xb8;
	[tilespmem:$0x1F400] =	vst v63  }
.LBB2_2:
0x2c: {  	s0 =	sadd.s32 s8, s5  }
0x2d: {  	_ =	swait.ge [sflag:s21], $0x1000;
	s10 =	smov.u32 s8;
	s8 =	sadd.s32 $0x40, s8  }
0x2e: {  	s11 =	sadd.s32 $0x20, s0;
	s31 =	sadd.s32 $0x10, s0;
	[sflag:s21] =	ssyncset.done $0x0  }
0x2f: {  	s2 =	sadd.s32 $0xFFFFFE00, s9;
	s6 =	sadd.s32 $0x30, s0;
	[sflag:s21] =	ssyncadd.s32 $0xFFFFF000  }
0x30: {  	[tilespmem:s17], [sflag:$0x2] =	stream.linear.gather [hbm4b:s2+s3], $0x1000, $0x38;
	[tilespmem:$0x1F400] =	vst v63  }
0x31: {  	p0 =	sne.s32 s8, $0x280;
	_ =	swait.ge [sflag:s18], $0x1000  }
0x32: {  	[sflag:s18] =	ssyncset.done $0x0  }
0x33: {  	v4 =	vor.u32 s0, v0;
	v5 =	vor.u32 s31, v0;
	[sflag:s18] =	ssyncadd.s32 $0xFFFFF000  }
0x34: {  	[tilespmem:$0xB300] =	vst v4  }
0x35: {  	[tilespmem:$0xB310] =	vst v5  }
0x36: {  	[spmem:s1] =	stream.indirect.scatter [tilespmem:s16], [sflag:$0x3], $0x80, s20, s19, $0xb8;
	[tilespmem:$0x1F400] =	vst v63  }
0x37: {  	p1 =	seq.s32 s10, $0x240;
	_ =	swait.ge [sflag:s21], $0x1000  }
0x38: {  	s0 =	simm.s32 @!p1 $0x0;
	s2 =	simm.s32 @!p1 $0x9300;
	[sflag:s21] =	ssyncset.done $0x0  }
0x39: {  	[sflag:s21] =	ssyncadd.s32 $0xFFFFF000  }
0x3a: {  	[tilespmem:s2], [sflag:$0x1] =	stream.linear.gather @!p1 [hbm4b:s9+s0], $0x1000, $0x38;
	[tilespmem:$0x1F400] =	vst v63  }
0x3b: {  	_ =	swait.ge [sflag:s22], $0x1000  }
.Ltmp0:
0x3c: {  	[sflag:s22] =	ssyncset.done $0x0;
	(pc) =	sbr.rel @p0 .LBB2_2-.Ltmp0, $4  }
0x3d: {  	v4 =	vor.u32 s11, v0;
	v5 =	vor.u32 s6, v0;
	[sflag:s22] =	ssyncadd.s32 $0xFFFFF000  }
0x3e: {  	[tilespmem:$0xB380] =	vst v4  }
0x3f: {  	s9 =	sadd.s32 $0x400, s9;
	[tilespmem:$0xB390] =	vst v5  }
0x40: {  	[spmem:s1] =	stream.indirect.scatter [tilespmem:s17], [sflag:$0x3], $0x80, s23, s19, $0xb8;
	[tilespmem:$0x1F400] =	vst v63  }
0x41: {  	_ =	swait.ge [sflag:s21], $0x1000  }
0x42: {  	[sflag:s21] =	ssyncset.done $0x0  }
0x43: {  	[sflag:s21] =	ssyncadd.s32 $0xFFFFF000  }
0x44: {  	[bflag:$0x0] =	sbarrier.arrive $0xFFFF  }
0x45: {  	s0 =	simm.s32 $0x0;
	s2 =	rddreg [dreg:$0x5]  }
0x46: {  	[tilespmem:s0], [sflag:$0x3] =	stream.linear.gather [hbm4b:s2+s0], $0x70, $0x38;
	[tilespmem:$0x1F400] =	vst v63  }
0x47: {  	_ =	swait.ge [sflag:s21], $0x70  }
0x48: {  	[sflag:s21] =	ssyncset.done $0x0  }
0x49: {  	s10 =	rddreg [dreg:$0x6];
	[sflag:s21] =	ssyncadd.s32 $0xFFFFFF90  }
0x4a: {  	[tilespmem:s24], [sflag:$0x3] =	stream.linear.gather [hbm4b:s10+s0], $0x70, $0x38;
	[tilespmem:$0x1F400] =	vst v63  }
0x4b: {  	_ =	swait.ge [sflag:s21], $0x70  }
0x4c: {  	[sflag:s21] =	ssyncset.done $0x0  }
0x4d: {  	[sflag:s21] =	ssyncadd.s32 $0xFFFFFF90  }
0x4e: {  	v4 =	vld [tilespmem:$0x0]  }
0x4f: {  	v5 =	vld [tilespmem:$0x10]  }
0x50: {  	v6 =	vld [tilespmem:$0x20]  }
0x51: {  	v7 =	vld [tilespmem:$0x30]  }
0x52: {  	v8 =	vld [tilespmem:$0x40]  }
0x53: {  	v9 =	vld [tilespmem:$0x50];
	v4 =	vadd.s32 v1, v4  }
0x54: {  	[tilespmem:$0x0] =	vst v4;
	v4 =	vadd.s32 v1, v5;
	v5 =	vld [tilespmem:$0x60]  }
0x55: {  	[tilespmem:$0x10] =	vst v4;
	v4 =	vadd.s32 v1, v6  }
0x56: {  	[tilespmem:$0x20] =	vst v4;
	v4 =	vadd.s32 v1, v7  }
0x57: {  	[tilespmem:$0x30] =	vst v4;
	v4 =	vadd.s32 v1, v8  }
0x58: {  	[tilespmem:$0x40] =	vst v4;
	v4 =	vadd.s32 v1, v9  }
0x59: {  	[tilespmem:$0x50] =	vst v4;
	v4 =	vadd.s32 v1, v5  }
0x5a: {  	s11 =	sadd.s32 $0x0, s14;
	[tilespmem:$0x60] =	vst v4  }
0x5b: {  	[tilespmem:s26], [sflag:$0x1] =	stream.indirect.gather [hbm4b:s4+s25], $0x80, s0, s25, $0xb8;
	[tilespmem:$0x1F400] =	vst v63  }
0x5c: {  	s0 =	sadd.s32 $0xE, s11  }
0x5d: {  	[tilespmem:s28], [sflag:$0x3] =	stream.linear.gather [hbm4b:s0+s3], $0x70, $0x38;
	[tilespmem:$0x1F400] =	vst v63  }
0x5e: {  	_ =	swait.ge [sflag:s21], $0x70  }
0x5f: {  	s12 =	sadd.s32 $0x0, s13;
	[sflag:s21] =	ssyncset.done $0x0  }
0x60: {  	s0 =	sadd.s32 $0xE, s12;
	[sflag:s21] =	ssyncadd.s32 $0xFFFFFF90  }
0x61: {  	[tilespmem:s29], [sflag:$0x3] =	stream.linear.gather [hbm4b:s0+s3], $0x70, $0x38;
	[tilespmem:$0x1F400] =	vst v63  }
0x62: {  	_ =	swait.ge [sflag:s21], $0x70  }
0x63: {  	[sflag:s21] =	ssyncset.done $0x0  }
0x64: {  	[sflag:s21] =	ssyncadd.s32 $0xFFFFFF90  }
0x65: {  	v4 =	vld [tilespmem:$0xD0]  }
0x66: {  	v5 =	vld [tilespmem:$0xE0]  }
0x67: {  	v6 =	vld [tilespmem:$0xC0]  }
0x68: {  	v7 =	vld [tilespmem:$0xB0]  }
0x69: {  	v62 =	vld [tilespmem:$0x80]  }
0x6a: {  	v63 =	vld [tilespmem:$0xA0];
	v4 =	vadd.s32 v1, v4  }
0x6b: {  	v10 =	vld [tilespmem:$0x90];
	[tilespmem:$0xD0] =	vst v4;
	v4 =	vadd.s32 v1, v5  }
0x6c: {  	v5 =	vadd.s32 v1, v6;
	[tilespmem:$0xE0] =	vst v4  }
0x6d: {  	v4 =	vadd.s32 v1, v7;
	[tilespmem:$0xC0] =	vst v5  }
0x6e: {  	v5 =	vadd.s32 v1, v62;
	[tilespmem:$0xB0] =	vst v4  }
0x6f: {  	[tilespmem:$0x80] =	vst v5;
	v4 =	vadd.s32 v1, v63  }
0x70: {  	v5 =	vadd.s32 v1, v10;
	[tilespmem:$0xA0] =	vst v4  }
0x71: {  	[tilespmem:$0x90] =	vst v5  }
0x72: {  	[tilespmem:s30], [sflag:$0x2] =	stream.indirect.gather [hbm4b:s4+s25], $0x80, s28, s25, $0xb8;
	[tilespmem:$0x1F400] =	vst v63  }
0x73: {  	_ =	swait.ge [sflag:s18], $0x3800  }
0x74: {  	[sflag:s18] =	ssyncset.done $0x0  }
0x75: {  	[sflag:s18] =	ssyncadd.s32 $0xFFFFC800  }
0x76: {  	[spmem:s1] =	stream.indirect.scatter.add.f32 [tilespmem:s26], [sflag:$0x3], $0x80, s24, s25, $0xb8;
	[tilespmem:$0x1F400] =	vst v63  }
0x77: {  	p1 =	por $0x0, $0x0;
	_ =	swait.ge [sflag:s21], $0x3800  }
0x78: {  	s2 =	simm.s32 @!p1 $0x3;
	s0 =	sadd.s32 @!p1 $0x0, s14;
	[sflag:s21] =	ssyncset.done $0x0  }
0x79: {  	s11 =	simm.s32 @!p1 $0x0;
	s0 =	sadd.s32 @!p1 $0x1C, s0;
	[sflag:s21] =	ssyncadd.s32 $0xFFFFC800  }
0x7a: {  	[tilespmem:s11], [sflag:$0x3] =	stream.linear.gather @!p1 [hbm4b:s0+s11], $0x70, $0x38;
	[tilespmem:$0x1F400] =	vst v63  }
0x7b: {  	_ =	swait.ge @!p1 [sflag:s2], $0x70  }
0x7c: {  	s0 =	sadd.s32 @!p1 $0x0, s13;
	[sflag:s2] =	ssyncset.done @!p1 $0x0  }
0x7d: {  	s6 =	simm.s32 @!p1 $0x100;
	s0 =	sadd.s32 @!p1 $0x1C, s0;
	[sflag:s2] =	ssyncadd.s32 @!p1 $0xFFFFFF90  }
0x7e: {  	[tilespmem:s6], [sflag:$0x3] =	stream.linear.gather @!p1 [hbm4b:s0+s11], $0x70, $0x38;
	[tilespmem:$0x1F400] =	vst v63  }
0x7f: {  	_ =	swait.ge @!p1 [sflag:s2], $0x70  }
0x80: {  	[sflag:s2] =	ssyncset.done @!p1 $0x0  }
0x81: {  	[sflag:s2] =	ssyncadd.s32 @!p1 $0xFFFFFF90  }
0x82: {  	v4 =	vld @!p1 [tilespmem:$0x50]  }
0x83: {  	v5 =	vld @!p1 [tilespmem:$0x40]  }
0x84: {  	v6 =	vld @!p1 [tilespmem:$0x20]  }
0x85: {  	v7 =	vld @!p1 [tilespmem:$0x10]  }
0x86: {  	v9 =	vld @!p1 [tilespmem:$0x0]  }
0x87: {  	v8 =	vld @!p1 [tilespmem:$0x30];
	v4 =	vadd.s32 @!p1 v1, v4  }
0x88: {  	v5 =	vadd.s32 @!p1 v1, v5;
	[tilespmem:$0x50] =	vst @!p1 v4;
	v4 =	vld @!p1 [tilespmem:$0x60]  }
0x89: {  	v6 =	vadd.s32 @!p1 v1, v6;
	[tilespmem:$0x40] =	vst @!p1 v5  }
0x8a: {  	v5 =	vadd.s32 @!p1 v1, v7;
	[tilespmem:$0x20] =	vst @!p1 v6  }
0x8b: {  	v6 =	vadd.s32 @!p1 v1, v9;
	[tilespmem:$0x10] =	vst @!p1 v5  }
0x8c: {  	s8 =	simm.s32 $0x1C;
	v5 =	vadd.s32 @!p1 v1, v8;
	[tilespmem:$0x0] =	vst @!p1 v6  }
0x8d: {  	s9 =	simm.s32 $0x38;
	s31 =	simm.s32 @!p1 $0x70;
	s0 =	simm.s32 @!p1 $0x200;
	[tilespmem:$0x30] =	vst @!p1 v5;
	v4 =	vadd.s32 @!p1 v1, v4  }
.LBB2_4:
0x8e: {  	[tilespmem:$0x60] =	vst @!p1 v4;
	s10 =	smov.u32 s9;
	s9 =	sadd.s32 $0x1C, s9  }
0x8f: {  	[tilespmem:s0], [sflag:$0x1] =	stream.indirect.gather @!p1 [hbm4b:s4+s31], $0x80, s11, s31, $0xb8;
	[tilespmem:$0x1F400] =	vst v63  }
0x90: {  	p0 =	sne.s32 s9, $0x9BC;
	_ =	swait.ge [sflag:s22], $0x3800  }
0x91: {  	[sflag:s22] =	ssyncset.done $0x0  }
0x92: {  	[sflag:s22] =	ssyncadd.s32 $0xFFFFC800  }
0x93: {  	[spmem:s1] =	stream.indirect.scatter.add.f32 [tilespmem:s30], [sflag:$0x3], $0x80, s29, s25, $0xb8;
	[tilespmem:$0x1F400] =	vst v63  }
0x94: {  	_ =	swait.ge [sflag:s21], $0x3800  }
0x95: {  	s0 =	sadd.s32 s8, s14;
	[sflag:s21] =	ssyncset.done $0x0  }
0x96: {  	s0 =	sadd.s32 $0xE, s0;
	[sflag:s21] =	ssyncadd.s32 $0xFFFFC800  }
0x97: {  	[tilespmem:s28], [sflag:$0x3] =	stream.linear.gather [hbm4b:s0+s3], $0x70, $0x38;
	[tilespmem:$0x1F400] =	vst v63  }
0x98: {  	_ =	swait.ge [sflag:s21], $0x70  }
0x99: {  	s0 =	sadd.s32 s8, s13;
	[sflag:s21] =	ssyncset.done $0x0  }
0x9a: {  	s0 =	sadd.s32 $0xE, s0;
	[sflag:s21] =	ssyncadd.s32 $0xFFFFFF90  }
0x9b: {  	[tilespmem:s29], [sflag:$0x3] =	stream.linear.gather [hbm4b:s0+s3], $0x70, $0x38;
	[tilespmem:$0x1F400] =	vst v63  }
0x9c: {  	_ =	swait.ge [sflag:s21], $0x70  }
0x9d: {  	[sflag:s21] =	ssyncset.done $0x0  }
0x9e: {  	[sflag:s21] =	ssyncadd.s32 $0xFFFFFF90  }
0x9f: {  	v4 =	vld [tilespmem:$0xD0]  }
0xa0: {  	v5 =	vld [tilespmem:$0xE0]  }
0xa1: {  	v6 =	vld [tilespmem:$0xC0]  }
0xa2: {  	v7 =	vld [tilespmem:$0xB0]  }
0xa3: {  	v8 =	vld [tilespmem:$0x80]  }
0xa4: {  	v9 =	vld [tilespmem:$0xA0];
	v4 =	vadd.s32 v1, v4  }
0xa5: {  	v10 =	vld [tilespmem:$0x90];
	[tilespmem:$0xD0] =	vst v4;
	v4 =	vadd.s32 v1, v5  }
0xa6: {  	v5 =	vadd.s32 v1, v6;
	[tilespmem:$0xE0] =	vst v4  }
0xa7: {  	v4 =	vadd.s32 v1, v7;
	[tilespmem:$0xC0] =	vst v5  }
0xa8: {  	v5 =	vadd.s32 v1, v8;
	[tilespmem:$0xB0] =	vst v4  }
0xa9: {  	[tilespmem:$0x80] =	vst v5;
	v4 =	vadd.s32 v1, v9  }
0xaa: {  	v5 =	vadd.s32 v1, v10;
	[tilespmem:$0xA0] =	vst v4  }
0xab: {  	[tilespmem:$0x90] =	vst v5  }
0xac: {  	[tilespmem:s30], [sflag:$0x2] =	stream.indirect.gather [hbm4b:s4+s25], $0x80, s28, s25, $0xb8;
	[tilespmem:$0x1F400] =	vst v63  }
0xad: {  	_ =	swait.ge [sflag:s18], $0x3800  }
0xae: {  	[sflag:s18] =	ssyncset.done $0x0  }
0xaf: {  	[sflag:s18] =	ssyncadd.s32 $0xFFFFC800  }
0xb0: {  	[spmem:s1] =	stream.indirect.scatter.add.f32 [tilespmem:s26], [sflag:$0x3], $0x80, s24, s25, $0xb8;
	[tilespmem:$0x1F400] =	vst v63  }
0xb1: {  	p1 =	seq.s32 s8, $0x9A0;
	_ =	swait.ge [sflag:s21], $0x3800  }
0xb2: {  	s2 =	simm.s32 @!p1 $0x3;
	s0 =	sadd.s32 @!p1 s8, s14;
	[sflag:s21] =	ssyncset.done $0x0  }
0xb3: {  	s11 =	simm.s32 @!p1 $0x0;
	s0 =	sadd.s32 @!p1 $0x1C, s0;
	[sflag:s21] =	ssyncadd.s32 $0xFFFFC800  }
0xb4: {  	[tilespmem:s11], [sflag:$0x3] =	stream.linear.gather @!p1 [hbm4b:s0+s11], $0x70, $0x38;
	[tilespmem:$0x1F400] =	vst v63  }
0xb5: {  	s31 =	simm.s32 @!p1 $0x70;
	s0 =	sadd.s32 @!p1 s8, s13;
	_ =	swait.ge @!p1 [sflag:s2], $0x70  }
0xb6: {  	s6 =	sadd.s32 @!p1 $0x1C, s0;
	s0 =	simm.s32 @!p1 $0x200;
	[sflag:s2] =	ssyncset.done @!p1 $0x0  }
0xb7: {  	s12 =	simm.s32 @!p1 $0x100;
	s8 =	smov.u32 s10;
	[sflag:s2] =	ssyncadd.s32 @!p1 $0xFFFFFF90  }
0xb8: {  	[tilespmem:s12], [sflag:$0x3] =	stream.linear.gather @!p1 [hbm4b:s6+s11], $0x70, $0x38;
	[tilespmem:$0x1F400] =	vst v63  }
0xb9: {  	_ =	swait.ge @!p1 [sflag:s2], $0x70  }
0xba: {  	[sflag:s2] =	ssyncset.done @!p1 $0x0  }
0xbb: {  	[sflag:s2] =	ssyncadd.s32 @!p1 $0xFFFFFF90  }
0xbc: {  	v4 =	vld @!p1 [tilespmem:$0x50]  }
0xbd: {  	v5 =	vld @!p1 [tilespmem:$0x40]  }
0xbe: {  	v6 =	vld @!p1 [tilespmem:$0x20]  }
0xbf: {  	v7 =	vld @!p1 [tilespmem:$0x10]  }
0xc0: {  	v8 =	vld @!p1 [tilespmem:$0x30]  }
0xc1: {  	v9 =	vld @!p1 [tilespmem:$0x0];
	v4 =	vadd.s32 @!p1 v1, v4  }
0xc2: {  	v5 =	vadd.s32 @!p1 v1, v5;
	[tilespmem:$0x50] =	vst @!p1 v4;
	v4 =	vld @!p1 [tilespmem:$0x60]  }
.Ltmp1:
0xc3: {  	v6 =	vadd.s32 @!p1 v1, v6;
	[tilespmem:$0x40] =	vst @!p1 v5;
	(pc) =	sbr.rel @p0 .LBB2_4-.Ltmp1, $4  }
0xc4: {  	v5 =	vadd.s32 @!p1 v1, v7;
	[tilespmem:$0x20] =	vst @!p1 v6  }
0xc5: {  	[tilespmem:$0x10] =	vst @!p1 v5;
	v5 =	vadd.s32 @!p1 v1, v8  }
0xc6: {  	v6 =	vadd.s32 @!p1 v1, v9;
	[tilespmem:$0x30] =	vst @!p1 v5  }
0xc7: {  	[tilespmem:$0x0] =	vst @!p1 v6;
	v4 =	vadd.s32 @!p1 v1, v4  }
0xc8: {  	[tilespmem:$0x60] =	vst @!p1 v4  }
0xc9: {  	[tilespmem:s0], [sflag:$0x1] =	stream.indirect.gather @!p1 [hbm4b:s4+s31], $0x80, s11, s31, $0xb8;
	[tilespmem:$0x1F400] =	vst v63  }
0xca: {  	_ =	swait.ge [sflag:s22], $0x3800  }
0xcb: {  	[sflag:s22] =	ssyncset.done $0x0  }
0xcc: {  	[sflag:s22] =	ssyncadd.s32 $0xFFFFC800  }
0xcd: {  	[spmem:s1] =	stream.indirect.scatter.add.f32 [tilespmem:s30], [sflag:$0x3], $0x80, s29, s25, $0xb8;
	[tilespmem:$0x1F400] =	vst v63  }
0xce: {  	_ =	swait.ge [sflag:s21], $0x3800  }
0xcf: {  	s2 =	sadd.s32 s8, s14;
	[sflag:s21] =	ssyncset.done $0x0  }
0xd0: {  	s0 =	sadd.s32 $0xE, s2;
	[sflag:s21] =	ssyncadd.s32 $0xFFFFC800  }
0xd1: {  	[tilespmem:s28], [sflag:$0x3] =	stream.linear.gather [hbm4b:s0+s3], $0x70, $0x38;
	[tilespmem:$0x1F400] =	vst v63  }
0xd2: {  	_ =	swait.ge [sflag:s21], $0x70  }
0xd3: {  	s6 =	sadd.s32 s8, s13;
	[sflag:s21] =	ssyncset.done $0x0  }
0xd4: {  	s0 =	sadd.s32 $0xE, s6;
	[sflag:s21] =	ssyncadd.s32 $0xFFFFFF90  }
0xd5: {  	[tilespmem:s29], [sflag:$0x3] =	stream.linear.gather [hbm4b:s0+s3], $0x70, $0x38;
	[tilespmem:$0x1F400] =	vst v63  }
0xd6: {  	_ =	swait.ge [sflag:s21], $0x70  }
0xd7: {  	[sflag:s21] =	ssyncset.done $0x0  }
0xd8: {  	[sflag:s21] =	ssyncadd.s32 $0xFFFFFF90  }
0xd9: {  	v4 =	vld [tilespmem:$0xD0]  }
0xda: {  	v5 =	vld [tilespmem:$0xE0]  }
0xdb: {  	v6 =	vld [tilespmem:$0xC0]  }
0xdc: {  	v7 =	vld [tilespmem:$0xB0]  }
0xdd: {  	v8 =	vld [tilespmem:$0x80]  }
0xde: {  	v9 =	vld [tilespmem:$0xA0];
	v4 =	vadd.s32 v1, v4  }
0xdf: {  	v10 =	vld [tilespmem:$0x90];
	[tilespmem:$0xD0] =	vst v4;
	v4 =	vadd.s32 v1, v5  }
0xe0: {  	v5 =	vadd.s32 v1, v6;
	[tilespmem:$0xE0] =	vst v4  }
0xe1: {  	v4 =	vadd.s32 v1, v7;
	[tilespmem:$0xC0] =	vst v5  }
0xe2: {  	v5 =	vadd.s32 v1, v8;
	[tilespmem:$0xB0] =	vst v4  }
0xe3: {  	[tilespmem:$0x80] =	vst v5;
	v4 =	vadd.s32 v1, v9  }
0xe4: {  	v5 =	vadd.s32 v1, v10;
	[tilespmem:$0xA0] =	vst v4  }
0xe5: {  	[tilespmem:$0x90] =	vst v5  }
0xe6: {  	[tilespmem:s30], [sflag:$0x2] =	stream.indirect.gather [hbm4b:s4+s25], $0x80, s28, s25, $0xb8;
	[tilespmem:$0x1F400] =	vst v63  }
0xe7: {  	_ =	swait.ge [sflag:s18], $0x3800  }
0xe8: {  	[sflag:s18] =	ssyncset.done $0x0  }
0xe9: {  	[sflag:s18] =	ssyncadd.s32 $0xFFFFC800  }
0xea: {  	[spmem:s1] =	stream.indirect.scatter.add.f32 [tilespmem:s26], [sflag:$0x3], $0x80, s24, s25, $0xb8;
	[tilespmem:$0x1F400] =	vst v63  }
0xeb: {  	p0 =	seq.s32 s8, $0x9A0;
	_ =	swait.ge [sflag:s21], $0x3800  }
0xec: {  	s2 =	simm.s32 @!p0 $0x3;
	s0 =	sadd.s32 @!p0 s8, s14;
	[sflag:s21] =	ssyncset.done $0x0  }
0xed: {  	s6 =	simm.s32 @!p0 $0x0;
	s0 =	sadd.s32 @!p0 $0x1C, s0;
	[sflag:s21] =	ssyncadd.s32 $0xFFFFC800  }
0xee: {  	[tilespmem:s6], [sflag:$0x3] =	stream.linear.gather @!p0 [hbm4b:s0+s6], $0x70, $0x38;
	[tilespmem:$0x1F400] =	vst v63  }
0xef: {  	_ =	swait.ge @!p0 [sflag:s2], $0x70  }
0xf0: {  	s0 =	sadd.s32 @!p0 s8, s13;
	[sflag:s2] =	ssyncset.done @!p0 $0x0  }
0xf1: {  	s8 =	simm.s32 @!p0 $0x100;
	s0 =	sadd.s32 @!p0 $0x1C, s0;
	[sflag:s2] =	ssyncadd.s32 @!p0 $0xFFFFFF90  }
0xf2: {  	[tilespmem:s8], [sflag:$0x3] =	stream.linear.gather @!p0 [hbm4b:s0+s6], $0x70, $0x38;
	[tilespmem:$0x1F400] =	vst v63  }
0xf3: {  	_ =	swait.ge @!p0 [sflag:s2], $0x70  }
0xf4: {  	[sflag:s2] =	ssyncset.done @!p0 $0x0  }
0xf5: {  	[sflag:s2] =	ssyncadd.s32 @!p0 $0xFFFFFF90  }
0xf6: {  	v4 =	vld @!p0 [tilespmem:$0x50]  }
0xf7: {  	v5 =	vld @!p0 [tilespmem:$0x40]  }
0xf8: {  	v6 =	vld @!p0 [tilespmem:$0x20]  }
0xf9: {  	v7 =	vld @!p0 [tilespmem:$0x10]  }
0xfa: {  	v9 =	vld @!p0 [tilespmem:$0x0]  }
0xfb: {  	v8 =	vld @!p0 [tilespmem:$0x30];
	v4 =	vadd.s32 @!p0 v1, v4  }
0xfc: {  	v5 =	vadd.s32 @!p0 v1, v5;
	[tilespmem:$0x50] =	vst @!p0 v4;
	v4 =	vld @!p0 [tilespmem:$0x60]  }
0xfd: {  	v6 =	vadd.s32 @!p0 v1, v6;
	[tilespmem:$0x40] =	vst @!p0 v5  }
0xfe: {  	v5 =	vadd.s32 @!p0 v1, v7;
	[tilespmem:$0x20] =	vst @!p0 v6  }
0xff: {  	v6 =	vadd.s32 @!p0 v1, v9;
	[tilespmem:$0x10] =	vst @!p0 v5  }
0x100: {  	v5 =	vadd.s32 @!p0 v1, v8;
	[tilespmem:$0x0] =	vst @!p0 v6  }
0x101: {  	[tilespmem:$0x30] =	vst @!p0 v5;
	v4 =	vadd.s32 @!p0 v1, v4  }
0x102: {  	s0 =	simm.s32 @!p0 $0x70;
	s2 =	simm.s32 @!p0 $0x200;
	[tilespmem:$0x60] =	vst @!p0 v4  }
0x103: {  	[tilespmem:s2], [sflag:$0x1] =	stream.indirect.gather @!p0 [hbm4b:s4+s0], $0x80, s6, s0, $0xb8;
	[tilespmem:$0x1F400] =	vst v63  }
0x104: {  	_ =	swait.ge [sflag:s22], $0x3800  }
0x105: {  	[sflag:s22] =	ssyncset.done $0x0  }
0x106: {  	[sflag:s22] =	ssyncadd.s32 $0xFFFFC800  }
0x107: {  	[spmem:s1] =	stream.indirect.scatter.add.f32 [tilespmem:s30], [sflag:$0x3], $0x80, s29, s25, $0xb8;
	[tilespmem:$0x1F400] =	vst v63  }
0x108: {  	_ =	swait.ge [sflag:s21], $0x3800  }
0x109: {  	s9 =	simm.s32 $0x0;
	[sflag:s21] =	ssyncset.done $0x0  }
0x10a: {  	s11 =	simm.s32 $0x7200;
	s10 =	rddreg [dreg:$0x7];
	[sflag:s21] =	ssyncadd.s32 $0xFFFFC800  }
0x10b: {  	[tilespmem:s11], [sflag:$0x3] =	stream.linear.gather [hbm4b:s10+s9], $0x40, $0x38;
	[tilespmem:$0x1F400] =	vst v63  }
0x10c: {  	_ =	swait.ge [sflag:s21], $0x40  }
0x10d: {  	[sflag:s21] =	ssyncset.done $0x0  }
0x10e: {  	s31 =	simm.s32 $0x7280;
	s12 =	rddreg [dreg:$0x8];
	[sflag:s21] =	ssyncadd.s32 $0xFFFFFFC0  }
0x10f: {  	[tilespmem:s31], [sflag:$0x3] =	stream.linear.gather [hbm4b:s12+s9], $0x40, $0x38;
	[tilespmem:$0x1F400] =	vst v63  }
0x110: {  	_ =	swait.ge [sflag:s21], $0x40  }
0x111: {  	[sflag:s21] =	ssyncset.done $0x0  }
0x112: {  	[sflag:s21] =	ssyncadd.s32 $0xFFFFFFC0  }
0x113: {  	v4 =	vld [tilespmem:$0x7200]  }
0x114: {  	v5 =	vld [tilespmem:$0x7210]  }
0x115: {  	v62 =	vld [tilespmem:$0x7220]  }
0x116: {  	v63 =	vld [tilespmem:$0x7230];
	_ =	sdelay $0x1  }
0x117: {  	v4 =	vadd.s32 v1, v4  }
0x118: {  	[tilespmem:$0x7200] =	vst v4;
	v4 =	vadd.s32 v1, v5  }
0x119: {  	[tilespmem:$0x7210] =	vst v4;
	v4 =	vadd.s32 v1, v62  }
0x11a: {  	[tilespmem:$0x7220] =	vst v4;
	v4 =	vadd.s32 v1, v63  }
0x11b: {  	s10 =	simm.s32 $0x7300;
	s9 =	simm.s32 $0x40;
	[tilespmem:$0x7230] =	vst v4  }
0x11c: {  	[tilespmem:s10], [sflag:$0x1] =	stream.indirect.gather [hbm4b:s4+s9], $0x80, s11, s9, $0xb8;
	[tilespmem:$0x1F400] =	vst v63  }
0x11d: {  	_ =	swait.ge [sflag:s18], $0x2000  }
0x11e: {  	[sflag:s18] =	ssyncset.done $0x0  }
0x11f: {  	[sflag:s18] =	ssyncadd.s32 $0xFFFFE000  }
0x120: {  	[spmem:s1] =	stream.indirect.scatter.add.f32 [tilespmem:s10], [sflag:$0x3], $0x80, s31, s9, $0xb8;
	[tilespmem:$0x1F400] =	vst v63  }
0x121: {  	_ =	swait.ge [sflag:s21], $0x2000  }
0x122: {  	[sflag:s21] =	ssyncset.done $0x0  }
0x123: {  	[sflag:s21] =	ssyncadd.s32 $0xFFFFE000  }
0x124: {  	[bflag:$0x0] =	sbarrier.arrive $0xFFFF  }
0x125: {  	s11 =	sadd.s32 $0x0, s5;
	[tilespmem:$0xB300] =	vst v3  }
0x126: {  	s12 =	sadd.s32 $0x20, s11;
	s0 =	sadd.s32 $0x30, s11;
	[tilespmem:$0xB310] =	vst v2  }
0x127: {  	v4 =	vor.u32 s12, v0;
	[tilespmem:s16], [sflag:$0x1] =	stream.indirect.gather [spmem:s1], $0x80, s20, s19, $0xb8;
	[tilespmem:$0x1F400] =	vst v63  }
0x128: {  	v5 =	vor.u32 s0, v0;
	[tilespmem:$0xB380] =	vst v4  }
0x129: {  	[tilespmem:$0xB390] =	vst v5  }
0x12a: {  	[tilespmem:s17], [sflag:$0x2] =	stream.indirect.gather [spmem:s1], $0x80, s23, s19, $0xb8;
	[tilespmem:$0x1F400] =	vst v63  }
0x12b: {  	_ =	swait.ge [sflag:s18], $0x1000  }
0x12c: {  	[sflag:s18] =	ssyncset.done $0x0  }
0x12d: {  	p0 =	por $0x0, $0x0;
	[sflag:s18] =	ssyncadd.s32 $0xFFFFF000  }
0x12e: {  	[hbm4b:s15+s3] =	stream.linear.scatter [tilespmem:s16], [sflag:$0x3], $0x1000, $0x38;
	[tilespmem:$0x1F400] =	vst v63  }
0x12f: {  	s0 =	sadd.s32 @!p0 $0x0, s5;
	_ =	swait.ge [sflag:s21], $0x1000  }
0x130: {  	s2 =	sadd.s32 @!p0 $0x40, s0;
	v4 =	vlaneseq.u32 @!p0;
	[sflag:s21] =	ssyncset.done $0x0  }
0x131: {  	s0 =	sadd.s32 @!p0 $0x50, s0;
	v5 =	vor.u32 @!p0 s2, v4;
	[sflag:s21] =	ssyncadd.s32 $0xFFFFF000  }
0x132: {  	v4 =	vor.u32 @!p0 s0, v4;
	[tilespmem:$0xB300] =	vst @!p0 v5  }
0x133: {  	s6 =	simm.s32 @!p0 $0xB300;
	s0 =	simm.s32 @!p0 $0x9300;
	s2 =	simm.s32 @!p0 $0x20;
	[tilespmem:$0xB310] =	vst @!p0 v4  }
0x134: {  	[tilespmem:s0], [sflag:$0x1] =	stream.indirect.gather @!p0 [spmem:s1], $0x80, s6, s2, $0xb8;
	[tilespmem:$0x1F400] =	vst v63  }
0x135: {  	_ =	swait.ge [sflag:s22], $0x1000  }
0x136: {  	s8 =	sadd.s32 $0x400, s15;
	s31 =	sadd.s32 $0x200, s15;
	[sflag:s22] =	ssyncset.done $0x0  }
0x137: {  	s9 =	simm.s32 $0x40;
	s10 =	simm.s32 $0x80;
	[sflag:s22] =	ssyncadd.s32 $0xFFFFF000  }
0x138: {  	[hbm4b:s31+s3] =	stream.linear.scatter [tilespmem:s17], [sflag:$0x3], $0x1000, $0x38;
	[tilespmem:$0x1F400] =	vst v63  }
.LBB2_6:
0x139: {  	s0 =	sadd.s32 s9, s5  }
0x13a: {  	_ =	swait.ge [sflag:s21], $0x1000;
	s2 =	smov.u32 s10;
	s10 =	sadd.s32 $0x40, s10  }
0x13b: {  	s6 =	sadd.s32 $0x20, s0;
	s0 =	sadd.s32 $0x30, s0;
	[sflag:s21] =	ssyncset.done $0x0  }
0x13c: {  	p0 =	sne.s32 s10, $0x280;
	v4 =	vor.u32 s6, v0;
	v5 =	vor.u32 s0, v0;
	[sflag:s21] =	ssyncadd.s32 $0xFFFFF000  }
0x13d: {  	[tilespmem:$0xB380] =	vst v4  }
0x13e: {  	[tilespmem:$0xB390] =	vst v5  }
0x13f: {  	[tilespmem:s17], [sflag:$0x2] =	stream.indirect.gather [spmem:s1], $0x80, s23, s19, $0xb8;
	[tilespmem:$0x1F400] =	vst v63  }
0x140: {  	_ =	swait.ge [sflag:s18], $0x1000  }
0x141: {  	[sflag:s18] =	ssyncset.done $0x0  }
0x142: {  	p1 =	seq.s32 s9, $0x240;
	[sflag:s18] =	ssyncadd.s32 $0xFFFFF000  }
0x143: {  	[hbm4b:s8+s3] =	stream.linear.scatter [tilespmem:s16], [sflag:$0x3], $0x1000, $0x38;
	[tilespmem:$0x1F400] =	vst v63  }
0x144: {  	s0 =	sadd.s32 @!p1 s9, s5;
	s6 =	simm.s32 @!p1 $0x9300;
	_ =	swait.ge [sflag:s21], $0x1000  }
0x145: {  	s9 =	sadd.s32 @!p1 $0x40, s0;
	v4 =	vlaneseq.u32 @!p1;
	s0 =	sadd.s32 @!p1 $0x50, s0;
	[sflag:s21] =	ssyncset.done $0x0  }
0x146: {  	s11 =	simm.s32 @!p1 $0xB300;
	v5 =	vor.u32 @!p1 s9, v4;
	v4 =	vor.u32 @!p1 s0, v4;
	s0 =	simm.s32 @!p1 $0x20;
	[sflag:s21] =	ssyncadd.s32 $0xFFFFF000  }
0x147: {  	s9 =	smov.u32 s2;
	[tilespmem:$0xB300] =	vst @!p1 v5  }
0x148: {  	[tilespmem:$0xB310] =	vst @!p1 v4  }
0x149: {  	[tilespmem:s6], [sflag:$0x1] =	stream.indirect.gather @!p1 [spmem:s1], $0x80, s11, s0, $0xb8;
	[tilespmem:$0x1F400] =	vst v63  }
.Ltmp2:
0x14a: {  	_ = 	snop;
	(pc) =	sbr.rel @p0 .LBB2_6-.Ltmp2, $4  }
0x14b: {  	s0 =	sadd.s32 $0x200, s8;
	_ =	swait.ge [sflag:s22], $0x1000  }
0x14c: {  	[sflag:s22] =	ssyncset.done $0x0  }
0x14d: {  	s8 =	sadd.s32 $0x400, s8;
	[sflag:s22] =	ssyncadd.s32 $0xFFFFF000  }
0x14e: {  	[hbm4b:s0+s3] =	stream.linear.scatter [tilespmem:s17], [sflag:$0x3], $0x1000, $0x38;
	[tilespmem:$0x1F400] =	vst v63  }
0x14f: {  	s0 =	sadd.s32 s9, s5;
	_ =	swait.ge [sflag:s21], $0x1000  }
0x150: {  	s2 =	sadd.s32 $0x20, s0;
	[sflag:s21] =	ssyncset.done $0x0  }
0x151: {  	s0 =	sadd.s32 $0x30, s0;
	v4 =	vor.u32 s2, v0;
	[sflag:s21] =	ssyncadd.s32 $0xFFFFF000  }
0x152: {  	v5 =	vor.u32 s0, v0;
	[tilespmem:$0xB380] =	vst v4  }
0x153: {  	[tilespmem:$0xB390] =	vst v5  }
0x154: {  	[tilespmem:s17], [sflag:$0x2] =	stream.indirect.gather [spmem:s1], $0x80, s23, s19, $0xb8;
	[tilespmem:$0x1F400] =	vst v63  }
0x155: {  	_ =	swait.ge [sflag:s18], $0x1000  }
0x156: {  	[sflag:s18] =	ssyncset.done $0x0  }
0x157: {  	p0 =	seq.s32 s9, $0x240;
	[sflag:s18] =	ssyncadd.s32 $0xFFFFF000  }
0x158: {  	[hbm4b:s8+s3] =	stream.linear.scatter [tilespmem:s16], [sflag:$0x3], $0x1000, $0x38;
	[tilespmem:$0x1F400] =	vst v63  }
0x159: {  	s0 =	sadd.s32 @!p0 s9, s5;
	_ =	swait.ge [sflag:s21], $0x1000  }
0x15a: {  	s2 =	sadd.s32 @!p0 $0x40, s0;
	v4 =	vlaneseq.u32 @!p0;
	[sflag:s21] =	ssyncset.done $0x0  }
0x15b: {  	s0 =	sadd.s32 @!p0 $0x50, s0;
	v5 =	vor.u32 @!p0 s2, v4;
	[sflag:s21] =	ssyncadd.s32 $0xFFFFF000  }
0x15c: {  	v4 =	vor.u32 @!p0 s0, v4;
	[tilespmem:$0xB300] =	vst @!p0 v5  }
0x15d: {  	s6 =	simm.s32 @!p0 $0xB300;
	s0 =	simm.s32 @!p0 $0x9300;
	s2 =	simm.s32 @!p0 $0x20;
	[tilespmem:$0xB310] =	vst @!p0 v4  }
0x15e: {  	[tilespmem:s0], [sflag:$0x1] =	stream.indirect.gather @!p0 [spmem:s1], $0x80, s6, s2, $0xb8;
	[tilespmem:$0x1F400] =	vst v63  }
0x15f: {  	_ =	swait.ge [sflag:s22], $0x1000  }
0x160: {  	[sflag:s22] =	ssyncset.done $0x0  }
0x161: {  	s12 =	sadd.s32 $0x200, s8;
	[sflag:s22] =	ssyncadd.s32 $0xFFFFF000  }
0x162: {  	[hbm4b:s12+s3] =	stream.linear.scatter [tilespmem:s17], [sflag:$0x3], $0x1000, $0x38;
	[tilespmem:$0x1F400] =	vst v63  }
0x163: {  	_ =	swait.ge [sflag:s21], $0x1000  }
0x164: {  	s7 =	sadd.s32 $0x1, s7;
	s31 =	rddreg [dreg:$0x9]  }
0x165: {  	p0 =	sne.s32 s7, s31  }
.Ltmp3:
0x166: {  	_ = 	snop;
	(pc) =	sbr.rel @p0 .LBB2_1-.Ltmp3, $3  }
0x167: {  	_ =	sdelay $0x1  }
0x168: {  	[sflag:s21] =	ssyncset.done $0x0  }
0x169: {  	[sflag:s21] =	ssyncadd.s32 $0xFFFFF000  }
0x16a: {  	_ =	sfence.sel $0x180000  }
0x16b: {  	[bflag:$0x0] =	sbarrier.arrive $0xFFFF  }
0x16c: {  	_ =	strace $0x9000004D  }
0x16d: {  	s0 =	stileid.u32;
	[bflag:$0x2] =	sbarrier.arrive $0xFFFF  }
0x16e: {  	p0 =	sne.s32 s0, $0x0;
	s0 =	rddreg [dreg:$0x3]  }
0x16f: {  	s0 =	sadd.s32 @!p0 $0x100000, s0  }
0x170: {  	[sflag:s0] =	ssyncadd.tile.s32 @!p0 $0x1;
	_ =	shalt  }
.Lfunc_end2:
_tile_overlayer_lowered:
.L_overlay_start_2:
0x171: {  	(tag) =	ssettag $0x2  }
0x172: {  	s0 =	rddreg [dreg:$0x0];
	s2 =	stileid.u32  }
0x173: {  	s1 =	rddreg [dreg:$0x1];
	p0 =	sne.s32 s2, $0x0  }
0x174: {  	s3 =	rddreg [dreg:$0x2];
	[bflag:$0x3] =	sbarrier.arrive $0xFFFF;
	s2 =	simm.s32 @!p0 $0x1C03  }
0x175: {  	[timem:s3], [sflag:s2] =	dma.local @!p0 [hbm:s0], s1  }
0x176: {  	s0 =	simm.s32 @!p0 $0x3  }
0x177: {  	_ =	swait.ge @!p0 [sflag:s0], s1  }
0x178: {  	s1 =	ssub.s32 @!p0 $0x0, s1;
	[sflag:s0] =	ssyncset.done @!p0 $0x0  }
0x179: {  	[sflag:s0] =	ssyncadd.s32 @!p0 s1  }
0x17a: {  	[bflag:$0x3] =	sbarrier.arrive $0xFFFF  }
0x17b: {  	_ =	shalt  }

// kernel: kernel.8.cloned.1.call-start
scs
__scs_entry_jumppad:
0x0: {  	(pc) =	sbr.rel $0x88, $3  }
0x1: {  	(tag) =	ssettag $0x0;
	lr =	simm.s32 $0x1  }
0x2: {  	[smem:$0x3F97] =	sst lr;
	_ =	strace $0xD0000000  }
0x3: {  	_ = 	snop  }
0x4: {  	_ = 	snop  }
0x5: {  	_ = 	snop  }
0x6: {  	_ = 	snop  }
0x7: {  	_ = 	snop  }
__scs_overlays_trampoline_lowered:
0x8: {  	[smem:$0x3FA6] =	sst s0  }
0x9: {  	[smem:$0x3FA7] =	sst s1  }
0xa: {  	[smem:$0x3FA8] =	sst s2  }
0xb: {  	[smem:$0x3FA9] =	sst s3  }
0xc: {  	[smem:$0x3FAA] =	sst s4  }
0xd: {  	[smem:$0x3FAB] =	sst s5  }
0xe: {  	[smem:$0x3FAC] =	sst s6  }
0xf: {  	[smem:$0x3FAD] =	sst s7  }
0x10: {  	[smem:$0x3FAE] =	sst s8  }
0x11: {  	[smem:$0x3FAF] =	sst s9;
	s0 =	simm.s32 @!p0 $0x0  }
0x12: {  	s1 =	sld [smem:$0x3F95];
	s0 =	simm.s32 @p0 $0x1  }
0x13: {  	[smem:$0x3FB0] =	sst s0;
	s0 =	simm.s32 @!p1 $0x0  }
0x14: {  	s2 =	sld [smem:$0x3F94];
	s0 =	simm.s32 @p1 $0x1  }
0x15: {  	[smem:$0x3FB1] =	sst s0;
	s0 =	simm.s32 @!p2 $0x0  }
0x16: {  	s3 =	sld [smem:$0x3FDB];
	s0 =	simm.s32 @p2 $0x1  }
0x17: {  	s4 =	simm.s32 $0x1BF5;
	[smem:$0x3FB3] =	sst s0  }
0x18: {  	s0 =	sld [smem:$0x3F96];
	_ =	swait.ge [sflag:s4], $0x0  }
0x19: {  	s7 =	sld [smem:$0x3F97]  }
0x1a: {  	s8 =	sadd.s32 $0xFFFFE003, lr  }
0x1b: {  	s9 =	sadd.s32 $0xFFFFFEF7, lr;
	s5 =	simm.s32 $0xFFFFFFFF;
	p2 =	slt.u32 s8, $0xFFFFF086  }
0x1c: {  	p1 =	slt.u32 s9, $0xF7A;
	s5 =	simm.s32 @!p2 $0x0  }
0x1d: {  	s5 =	simm.s32 @p1 $0x1;
	p0 =	seq.s32 s7, s2  }
0x1e: {  	s7 =	smul.u32 @!p0 $0xF7A, s2;
	p2 =	seq.s32 @!p0 s5, $0x0  }
0x1f: {  	s9 =	smul.u32 $0xF7A, s1;
	s8 =	simm.s32 @!p0 $0x1BF5;
	p2 =	por !p2, p0  }
0x20: {  	[sflag:s8] =	ssyncset.s32 @!p0 $0xFFFFF086;
	s6 =	sadd.s32 @!p0 s3, s7;
	s7 =	simm.s32 @!p0 $0x108  }
0x21: {  	s3 =	sadd.s32 s3, s9;
	s6 =	sadd.s32 @!p0 $0x88, s6;
	s7 =	simm.s32 @p2 $0x1082  }
0x22: {  	[simem:s7], [sflag:s8] =	dma.local @!p0 [hbm:s6], $0xF7A  }
0x23: {  	s9 =	sor.u32 $0xD0000000, s2;
	s6 =	simm.s32 $0x108;
	_ =	swait.ge @!p0 [sflag:s8], $0x0  }
0x24: {  	s3 =	sadd.s32 $0x88, s3;
	s6 =	simm.s32 @!p1 $0x1082;
	[sflag:s4] =	ssyncset.s32 $0xFFFFF086  }
0x25: {  	[simem:s6], [sflag:s4] =	dma.local [hbm:s3], $0xF7A  }
0x26: {  	[smem:$0x3F97] =	sst s1;
	(tag) =	ssettag s2;
	_ =	strace s9  }
0x27: {  	s1 =	sld [smem:$0x3FA7]  }
0x28: {  	s2 =	sld [smem:$0x3FA8]  }
0x29: {  	s4 =	sld [smem:$0x3FAA]  }
0x2a: {  	p0 =	seq.s32 s5, $0x0;
	s5 =	sld [smem:$0x3FAB]  }
0x2b: {  	s6 =	sld [smem:$0x3FAC]  }
0x2c: {  	s7 =	sld [smem:$0x3FAD]  }
0x2d: {  	s3 =	simm.s32 $0x108;
	s8 =	sld [smem:$0x3FAE]  }
0x2e: {  	s3 =	simm.s32 @!p0 $0x1082;
	s9 =	sld [smem:$0x3FAF]  }
0x2f: {  	lr =	sadd.s32 s0, s3;
	s0 =	sld [smem:$0x3FA6]  }
0x30: {  	s3 =	sld [smem:$0x3FA9]  }
0x31: {  	[smem:$0x3FB2] =	sst s10  }
0x32: {  	s10 =	sld [smem:$0x3FB0];
	_ =	sdelay $0x3  }
0x33: {  	p0 =	seq.s32 s10, $0x1;
	s10 =	sld [smem:$0x3FB2];
	_ =	sdelay $0x3  }
0x34: {  	[smem:$0x3FB2] =	sst s10  }
0x35: {  	s10 =	sld [smem:$0x3FB1];
	_ =	sdelay $0x3  }
0x36: {  	p1 =	seq.s32 s10, $0x1;
	s10 =	sld [smem:$0x3FB2];
	_ =	sdelay $0x3  }
0x37: {  	[smem:$0x3FB2] =	sst s10  }
0x38: {  	s10 =	sld [smem:$0x3FB3]  }
0x39: {  	_ = 	snop;
	(pc) =	sbr.ind lr, $3  }
0x3a: {  	_ = 	snop  }
0x3b: {  	_ = 	snop  }
0x3c: {  	p2 =	seq.s32 s10, $0x1;
	s10 =	sld [smem:$0x3FB2]  }
0x3d: {  	_ =	shalt  }
0x3e: {  	_ =	shalt  }
0x3f: {  	_ =	shalt  }
0x40: {  	_ =	shalt  }
0x41: {  	_ =	shalt  }
0x42: {  	_ =	shalt  }
0x43: {  	_ =	shalt  }
0x44: {  	_ =	shalt  }
0x45: {  	_ =	shalt  }
0x46: {  	_ =	shalt  }
0x47: {  	_ =	shalt  }
0x48: {  	_ =	shalt  }
0x49: {  	_ =	shalt  }
0x4a: {  	_ =	shalt  }
0x4b: {  	_ =	shalt  }
0x4c: {  	_ =	shalt  }
0x4d: {  	_ =	shalt  }
0x4e: {  	_ =	shalt  }
0x4f: {  	_ =	shalt  }
0x50: {  	_ =	shalt  }
0x51: {  	_ =	shalt  }
0x52: {  	_ =	shalt  }
0x53: {  	_ =	shalt  }
0x54: {  	_ =	shalt  }
0x55: {  	_ =	shalt  }
0x56: {  	_ =	shalt  }
0x57: {  	_ =	shalt  }
0x58: {  	_ =	shalt  }
0x59: {  	_ =	shalt  }
0x5a: {  	_ =	shalt  }
0x5b: {  	_ =	shalt  }
0x5c: {  	_ =	shalt  }
0x5d: {  	_ =	shalt  }
0x5e: {  	_ =	shalt  }
0x5f: {  	_ =	shalt  }
0x60: {  	_ =	shalt  }
0x61: {  	_ =	shalt  }
0x62: {  	_ =	shalt  }
0x63: {  	_ =	shalt  }
0x64: {  	_ =	shalt  }
0x65: {  	_ =	shalt  }
0x66: {  	_ =	shalt  }
0x67: {  	_ =	shalt  }
0x68: {  	_ =	shalt  }
0x69: {  	_ =	shalt  }
0x6a: {  	_ =	shalt  }
0x6b: {  	_ =	shalt  }
0x6c: {  	_ =	shalt  }
0x6d: {  	_ =	shalt  }
0x6e: {  	_ =	shalt  }
0x6f: {  	_ =	shalt  }
0x70: {  	_ =	shalt  }
0x71: {  	_ =	shalt  }
0x72: {  	_ =	shalt  }
0x73: {  	_ =	shalt  }
0x74: {  	_ =	shalt  }
0x75: {  	_ =	shalt  }
0x76: {  	_ =	shalt  }
0x77: {  	_ =	shalt  }
0x78: {  	_ =	shalt  }
0x79: {  	_ =	shalt  }
0x7a: {  	_ =	shalt  }
0x7b: {  	_ =	shalt  }
0x7c: {  	_ =	shalt  }
0x7d: {  	_ =	shalt  }
0x7e: {  	_ =	shalt  }
0x7f: {  	_ =	shalt  }
0x80: {  	_ =	shalt  }
0x81: {  	_ =	shalt  }
0x82: {  	_ =	shalt  }
0x83: {  	_ =	shalt  }
0x84: {  	_ =	shalt  }
0x85: {  	_ =	shalt  }
0x86: {  	_ =	shalt  }
0x87: {  	_ =	shalt  }
.Lfunc_end0:
.L_simem_size_0:
called_computation_lowered:
.L_overlay_start_0:
0x88: {  	s2 =	sld [smem:$0x3FD9]  }
0x89: {  	s3 =	sld [smem:$0x3FFE];
	_ =	sdelay $0x1  }
0x8a: {  	s1 =	srdreg.scid  }
0x8b: {  	s0 =	sand.u32 $0x1, s1  }
0x8c: {  	s16 =	sshll.u32 s0, $0xA;
	s2 =	sadd.s32 s3, s2  }
0x8d: {  	s2 =	sadd.s32 s2, s16  }
0x8e: {  	[smem:$0x3FBE] =	sst s2  }
0x8f: {  	_ = 	snop  }
0x90: {  	(tm) =	ssettm $0x1  }
0x91: {  	s17 =	sld [smem:$0x3FFB];
	_ =	sdelay $0x3  }
0x92: {  	_ =	strace s17  }
0x93: {  	s2 =	sld [smem:$0x3FFC];
	_ =	sdelay $0x3  }
0x94: {  	_ =	strace s2  }
0x95: {  	s2 =	sld [smem:$0x3FFD];
	_ =	sdelay $0x3  }
0x96: {  	_ =	strace s2  }
0x97: {  	_ =	strace $0x8FFFFFFF  }
0x98: {  	s18 =	sld [smem:$0x3FDB];
	_ =	sdelay $0x1  }
0x99: {  	s19 =	simm.s32 $_scs_section_size  }
0x9a: {  	s4 =	simm.s32 $_size__tile_overlayer_lowered;
	s5 =	simm.s32 $_tile_overlayer_lowered  }
0x9b: {  	s22 =	simm.s32 $0x1BFF;
	s21 =	sshll.u32 s5, $0x1;
	s2 =	sadd.s32 s19, s18  }
0x9c: {  	s6 =	simm.s32 $0x0;
	s20 =	sshll.u32 s4, $0x1;
	s4 =	sadd.s32 s21, s2  }
0x9d: {  	[timem:s6], [sflag:s22] =	dma.local [hbm:s4], s20  }
0x9e: {  	_ =	swait.ge [sflag:s22], s20  }
0x9f: {  	s3 =	ssub.s32 $0x0, s20;
	[sflag:s22] =	ssyncset.done $0x0  }
0xa0: {  	[sflag:s22] =	ssyncadd.s32 s3;
	_ =	sdelay $0x1  }
0xa1: {  	s23 =	simm.s32 $0x1B8B  }
0xa2: {  	_ =	swait.ge [sflag:s23], $0x1  }
0xa3: {  	[sflag:s23] =	ssyncset.done $0x0  }
0xa4: {  	s25 =	simm.s32 $0x1B8E;
	s24 =	sld [smem:$0x3FFE];
	[sflag:s23] =	ssyncadd.s32 $0xFFFFFFFF  }
0xa5: {  	s26 =	simm.s32 $execute0_lowered;
	[smem:$0x3FD2] =	sst s25  }
0xa6: {  	s4 =	sshll.u32 s26, $0x1;
	_ =	strace $0x80000046;
	[dreg:$0x1] =	wrdreg $0xFFFFFFFF  }
0xa7: {  	s28 =	simm.s32 $_size_execute0_lowered;
	s2 =	sadd.s32 s2, s4;
	[dreg:$0x0] =	wrdreg $0x0  }
0xa8: {  	s4 =	sshll.u32 s28, $0x1;
	[dreg:$0x2] =	wrdreg s2  }
0xa9: {  	[dreg:$0x3] =	wrdreg s4  }
0xaa: {  	[dreg:$0x4] =	wrdreg $0xC0  }
0xab: {  	_ =	task [dreg:s6], $0x5FFFF  }
0xac: {  	[dreg:$0x1] =	wrdreg $0xFFFFFFFF  }
0xad: {  	[dreg:$0x0] =	wrdreg $0x60  }
0xae: {  	[dreg:$0x2] =	wrdreg s24  }
0xaf: {  	[dreg:$0x3] =	wrdreg $0x69000  }
0xb0: {  	[dreg:$0x4] =	wrdreg $0x9  }
0xb1: {  	_ =	task.clear_ibuf [dreg:s6], $0x5FFFF;
	_ =	strace $0x90000046  }
0xb2: {  	s29 =	simm.s32 $0x9;
	_ =	strace $0x80000048  }
0xb3: {  	_ =	swait.ge [sflag:s29], $0x1  }
0xb4: {  	[sflag:s29] =	ssyncadd.s32 $0xFFFFFFFF  }
0xb5: {  	_ =	strace $0x90000048  }
0xb6: {  	_ =	sfence  }
0xb7: {  	s30 =	sld [smem:$0x0];
	_ =	sdelay $0x2  }
0xb8: {  	s31 =	sshll.u32 s1, $0xD;
	s1 =	sshrl.u32 s1, $0x2  }
0xb9: {  	s3 =	sand.u32 $0x4000, s31;
	s1 =	sadd.s32 s1, s30  }
0xba: {  	s0 =	sor.u32 s3, s0;
	s1 =	sshll.u32 s1, $0x11  }
0xbb: {  	s0 =	sor.u32 s1, s0  }
0xbc: {  	s0 =	sadd.s32 $0x8F2B, s0  }
0xbd: {  	[sflag:s0] =	ssyncadd.remote.s32 $0x1  }
0xbe: {  	_ =	sfence.sel $0xFFFF  }
0xbf: {  	[dreg:$0x0] =	wrdreg $0xFFFFFFFF;
	(pc) =	sbr.abs _section_cstart, $3  }
0xc0: {  	[dreg:$0x1] =	wrdreg $0xFFFFFFFF  }
0xc1: {  	_ =	task.clear_ibuf [dreg:s6], $0x2FFFF;
	_ =	strace $0x9FFFFFFF  }
0xc2: {  	(tm) =	ssettm $0x7FFFFFFF  }
0xc3: {  	_ =	shalt  }
tec
execute0_lowered:
.L_overlay_start_1:
0x0: {  	(tag) =	ssettag $0x1  }
0x1: {  	s4 =	rddreg [dreg:$0x0]  }
0x2: {  	s1 =	rddreg [dreg:$0x1]  }
0x3: {  	s2 =	srdreg.scid;
	s0 =	rddreg [dreg:$0x2];
	s3 =	simm.s32 $0x0  }
0x4: {  	s10 =	simm.s32 $0x2880;
	s11 =	simm.s32 $0x2;
	s5 =	sand.u32 $0x1, s2  }
0x5: {  	s12 =	simm.s32 $0x50;
	s2 =	stileid.u32;
	s6 =	smul.u32 $0x27100, s5  }
0x6: {  	s13 =	simm.s32 $0x1;
	s14 =	simm.s32 $0x0;
	s7 =	smul.u32 $0x2710, s2  }
0x7: {  	[smem:$0x7FF] =	sst s3;
	s31 =	smul.u32 $0x28000, s5;
	s5 =	ssub.s32 $0x2, s5  }
0x8: {  	_ =	strace $0x80000047;
	s9 =	smul.u32 $0x2800, s2;
	s8 =	sshrl.u32 s5, $0x1  }
0x9: {  	s6 =	sadd.s32 s7, s6;
	s7 =	sadd.s32 s31, s4;
	s5 =	ssub.s32 s5, s8  }
0xa: {  	s8 =	simm.s32 $0x80;
	s6 =	sshrl.u32 s6, $0x3;
	s5 =	smax.u32 s5, $0x1  }
0xb: {  	s7 =	sadd.s32 s9, s7;
	s9 =	simm.s32 $0x6880;
	s6 =	sadd.s32 s6, s4  }
0xc: {  	v0 =	vimm.f32 $1.000000000e+00;
	v1 =	vimm.f32 $0.0e+00;
	v2 =	vlaneseq.u32;
	s4 =	smul.u32 $0x280, s2;
	s7 =	sadd.s32 $0xC200, s7;
	s6 =	sadd.s32 $0x2400, s6  }
.LBB2_1:
0xd: {  	s15 =	simm.s32 $0x200;
	s16 =	simm.s32 $0x0  }
.LBB2_2:
0xe: {  	p0 =	sne.s32 s15, $0x9E00;
	[tilespmem:s16+$0x80] =	vst v0;
	s16 =	smov.u32 s15;
	s15 =	sadd.s32 $0x200, s15  }
.Ltmp0:
0xf: {  	(pc) =	sbr.rel @p0 .LBB2_2-.Ltmp0, $2  }
0x10: {  	_ =	sdelay $0x2  }
0x11: {  	s16 =	sshra.s32 s16, $0x2  }
0x12: {  	[tilespmem:s16+$0x80] =	vst v0;
	s15 =	simm.s32 $0x200;
	s16 =	simm.s32 $0x0  }
.LBB2_4:
0x13: {  	p0 =	sne.s32 s15, $0xFE00;
	[tilespmem:s16+$0x2880] =	vst v1;
	s16 =	smov.u32 s15;
	s15 =	sadd.s32 $0x200, s15  }
.Ltmp1:
0x14: {  	(pc) =	sbr.rel @p0 .LBB2_4-.Ltmp1, $2  }
0x15: {  	_ =	sdelay $0x2  }
0x16: {  	s16 =	sshra.s32 s16, $0x2  }
0x17: {  	s15 =	sadd.s32 $0x0, s4  }
0x18: {  	[tilespmem:s16+$0x2880] =	vst v1;
	v3 =	vor.u32 s15, v2;
	s26 =	sadd.s32 $0x70, s15  }
0x19: {  	s17 =	sadd.s32 $0x60, s15;
	[tilespmem:$0x6880] =	vst v3;
	v3 =	vor.u32 s26, v2  }
0x1a: {  	s30 =	sadd.s32 $0x30, s15;
	v4 =	vor.u32 s17, v2;
	[tilespmem:$0x68F0] =	vst v3  }
0x1b: {  	s28 =	sadd.s32 $0x50, s15;
	v5 =	vor.u32 s30, v2;
	[tilespmem:$0x68E0] =	vst v4  }
0x1c: {  	s29 =	sadd.s32 $0x40, s15;
	v3 =	vor.u32 s28, v2;
	[tilespmem:$0x68B0] =	vst v5  }
0x1d: {  	s31 =	sadd.s32 $0x20, s15;
	v4 =	vor.u32 s29, v2;
	[tilespmem:$0x68D0] =	vst v3  }
0x1e: {  	s16 =	sadd.s32 $0x10, s15;
	s15 =	simm.s32 $0x80;
	[tilespmem:$0x68C0] =	vst v4;
	v3 =	vor.u32 s31, v2  }
.LBB2_6:
0x1f: {  	p0 =	sne.s32 s15, $0x200;
	v4 =	vor.u32 s16, v2;
	[tilespmem:$0x68A0] =	vst v3  }
0x20: {  	[tilespmem:$0x6890] =	vst v4;
	[spmem:s1] =	stream.indirect.scatter [tilespmem:s10], [sflag:$0x2], $0x10, s9, s8, $0xb8  }
0x21: {  	_ =	swait.ge [sflag:s11], $0x800  }
0x22: {  	s16 =	sadd.s32 s15, s4;
	[sflag:s11] =	ssyncset.done $0x0  }
0x23: {  	v3 =	vor.u32 s16, v2;
	s17 =	sadd.s32 $0x70, s16;
	[sflag:s11] =	ssyncadd.s32 $0xFFFFF800  }
0x24: {  	s18 =	sadd.s32 $0x60, s16;
	[tilespmem:$0x6880] =	vst v3;
	v3 =	vor.u32 s17, v2  }
.Ltmp2:
0x25: {  	v4 =	vor.u32 s18, v2;
	s17 =	sadd.s32 $0x50, s16;
	[tilespmem:$0x68F0] =	vst v3;
	(pc) =	sbr.rel @p0 .LBB2_6-.Ltmp2, $4  }
0x26: {  	s18 =	sadd.s32 $0x40, s16;
	v3 =	vor.u32 s17, v2;
	[tilespmem:$0x68E0] =	vst v4  }
0x27: {  	s17 =	sadd.s32 $0x30, s16;
	v4 =	vor.u32 s18, v2;
	[tilespmem:$0x68D0] =	vst v3  }
0x28: {  	s18 =	sadd.s32 $0x20, s16;
	v5 =	vor.u32 s17, v2;
	[tilespmem:$0x68C0] =	vst v4  }
0x29: {  	s15 =	sadd.s32 $0x80, s15;
	s16 =	sadd.s32 $0x10, s16;
	v3 =	vor.u32 s18, v2;
	[tilespmem:$0x68B0] =	vst v5  }
0x2a: {  	v4 =	vor.u32 s16, v2;
	[tilespmem:$0x68A0] =	vst v3  }
0x2b: {  	[tilespmem:$0x6890] =	vst v4  }
0x2c: {  	[spmem:s1] =	stream.indirect.scatter [tilespmem:s10], [sflag:$0x2], $0x10, s9, s8, $0xb8;
	[tilespmem:$0x9100] =	vst v63  }
0x2d: {  	_ =	swait.ge [sflag:s11], $0x800  }
0x2e: {  	[sflag:s11] =	ssyncset.done $0x0  }
0x2f: {  	[sflag:s11] =	ssyncadd.s32 $0xFFFFF800  }
0x30: {  	s15 =	sadd.s32 $0x0, s6;
	[bflag:$0x0] =	sbarrier.arrive $0xFFFF  }
0x31: {  	[tilespmem:s3], [sflag:$0x2] =	stream.linear.gather [hbm4b:s15+s3], $0x50, $0x38;
	[tilespmem:$0x9100] =	vst v63  }
0x32: {  	_ =	swait.ge [sflag:s11], $0x50  }
0x33: {  	[sflag:s11] =	ssyncset.done $0x0  }
0x34: {  	[sflag:s11] =	ssyncadd.s32 $0xFFFFFFB0  }
0x35: {  	[spmem:s1] =	stream.indirect.scatter.add.f32 [tilespmem:s8], [sflag:$0x2], $0x10, s3, s12, $0xb8;
	[tilespmem:$0x9100] =	vst v63  }
0x36: {  	_ =	swait.ge [sflag:s11], $0x500  }
0x37: {  	s16 =	simm.s32 $0x14;
	s15 =	simm.s32 $0xA;
	[sflag:s11] =	ssyncset.done $0x0  }
.LBB2_8:
0x38: {  	s17 =	sadd.s32 s15, s6  }
0x39: {  	[sflag:s11] =	ssyncadd.s32 $0xFFFFFB00;
	s15 =	smov.u32 s16;
	s18 =	sadd.s32 $0xA, s16  }
0x3a: {  	[tilespmem:s3], [sflag:$0x2] =	stream.linear.gather [hbm4b:s17+s3], $0x50, $0x38;
	[tilespmem:$0x9100] =	vst v63  }
0x3b: {  	p0 =	sne.s32 s16, $0x4D8;
	_ =	swait.ge [sflag:s11], $0x50  }
.Ltmp3:
0x3c: {  	[sflag:s11] =	ssyncset.done $0x0;
	(pc) =	sbr.rel @p0 .LBB2_8-.Ltmp3, $4  }
0x3d: {  	[sflag:s11] =	ssyncadd.s32 $0xFFFFFFB0  }
0x3e: {  	[spmem:s1] =	stream.indirect.scatter.add.f32 [tilespmem:s8], [sflag:$0x2], $0x10, s3, s12, $0xb8;
	[tilespmem:$0x9100] =	vst v63  }
0x3f: {  	_ =	swait.ge [sflag:s11], $0x500  }
0x40: {  	s16 =	smov.u32 s18;
	[sflag:s11] =	ssyncset.done $0x0  }
0x41: {  	s15 =	sadd.s32 s15, s6;
	[sflag:s11] =	ssyncadd.s32 $0xFFFFFB00  }
0x42: {  	[tilespmem:s3], [sflag:$0x2] =	stream.linear.gather [hbm4b:s15+s3], $0x50, $0x38;
	[tilespmem:$0x9100] =	vst v63  }
0x43: {  	_ =	swait.ge [sflag:s11], $0x50  }
0x44: {  	[sflag:s11] =	ssyncset.done $0x0  }
0x45: {  	[sflag:s11] =	ssyncadd.s32 $0xFFFFFFB0  }
0x46: {  	[spmem:s1] =	stream.indirect.scatter.add.f32 [tilespmem:s8], [sflag:$0x2], $0x10, s3, s12, $0xb8;
	[tilespmem:$0x9100] =	vst v63  }
0x47: {  	_ =	swait.ge [sflag:s11], $0x500  }
0x48: {  	[sflag:s11] =	ssyncset.done $0x0  }
0x49: {  	s26 =	sadd.s32 $0x0, s4;
	[sflag:s11] =	ssyncadd.s32 $0xFFFFFB00  }
0x4a: {  	v3 =	vor.u32 s26, v2;
	s17 =	sadd.s32 $0x20, s26;
	[bflag:$0x0] =	sbarrier.arrive $0xFFFF  }
0x4b: {  	s30 =	sadd.s32 $0x40, s26;
	v4 =	vor.u32 s17, v2;
	[tilespmem:$0x6880] =	vst v3  }
0x4c: {  	s15 =	sadd.s32 $0x30, s26;
	v62 =	vor.u32 s30, v2;
	[tilespmem:$0x68A0] =	vst v4  }
0x4d: {  	s16 =	sadd.s32 $0x10, s26;
	v63 =	vor.u32 s15, v2;
	[tilespmem:$0x68C0] =	vst v62  }
0x4e: {  	s28 =	sadd.s32 $0x70, s26;
	v3 =	vor.u32 s16, v2;
	[tilespmem:$0x68B0] =	vst v63  }
0x4f: {  	s29 =	sadd.s32 $0x50, s26;
	[tilespmem:$0x6890] =	vst v3;
	v3 =	vor.u32 s28, v2  }
0x50: {  	s31 =	sadd.s32 $0x60, s26;
	[tilespmem:$0x68F0] =	vst v3;
	v3 =	vor.u32 s29, v2  }
0x51: {  	[tilespmem:$0x68D0] =	vst v3;
	v3 =	vor.u32 s31, v2  }
0x52: {  	s15 =	simm.s32 $0x80;
	s17 =	smov.u32 s7;
	s16 =	smov.u32 s7;
	[tilespmem:$0x68E0] =	vst v3  }
0x53: {  	[tilespmem:s10], [sflag:$0x1] =	stream.indirect.gather [spmem:s1], $0x10, s9, s8, $0xb8;
	[tilespmem:$0x9100] =	vst v63  }
.LBB2_10:
0x54: {  	p0 =	sne.s32 s15, $0x200;
	_ =	swait.ge [sflag:s13], $0x800;
	s17 =	sadd.s32 $0x800, s17  }
0x55: {  	s18 =	smov.u32 s15;
	s15 =	sadd.s32 $0x80, s15;
	[sflag:s13] =	ssyncset.done $0x0  }
0x56: {  	[sflag:s13] =	ssyncadd.s32 $0xFFFFF800  }
0x57: {  	[hbm4b:s16+s3] =	stream.linear.scatter [tilespmem:s10], [sflag:$0x2], $0x4000, $0x38;
	[tilespmem:$0x9100] =	vst v63  }
0x58: {  	s16 =	smov.u32 s17;
	_ =	swait.ge [sflag:s11], $0x4000  }
0x59: {  	s18 =	sadd.s32 s18, s4;
	[sflag:s11] =	ssyncset.done $0x0  }
0x5a: {  	v3 =	vor.u32 s18, v2;
	s19 =	sadd.s32 $0x10, s18;
	s20 =	sadd.s32 $0x20, s18;
	[sflag:s11] =	ssyncadd.s32 $0xFFFFC000  }
0x5b: {  	s21 =	sadd.s32 $0x70, s18;
	v4 =	vor.u32 s20, v2;
	s20 =	sadd.s32 $0x50, s18;
	[tilespmem:$0x6880] =	vst v3;
	v3 =	vor.u32 s19, v2;
	s19 =	sadd.s32 $0x40, s18  }
0x5c: {  	s22 =	sadd.s32 $0x30, s18;
	v6 =	vor.u32 s21, v2;
	v5 =	vor.u32 s20, v2;
	s18 =	sadd.s32 $0x60, s18;
	[tilespmem:$0x6890] =	vst v3;
	v3 =	vor.u32 s19, v2  }
0x5d: {  	v7 =	vor.u32 s22, v2;
	v8 =	vor.u32 s18, v2;
	[tilespmem:$0x68F0] =	vst v6  }
0x5e: {  	[tilespmem:$0x68A0] =	vst v4  }
.Ltmp4:
0x5f: {  	[tilespmem:$0x68D0] =	vst v5;
	(pc) =	sbr.rel @p0 .LBB2_10-.Ltmp4, $4  }
0x60: {  	[tilespmem:$0x68C0] =	vst v3  }
0x61: {  	[tilespmem:$0x68E0] =	vst v8  }
0x62: {  	[tilespmem:$0x68B0] =	vst v7  }
0x63: {  	[tilespmem:s10], [sflag:$0x1] =	stream.indirect.gather [spmem:s1], $0x10, s9, s8, $0xb8;
	[tilespmem:$0x9100] =	vst v63  }
0x64: {  	_ =	swait.ge [sflag:s13], $0x800;
	s14 =	sadd.s32 $0x1, s14  }
0x65: {  	[sflag:s13] =	ssyncset.done $0x0;
	p0 =	sne.s32 s14, s5  }
.Ltmp5:
0x66: {  	[sflag:s13] =	ssyncadd.s32 $0xFFFFF800;
	(pc) =	sbr.rel @p0 .LBB2_1-.Ltmp5, $4  }
0x67: {  	[hbm4b:s16+s3] =	stream.linear.scatter [tilespmem:s10], [sflag:$0x2], $0x4000, $0x38;
	[tilespmem:$0x9100] =	vst v63  }
0x68: {  	_ =	swait.ge [sflag:s11], $0x4000  }
0x69: {  	[sflag:s11] =	ssyncset.done $0x0  }
0x6a: {  	[sflag:s11] =	ssyncadd.s32 $0xFFFFC000  }
0x6b: {  	_ =	sfence.sel $0x180000  }
0x6c: {  	[bflag:$0x0] =	sbarrier.arrive $0xFFFF  }
0x6d: {  	p0 =	sne.s32 s2, $0x0;
	_ =	strace $0x90000047  }
0x6e: {  	s0 =	sadd.s32 @!p0 $0x100000, s0;
	[bflag:$0x2] =	sbarrier.arrive $0xFFFF  }
0x6f: {  	[sflag:s0] =	ssyncadd.tile.s32 @!p0 $0x1;
	_ =	shalt  }
.Lfunc_end2:
_tile_overlayer_lowered:
.L_overlay_start_2:
0x70: {  	(tag) =	ssettag $0x2  }
0x71: {  	s0 =	rddreg [dreg:$0x0];
	s2 =	stileid.u32  }
0x72: {  	s1 =	rddreg [dreg:$0x1];
	p0 =	sne.s32 s2, $0x0  }
0x73: {  	s3 =	rddreg [dreg:$0x2];
	[bflag:$0x3] =	sbarrier.arrive $0xFFFF;
	s2 =	simm.s32 @!p0 $0x1C02  }
0x74: {  	[timem:s3], [sflag:s2] =	dma.local @!p0 [hbm:s0], s1  }
0x75: {  	s0 =	simm.s32 @!p0 $0x2  }
0x76: {  	_ =	swait.ge @!p0 [sflag:s0], s1  }
0x77: {  	s1 =	ssub.s32 @!p0 $0x0, s1;
	[sflag:s0] =	ssyncset.done @!p0 $0x0  }
0x78: {  	[sflag:s0] =	ssyncadd.s32 @!p0 s1  }
0x79: {  	[bflag:$0x3] =	sbarrier.arrive $0xFFFF  }
0x7a: {  	_ =	shalt  }

</sc_bundles>
